<compile_context>
chip_gen: v7x
topology: tpu7x:2x2x1
jax: 0.10.2.dev20260603
libtpu: 0.0.44.dev20260713+nightly
codegen_flags: <defaults>
</compile_context>

<pallas_src>
import functools

import jax
import jax.numpy as jnp
from jax import lax
from jax.experimental import pallas as pl
from jax.experimental.pallas import tpu as pltpu
from jax.experimental.pallas import tpu_sc as plsc

NC = 2
NS = 16
NW = NC * NS
L = 16

CHUNK = 128
LINE = 128
TAIL_LINES = 8


def _mf_kernel(b_per_w, n_feats, n_lines, tail_start):
    mesh = plsc.VectorSubcoreMesh(core_axis_name="c", subcore_axis_name="s")
    B = b_per_w * NW
    n_chunks = b_per_w // CHUNK

    @functools.partial(
        pl.kernel,
        mesh=mesh,
        compiler_params=pltpu.CompilerParams(needs_layout_passes=False),
        out_type=jax.ShapeDtypeStruct((B,), jnp.float32),
        scratch_types=[
            pltpu.VMEM((b_per_w,), jnp.int32),
            pltpu.VMEM((b_per_w,), jnp.int32),
            pltpu.VMEM((CHUNK,), jnp.int32),
            pltpu.VMEM((CHUNK,), jnp.int32),
            pltpu.VMEM((CHUNK,), jnp.int32),
            pltpu.VMEM((CHUNK,), jnp.int32),
            pltpu.VMEM((CHUNK, LINE), jnp.float32),
            pltpu.VMEM((CHUNK, LINE), jnp.float32),
            pltpu.VMEM((CHUNK, LINE), jnp.float32),
            pltpu.VMEM((CHUNK, LINE), jnp.float32),
            pltpu.VMEM((TAIL_LINES, LINE), jnp.float32),
            pltpu.VMEM((TAIL_LINES, LINE), jnp.float32),
            pltpu.VMEM((n_feats, b_per_w), jnp.float32),
            pltpu.VMEM((n_feats, b_per_w), jnp.float32),
            pltpu.VMEM((b_per_w,), jnp.float32),
            pltpu.SemaphoreType.DMA,
        ],
    )
    def k(uraw_hbm, iraw_hbm, ubl_hbm, ibl_hbm, ubt_hbm, ibt_hbm,
          uvt_hbm, ivt_hbm, out_hbm,
          uraw_v, iraw_v, ul0_v, ul1_v, il0_v, il1_v,
          ubs0_v, ubs1_v, ibs0_v, ibs1_v, ubt_v, ibt_v,
          us_v, is_v, out_v, sem):
        ul_b = (ul0_v, ul1_v)
        il_b = (il0_v, il1_v)
        ubs_b = (ubs0_v, ubs1_v)
        ibs_b = (ibs0_v, ibs1_v)
        wid = lax.axis_index("s") * NC + lax.axis_index("c")
        base = wid * b_per_w
        wsl = pl.ds(base, b_per_w)

        rows_cp = [
            pltpu.async_copy(uvt_hbm.at[:, wsl], us_v, sem),
            pltpu.async_copy(ivt_hbm.at[:, wsl], is_v, sem),
        ]
        pltpu.sync_copy(ubt_hbm, ubt_v)
        pltpu.sync_copy(ibt_hbm, ibt_v)
        pltpu.sync_copy(uraw_hbm.at[wsl], uraw_v)
        pltpu.sync_copy(iraw_hbm.at[wsl], iraw_v)

        lane = lax.broadcasted_iota(jnp.int32, (L,), 0)

        def build_lines(j, buf):
            def lines(g, _, _j=j, _buf=buf):
                gsl = pl.ds(g * L, L)
                csl = pl.ds(_j * CHUNK + g * L, L)
                ul_b[_buf][gsl] = jnp.minimum(uraw_v[csl] >> 7, n_lines - 1)
                il_b[_buf][gsl] = jnp.minimum(iraw_v[csl] >> 7, n_lines - 1)
                return _
            lax.fori_loop(0, CHUNK // L, lines, None)

        def fire(buf):
            return [
                pltpu.async_copy(ubl_hbm.at[ul_b[buf]], ubs_b[buf], sem),
                pltpu.async_copy(ibl_hbm.at[il_b[buf]], ibs_b[buf], sem),
            ]

        build_lines(0, 0)
        pending = fire(0) + rows_cp

        for j in range(n_chunks):
            buf = j % 2
            if j + 1 < n_chunks:
                build_lines(j + 1, 1 - buf)
            for c in pending:
                c.wait()
            if j + 1 < n_chunks:
                pending = fire(1 - buf)

            def compute(g, _, _j=j, _buf=buf):
                gsl = pl.ds(g * L, L)
                bsl = pl.ds(_j * CHUNK + g * L, L)
                rows = g * L + lane
                ur = uraw_v[bsl]
                ir = iraw_v[bsl]
                ubv = plsc.load_gather(ubs_b[_buf], [rows, ur & (LINE - 1)])
                ibv = plsc.load_gather(ibs_b[_buf], [rows, ir & (LINE - 1)])
                ud = jnp.maximum(ur - tail_start, 0)
                idd = jnp.maximum(ir - tail_start, 0)
                ut = plsc.load_gather(ubt_v, [ud >> 7, ud & (LINE - 1)])
                it = plsc.load_gather(ibt_v, [idd >> 7, idd & (LINE - 1)])
                acc = (jnp.where(ur >= tail_start, ut, ubv)
                       + jnp.where(ir >= tail_start, it, ibv))
                for f in range(n_feats):
                    acc = acc + us_v[f, bsl] * is_v[f, bsl]
                out_v[bsl] = acc
                return _

            lax.fori_loop(0, CHUNK // L, compute, None)

        pltpu.sync_copy(out_v, out_hbm.at[wsl])

    return k


def kernel(user, item, u_bias, i_bias, u_embed, i_embed):
    B = user.shape[0]
    n_rows, n_feats = u_embed.shape
    b_per_w = B // NW

    user = user.astype(jnp.int32)
    item = item.astype(jnp.int32)

    uvt = jnp.take(u_embed, user, axis=0).T
    ivt = jnp.take(i_embed, item, axis=0).T

    tail_start = n_rows - TAIL_LINES * LINE
    n_lines = -(-(tail_start + 1) // LINE)
    n_lines = -(-n_lines // 8) * 8
    ubl = u_bias[:n_lines * LINE].reshape(n_lines, LINE)
    ibl = i_bias[:n_lines * LINE].reshape(n_lines, LINE)
    ubt = u_bias[tail_start:].reshape(TAIL_LINES, LINE)
    ibt = i_bias[tail_start:].reshape(TAIL_LINES, LINE)

    k = _mf_kernel(b_per_w, n_feats, n_lines, tail_start)
    return k(user, item, ubl, ibl, ubt, ibt, uvt, ivt)

# --- scband reference (transcript-rebuilt; emitter-appended) ---
"""Pipeline reference for scband-mfnet-16552803958784 (READ-ONLY COPY).

The authoritative reference and input builder live on the scoring server;
editing this copy changes nothing except your own understanding.
"""

import jax, jax.numpy as jnp
import numpy as np

N_USERS = 1000000
N_ITEMS = 1000000
N_FEATS = 16
BATCH = 16384


def setup_inputs(seed: int = 0) -> dict:
    key = jax.random.key(seed)
    ks = jax.random.split(key, 6)
    user = jax.random.randint(ks[0], (BATCH,), 0, N_USERS)
    item = jax.random.randint(ks[1], (BATCH,), 0, N_ITEMS)
    # Mimic MFNet init: bias weights scaled by 0.05 then squared; embeds scaled by 0.05
    u_bias = jnp.square(jax.random.normal(ks[2], (N_USERS, 1), dtype=jnp.float32) * 0.05)
    i_bias = jnp.square(jax.random.normal(ks[3], (N_ITEMS, 1), dtype=jnp.float32) * 0.05)
    u_embed = jax.random.normal(ks[4], (N_USERS, N_FEATS), dtype=jnp.float32) * 0.05
    i_embed = jax.random.normal(ks[5], (N_ITEMS, N_FEATS), dtype=jnp.float32) * 0.05
    return {
        "user": user,
        "item": item,
        "u_bias": u_bias,
        "i_bias": i_bias,
        "u_embed": u_embed,
        "i_embed": i_embed,
    }


def reference(user, item, u_bias, i_bias, u_embed, i_embed):
    ub = jnp.take(u_bias, user, axis=0).reshape(user.shape)
    ib = jnp.take(i_bias, item, axis=0).reshape(item.shape)
    uvec = jnp.take(u_embed, user, axis=0)
    ivec = jnp.take(i_embed, item, axis=0)
    ips = jnp.sum(uvec * ivec, axis=-1)
    score = ub + ib + ips
    return score

if __name__ == "__main__":
    import jax
    _d = setup_inputs()
    print(jax.jit(kernel)(*tuple(_d.values())))

</pallas_src>

<mosaic_0001>
#map = affine_map<(d0, d1) -> (0)>
#map1 = affine_map<(d0, d1) -> (0, 0)>
module attributes {stable_mosaic.version = 14 : i64} {
  func.func @k(%arg0: i32, %arg1: i32, %arg2: memref<16384xi32, #tpu.memory_space<hbm>>, %arg3: memref<16384xi32, #tpu.memory_space<hbm>>, %arg4: memref<7808x128xf32, #tpu.memory_space<hbm>>, %arg5: memref<7808x128xf32, #tpu.memory_space<hbm>>, %arg6: memref<8x128xf32, #tpu.memory_space<hbm>>, %arg7: memref<8x128xf32, #tpu.memory_space<hbm>>, %arg8: memref<16x16384xf32, #tpu.memory_space<hbm>>, %arg9: memref<16x16384xf32, #tpu.memory_space<hbm>>, %arg10: memref<16384xf32, #tpu.memory_space<hbm>>, %arg11: memref<512xi32, #tpu.memory_space<vmem>>, %arg12: memref<512xi32, #tpu.memory_space<vmem>>, %arg13: memref<128xi32, #tpu.memory_space<vmem>>, %arg14: memref<128xi32, #tpu.memory_space<vmem>>, %arg15: memref<128xi32, #tpu.memory_space<vmem>>, %arg16: memref<128xi32, #tpu.memory_space<vmem>>, %arg17: memref<128x128xf32, #tpu.memory_space<vmem>>, %arg18: memref<128x128xf32, #tpu.memory_space<vmem>>, %arg19: memref<128x128xf32, #tpu.memory_space<vmem>>, %arg20: memref<128x128xf32, #tpu.memory_space<vmem>>, %arg21: memref<8x128xf32, #tpu.memory_space<vmem>>, %arg22: memref<8x128xf32, #tpu.memory_space<vmem>>, %arg23: memref<16x512xf32, #tpu.memory_space<vmem>>, %arg24: memref<16x512xf32, #tpu.memory_space<vmem>>, %arg25: memref<512xf32, #tpu.memory_space<vmem>>, %arg26: memref<!tpu.dma_semaphore, #tpu.memory_space<semaphore_mem>>) attributes {dimension_semantics = [#tpu.dimension_semantics<core_parallel>, #tpu.dimension_semantics<subcore_parallel>], iteration_bounds = array<i64: 2, 16>, scalar_prefetch = 0 : i64, scratch_operands = 16 : i64, tpu.core_type = #tpu.core_type<sc_vector_subcore>, window_params = [{transform_indices = #map}, {transform_indices = #map}, {transform_indices = #map1}, {transform_indices = #map1}, {transform_indices = #map1}, {transform_indices = #map1}, {transform_indices = #map1}, {transform_indices = #map1}, {transform_indices = #map}]} {
    %mul3A = arith.constant 2 : i32
    %mul3A_0 = arith.muli %arg1, %mul3A : i32
    %add3A = arith.addi %mul3A_0, %arg0 : i32
    %mul3A_1 = arith.constant 512 : i32
    %mul3A_2 = arith.muli %add3A, %mul3A_1 : i32
    %dma_start3A = arith.constant 0 : i32
    %dma_start3A_3 = tpu.memref_slice %arg8[%dma_start3A, %mul3A_2] : memref<16x16384xf32, #tpu.memory_space<hbm>> -> memref<16x512xf32, #tpu.memory_space<hbm>>
    %dma_start3A_4 = arith.constant 0 : i32
    %dma_start3A_5 = tpu.memref_slice %arg8[%dma_start3A_4, %mul3A_2] : memref<16x16384xf32, #tpu.memory_space<hbm>> -> memref<16x512xf32, #tpu.memory_space<hbm>>
    tpu.enqueue_dma source(%dma_start3A_5 : memref<16x512xf32, #tpu.memory_space<hbm>>) target(%arg23 : memref<16x512xf32, #tpu.memory_space<vmem>>) target_semaphore(%arg26 : memref<!tpu.dma_semaphore, #tpu.memory_space<semaphore_mem>>)
    %dma_start3A_6 = arith.constant 0 : i32
    %dma_start3A_7 = tpu.memref_slice %arg9[%dma_start3A_6, %mul3A_2] : memref<16x16384xf32, #tpu.memory_space<hbm>> -> memref<16x512xf32, #tpu.memory_space<hbm>>
    %dma_start3A_8 = arith.constant 0 : i32
    %dma_start3A_9 = tpu.memref_slice %arg9[%dma_start3A_8, %mul3A_2] : memref<16x16384xf32, #tpu.memory_space<hbm>> -> memref<16x512xf32, #tpu.memory_space<hbm>>
    tpu.enqueue_dma source(%dma_start3A_9 : memref<16x512xf32, #tpu.memory_space<hbm>>) target(%arg24 : memref<16x512xf32, #tpu.memory_space<vmem>>) target_semaphore(%arg26 : memref<!tpu.dma_semaphore, #tpu.memory_space<semaphore_mem>>)
    "tpu.region"() ({
      %run_scoped3A = tpu.sem_alloc : memref<!tpu.dma_semaphore, #tpu.memory_space<semaphore_mem>>
      tpu.enqueue_dma source(%arg6 : memref<8x128xf32, #tpu.memory_space<hbm>>) target(%arg21 : memref<8x128xf32, #tpu.memory_space<vmem>>) target_semaphore(%run_scoped3A : memref<!tpu.dma_semaphore, #tpu.memory_space<semaphore_mem>>)
      tpu.wait_dma2 semaphore(%run_scoped3A : memref<!tpu.dma_semaphore, #tpu.memory_space<semaphore_mem>>) src(%arg6 : memref<8x128xf32, #tpu.memory_space<hbm>>) dst(%arg21 : memref<8x128xf32, #tpu.memory_space<vmem>>)
      tpu.yield
    }) : () -> ()
    "tpu.region"() ({
      %run_scoped3A = tpu.sem_alloc : memref<!tpu.dma_semaphore, #tpu.memory_space<semaphore_mem>>
      tpu.enqueue_dma source(%arg7 : memref<8x128xf32, #tpu.memory_space<hbm>>) target(%arg22 : memref<8x128xf32, #tpu.memory_space<vmem>>) target_semaphore(%run_scoped3A : memref<!tpu.dma_semaphore, #tpu.memory_space<semaphore_mem>>)
      tpu.wait_dma2 semaphore(%run_scoped3A : memref<!tpu.dma_semaphore, #tpu.memory_space<semaphore_mem>>) src(%arg7 : memref<8x128xf32, #tpu.memory_space<hbm>>) dst(%arg22 : memref<8x128xf32, #tpu.memory_space<vmem>>)
      tpu.yield
    }) : () -> ()
    "tpu.region"() ({
      %run_scoped3A = tpu.sem_alloc : memref<!tpu.dma_semaphore, #tpu.memory_space<semaphore_mem>>
      %dma_start3A_104 = tpu.memref_slice %arg2[%mul3A_2] : memref<16384xi32, #tpu.memory_space<hbm>> -> memref<512xi32, #tpu.memory_space<hbm>>
      %dma_start3A_105 = tpu.memref_slice %arg2[%mul3A_2] : memref<16384xi32, #tpu.memory_space<hbm>> -> memref<512xi32, #tpu.memory_space<hbm>>
      tpu.enqueue_dma source(%dma_start3A_105 : memref<512xi32, #tpu.memory_space<hbm>>) target(%arg11 : memref<512xi32, #tpu.memory_space<vmem>>) target_semaphore(%run_scoped3A : memref<!tpu.dma_semaphore, #tpu.memory_space<semaphore_mem>>)
      %dma_wait3A_106 = tpu.memref_slice %arg2[%mul3A_2] : memref<16384xi32, #tpu.memory_space<hbm>> -> memref<512xi32, #tpu.memory_space<hbm>>
      %dma_wait3A_107 = tpu.memref_slice %arg2[%mul3A_2] : memref<16384xi32, #tpu.memory_space<hbm>> -> memref<512xi32, #tpu.memory_space<hbm>>
      tpu.wait_dma2 semaphore(%run_scoped3A : memref<!tpu.dma_semaphore, #tpu.memory_space<semaphore_mem>>) src(%dma_wait3A_107 : memref<512xi32, #tpu.memory_space<hbm>>) dst(%arg11 : memref<512xi32, #tpu.memory_space<vmem>>)
      tpu.yield
    }) : () -> ()
    "tpu.region"() ({
      %run_scoped3A = tpu.sem_alloc : memref<!tpu.dma_semaphore, #tpu.memory_space<semaphore_mem>>
      %dma_start3A_104 = tpu.memref_slice %arg3[%mul3A_2] : memref<16384xi32, #tpu.memory_space<hbm>> -> memref<512xi32, #tpu.memory_space<hbm>>
      %dma_start3A_105 = tpu.memref_slice %arg3[%mul3A_2] : memref<16384xi32, #tpu.memory_space<hbm>> -> memref<512xi32, #tpu.memory_space<hbm>>
      tpu.enqueue_dma source(%dma_start3A_105 : memref<512xi32, #tpu.memory_space<hbm>>) target(%arg12 : memref<512xi32, #tpu.memory_space<vmem>>) target_semaphore(%run_scoped3A : memref<!tpu.dma_semaphore, #tpu.memory_space<semaphore_mem>>)
      %dma_wait3A_106 = tpu.memref_slice %arg3[%mul3A_2] : memref<16384xi32, #tpu.memory_space<hbm>> -> memref<512xi32, #tpu.memory_space<hbm>>
      %dma_wait3A_107 = tpu.memref_slice %arg3[%mul3A_2] : memref<16384xi32, #tpu.memory_space<hbm>> -> memref<512xi32, #tpu.memory_space<hbm>>
      tpu.wait_dma2 semaphore(%run_scoped3A : memref<!tpu.dma_semaphore, #tpu.memory_space<semaphore_mem>>) src(%dma_wait3A_107 : memref<512xi32, #tpu.memory_space<hbm>>) dst(%arg12 : memref<512xi32, #tpu.memory_space<vmem>>)
      tpu.yield
    }) : () -> ()
    %iota3A = tpu.iota {dimensions = array<i32: 0>} : vector<16xi32>
    %scan3A = arith.constant 0 : i32
    %scan3A_10 = arith.constant 8 : i32
    %scan3A_11 = arith.addi %scan3A, %scan3A_10 : i32
    %scan3A_12 = arith.constant 1 : i32
    scf.for %scan3A_104 = %scan3A to %scan3A_11 step %scan3A_12  : i32 {
      %mul3A_105 = arith.constant 16 : i32
      %mul3A_106 = arith.muli %scan3A_104, %mul3A_105 : i32
      %mul3A_107 = arith.constant 16 : i32
      %mul3A_108 = arith.muli %scan3A_104, %mul3A_107 : i32
      %add3A_109 = arith.constant 0 : i32
      %add3A_110 = arith.addi %add3A_109, %mul3A_108 : i32
      %get3A = arith.index_cast %add3A_110 : i32 to index
      %get3A_111 = tpu.vector_load %arg11[%get3A] {strides = array<i32>} : memref<512xi32, #tpu.memory_space<vmem>>, vector<16xi32>,
      %shift_right_arithmetic3A = arith.constant 7 : i32
      %shift_right_arithmetic3A_112 = vector.broadcast %shift_right_arithmetic3A : i32 to vector<16xi32>
      %shift_right_arithmetic3A_113 = arith.shrsi %get3A_111, %shift_right_arithmetic3A_112 : vector<16xi32>
      %min3A = arith.constant 7807 : i32
      %min3A_114 = vector.broadcast %min3A : i32 to vector<16xi32>
      %min3A_115 = arith.minsi %shift_right_arithmetic3A_113, %min3A_114 : vector<16xi32>
      %swap3A = arith.index_cast %mul3A_106 : i32 to index
      %swap3A_116 = tpu.vector_load %arg13[%swap3A] {strides = array<i32>} : memref<128xi32, #tpu.memory_space<vmem>>, vector<16xi32>,
      tpu.vector_store %arg13[%swap3A], %min3A_115 {strides = array<i32>} : memref<128xi32, #tpu.memory_space<vmem>>, vector<16xi32>,
      %get3A_117 = arith.index_cast %add3A_110 : i32 to index
      %get3A_118 = tpu.vector_load %arg12[%get3A_117] {strides = array<i32>} : memref<512xi32, #tpu.memory_space<vmem>>, vector<16xi32>,
      %shift_right_arithmetic3A_119 = arith.constant 7 : i32
      %shift_right_arithmetic3A_120 = vector.broadcast %shift_right_arithmetic3A_119 : i32 to vector<16xi32>
      %shift_right_arithmetic3A_121 = arith.shrsi %get3A_118, %shift_right_arithmetic3A_120 : vector<16xi32>
      %min3A_122 = arith.constant 7807 : i32
      %min3A_123 = vector.broadcast %min3A_122 : i32 to vector<16xi32>
      %min3A_124 = arith.minsi %shift_right_arithmetic3A_121, %min3A_123 : vector<16xi32>
      %swap3A_125 = arith.index_cast %mul3A_106 : i32 to index
      %swap3A_126 = tpu.vector_load %arg15[%swap3A_125] {strides = array<i32>} : memref<128xi32, #tpu.memory_space<vmem>>, vector<16xi32>,
      tpu.vector_store %arg15[%swap3A_125], %min3A_124 {strides = array<i32>} : memref<128xi32, #tpu.memory_space<vmem>>, vector<16xi32>,
    }
    %scan3A_13 = arith.constant 8 : i32
    %dma_start3A_14 = arith.constant 0 : i32
    %dma_start3A_15 = arith.constant 0 : i32
    %dma_start3A_16 = tpu.memref_slice %arg4[%dma_start3A_14, %dma_start3A_15] : memref<7808x128xf32, #tpu.memory_space<hbm>> -> memref<7808x128xf32, #tpu.memory_space<hbm>>
    tpu.enqueue_indirect_dma source(%dma_start3A_16 : memref<7808x128xf32, #tpu.memory_space<hbm>>) target(%arg17 : memref<128x128xf32, #tpu.memory_space<vmem>>) offsets(%arg13 : memref<128xi32, #tpu.memory_space<vmem>>) semaphore(%arg26 : memref<!tpu.dma_semaphore, #tpu.memory_space<semaphore_mem>>)
    %dma_start3A_17 = arith.constant 0 : i32
    %dma_start3A_18 = arith.constant 0 : i32
    %dma_start3A_19 = tpu.memref_slice %arg5[%dma_start3A_17, %dma_start3A_18] : memref<7808x128xf32, #tpu.memory_space<hbm>> -> memref<7808x128xf32, #tpu.memory_space<hbm>>
    tpu.enqueue_indirect_dma source(%dma_start3A_19 : memref<7808x128xf32, #tpu.memory_space<hbm>>) target(%arg19 : memref<128x128xf32, #tpu.memory_space<vmem>>) offsets(%arg15 : memref<128xi32, #tpu.memory_space<vmem>>) semaphore(%arg26 : memref<!tpu.dma_semaphore, #tpu.memory_space<semaphore_mem>>)
    %scan3A_20 = arith.constant 0 : i32
    %scan3A_21 = arith.constant 8 : i32
    %scan3A_22 = arith.addi %scan3A_20, %scan3A_21 : i32
    %scan3A_23 = arith.constant 1 : i32
    scf.for %scan3A_104 = %scan3A_20 to %scan3A_22 step %scan3A_23  : i32 {
      %mul3A_105 = arith.constant 16 : i32
      %mul3A_106 = arith.muli %scan3A_104, %mul3A_105 : i32
      %mul3A_107 = arith.constant 16 : i32
      %mul3A_108 = arith.muli %scan3A_104, %mul3A_107 : i32
      %add3A_109 = arith.constant 128 : i32
      %add3A_110 = arith.addi %add3A_109, %mul3A_108 : i32
      %get3A = arith.index_cast %add3A_110 : i32 to index
      %get3A_111 = tpu.vector_load %arg11[%get3A] {strides = array<i32>} : memref<512xi32, #tpu.memory_space<vmem>>, vector<16xi32>,
      %shift_right_arithmetic3A = arith.constant 7 : i32
      %shift_right_arithmetic3A_112 = vector.broadcast %shift_right_arithmetic3A : i32 to vector<16xi32>
      %shift_right_arithmetic3A_113 = arith.shrsi %get3A_111, %shift_right_arithmetic3A_112 : vector<16xi32>
      %min3A = arith.constant 7807 : i32
      %min3A_114 = vector.broadcast %min3A : i32 to vector<16xi32>
      %min3A_115 = arith.minsi %shift_right_arithmetic3A_113, %min3A_114 : vector<16xi32>
      %swap3A = arith.index_cast %mul3A_106 : i32 to index
      %swap3A_116 = tpu.vector_load %arg14[%swap3A] {strides = array<i32>} : memref<128xi32, #tpu.memory_space<vmem>>, vector<16xi32>,
      tpu.vector_store %arg14[%swap3A], %min3A_115 {strides = array<i32>} : memref<128xi32, #tpu.memory_space<vmem>>, vector<16xi32>,
      %get3A_117 = arith.index_cast %add3A_110 : i32 to index
      %get3A_118 = tpu.vector_load %arg12[%get3A_117] {strides = array<i32>} : memref<512xi32, #tpu.memory_space<vmem>>, vector<16xi32>,
      %shift_right_arithmetic3A_119 = arith.constant 7 : i32
      %shift_right_arithmetic3A_120 = vector.broadcast %shift_right_arithmetic3A_119 : i32 to vector<16xi32>
      %shift_right_arithmetic3A_121 = arith.shrsi %get3A_118, %shift_right_arithmetic3A_120 : vector<16xi32>
      %min3A_122 = arith.constant 7807 : i32
      %min3A_123 = vector.broadcast %min3A_122 : i32 to vector<16xi32>
      %min3A_124 = arith.minsi %shift_right_arithmetic3A_121, %min3A_123 : vector<16xi32>
      %swap3A_125 = arith.index_cast %mul3A_106 : i32 to index
      %swap3A_126 = tpu.vector_load %arg16[%swap3A_125] {strides = array<i32>} : memref<128xi32, #tpu.memory_space<vmem>>, vector<16xi32>,
      tpu.vector_store %arg16[%swap3A_125], %min3A_124 {strides = array<i32>} : memref<128xi32, #tpu.memory_space<vmem>>, vector<16xi32>,
    }
    %scan3A_24 = arith.constant 8 : i32
    %dma_wait3A = arith.constant 0 : i32
    %dma_wait3A_25 = arith.constant 0 : i32
    %dma_wait3A_26 = tpu.memref_slice %arg4[%dma_wait3A, %dma_wait3A_25] : memref<7808x128xf32, #tpu.memory_space<hbm>> -> memref<7808x128xf32, #tpu.memory_space<hbm>>
    tpu.wait_indirect_dma semaphore(%arg26 : memref<!tpu.dma_semaphore, #tpu.memory_space<semaphore_mem>>) src(%dma_wait3A_26 : memref<7808x128xf32, #tpu.memory_space<hbm>>) dst(%arg17 : memref<128x128xf32, #tpu.memory_space<vmem>>)
    %dma_wait3A_27 = arith.constant 0 : i32
    %dma_wait3A_28 = arith.constant 0 : i32
    %dma_wait3A_29 = tpu.memref_slice %arg5[%dma_wait3A_27, %dma_wait3A_28] : memref<7808x128xf32, #tpu.memory_space<hbm>> -> memref<7808x128xf32, #tpu.memory_space<hbm>>
    tpu.wait_indirect_dma semaphore(%arg26 : memref<!tpu.dma_semaphore, #tpu.memory_space<semaphore_mem>>) src(%dma_wait3A_29 : memref<7808x128xf32, #tpu.memory_space<hbm>>) dst(%arg19 : memref<128x128xf32, #tpu.memory_space<vmem>>)
    %dma_wait3A_30 = arith.constant 0 : i32
    %dma_wait3A_31 = tpu.memref_slice %arg8[%dma_wait3A_30, %mul3A_2] : memref<16x16384xf32, #tpu.memory_space<hbm>> -> memref<16x512xf32, #tpu.memory_space<hbm>>
    %dma_wait3A_32 = arith.constant 0 : i32
    %dma_wait3A_33 = tpu.memref_slice %arg8[%dma_wait3A_32, %mul3A_2] : memref<16x16384xf32, #tpu.memory_space<hbm>> -> memref<16x512xf32, #tpu.memory_space<hbm>>
    tpu.wait_dma2 semaphore(%arg26 : memref<!tpu.dma_semaphore, #tpu.memory_space<semaphore_mem>>) src(%dma_wait3A_33 : memref<16x512xf32, #tpu.memory_space<hbm>>) dst(%arg23 : memref<16x512xf32, #tpu.memory_space<vmem>>)
    %dma_wait3A_34 = arith.constant 0 : i32
    %dma_wait3A_35 = tpu.memref_slice %arg9[%dma_wait3A_34, %mul3A_2] : memref<16x16384xf32, #tpu.memory_space<hbm>> -> memref<16x512xf32, #tpu.memory_space<hbm>>
    %dma_wait3A_36 = arith.constant 0 : i32
    %dma_wait3A_37 = tpu.memref_slice %arg9[%dma_wait3A_36, %mul3A_2] : memref<16x16384xf32, #tpu.memory_space<hbm>> -> memref<16x512xf32, #tpu.memory_space<hbm>>
    tpu.wait_dma2 semaphore(%arg26 : memref<!tpu.dma_semaphore, #tpu.memory_space<semaphore_mem>>) src(%dma_wait3A_37 : memref<16x512xf32, #tpu.memory_space<hbm>>) dst(%arg24 : memref<16x512xf32, #tpu.memory_space<vmem>>)
    %dma_start3A_38 = arith.constant 0 : i32
    %dma_start3A_39 = arith.constant 0 : i32
    %dma_start3A_40 = tpu.memref_slice %arg4[%dma_start3A_38, %dma_start3A_39] : memref<7808x128xf32, #tpu.memory_space<hbm>> -> memref<7808x128xf32, #tpu.memory_space<hbm>>
    tpu.enqueue_indirect_dma source(%dma_start3A_40 : memref<7808x128xf32, #tpu.memory_space<hbm>>) target(%arg18 : memref<128x128xf32, #tpu.memory_space<vmem>>) offsets(%arg14 : memref<128xi32, #tpu.memory_space<vmem>>) semaphore(%arg26 : memref<!tpu.dma_semaphore, #tpu.memory_space<semaphore_mem>>)
    %dma_start3A_41 = arith.constant 0 : i32
    %dma_start3A_42 = arith.constant 0 : i32
    %dma_start3A_43 = tpu.memref_slice %arg5[%dma_start3A_41, %dma_start3A_42] : memref<7808x128xf32, #tpu.memory_space<hbm>> -> memref<7808x128xf32, #tpu.memory_space<hbm>>
    tpu.enqueue_indirect_dma source(%dma_start3A_43 : memref<7808x128xf32, #tpu.memory_space<hbm>>) target(%arg20 : memref<128x128xf32, #tpu.memory_space<vmem>>) offsets(%arg16 : memref<128xi32, #tpu.memory_space<vmem>>) semaphore(%arg26 : memref<!tpu.dma_semaphore, #tpu.memory_space<semaphore_mem>>)
    %scan3A_44 = arith.constant 0 : i32
    %scan3A_45 = arith.constant 8 : i32
    %scan3A_46 = arith.addi %scan3A_44, %scan3A_45 : i32
    %scan3A_47 = arith.constant 1 : i32
    scf.for %scan3A_104 = %scan3A_44 to %scan3A_46 step %scan3A_47  : i32 {
      %mul3A_105 = arith.constant 16 : i32
      %mul3A_106 = arith.muli %scan3A_104, %mul3A_105 : i32
      %mul3A_107 = arith.constant 16 : i32
      %mul3A_108 = arith.muli %scan3A_104, %mul3A_107 : i32
      %add3A_109 = arith.constant 0 : i32
      %add3A_110 = arith.addi %add3A_109, %mul3A_108 : i32
      %mul3A_111 = arith.constant 16 : i32
      %mul3A_112 = arith.muli %scan3A_104, %mul3A_111 : i32
      %add3A_113 = vector.broadcast %mul3A_112 : i32 to vector<16xi32>
      %add3A_114 = arith.addi %add3A_113, %iota3A : vector<16xi32>
      %get3A = arith.index_cast %add3A_110 : i32 to index
      %get3A_115 = tpu.vector_load %arg11[%get3A] {strides = array<i32>} : memref<512xi32, #tpu.memory_space<vmem>>, vector<16xi32>,
      %get3A_116 = arith.index_cast %add3A_110 : i32 to index
      %get3A_117 = tpu.vector_load %arg12[%get3A_116] {strides = array<i32>} : memref<512xi32, #tpu.memory_space<vmem>>, vector<16xi32>,
      %and3A = arith.constant 127 : i32
      %and3A_118 = vector.broadcast %and3A : i32 to vector<16xi32>
      %and3A_119 = arith.andi %get3A_115, %and3A_118 : vector<16xi32>
      %gather3A = tpu.vector_load_idx %arg17[%add3A_114, %and3A_119] : memref<128x128xf32, #tpu.memory_space<vmem>>[vector<16xi32>, vector<16xi32>], vector<16xf32>,
      %and3A_120 = arith.constant 127 : i32
      %and3A_121 = vector.broadcast %and3A_120 : i32 to vector<16xi32>
      %and3A_122 = arith.andi %get3A_117, %and3A_121 : vector<16xi32>
      %gather3A_123 = tpu.vector_load_idx %arg19[%add3A_114, %and3A_122] : memref<128x128xf32, #tpu.memory_space<vmem>>[vector<16xi32>, vector<16xi32>], vector<16xf32>,
      %sub3A = arith.constant 998976 : i32
      %sub3A_124 = vector.broadcast %sub3A : i32 to vector<16xi32>
      %sub3A_125 = arith.subi %get3A_115, %sub3A_124 : vector<16xi32>
      %max3A = arith.constant 0 : i32
      %max3A_126 = vector.broadcast %max3A : i32 to vector<16xi32>
      %max3A_127 = arith.maxsi %sub3A_125, %max3A_126 : vector<16xi32>
      %sub3A_128 = arith.constant 998976 : i32
      %sub3A_129 = vector.broadcast %sub3A_128 : i32 to vector<16xi32>
      %sub3A_130 = arith.subi %get3A_117, %sub3A_129 : vector<16xi32>
      %max3A_131 = arith.constant 0 : i32
      %max3A_132 = vector.broadcast %max3A_131 : i32 to vector<16xi32>
      %max3A_133 = arith.maxsi %sub3A_130, %max3A_132 : vector<16xi32>
      %shift_right_arithmetic3A = arith.constant 7 : i32
      %shift_right_arithmetic3A_134 = vector.broadcast %shift_right_arithmetic3A : i32 to vector<16xi32>
      %shift_right_arithmetic3A_135 = arith.shrsi %max3A_127, %shift_right_arithmetic3A_134 : vector<16xi32>
      %and3A_136 = arith.constant 127 : i32
      %and3A_137 = vector.broadcast %and3A_136 : i32 to vector<16xi32>
      %and3A_138 = arith.andi %max3A_127, %and3A_137 : vector<16xi32>
      %gather3A_139 = tpu.vector_load_idx %arg21[%shift_right_arithmetic3A_135, %and3A_138] : memref<8x128xf32, #tpu.memory_space<vmem>>[vector<16xi32>, vector<16xi32>], vector<16xf32>,
      %shift_right_arithmetic3A_140 = arith.constant 7 : i32
      %shift_right_arithmetic3A_141 = vector.broadcast %shift_right_arithmetic3A_140 : i32 to vector<16xi32>
      %shift_right_arithmetic3A_142 = arith.shrsi %max3A_133, %shift_right_arithmetic3A_141 : vector<16xi32>
      %and3A_143 = arith.constant 127 : i32
      %and3A_144 = vector.broadcast %and3A_143 : i32 to vector<16xi32>
      %and3A_145 = arith.andi %max3A_133, %and3A_144 : vector<16xi32>
      %gather3A_146 = tpu.vector_load_idx %arg22[%shift_right_arithmetic3A_142, %and3A_145] : memref<8x128xf32, #tpu.memory_space<vmem>>[vector<16xi32>, vector<16xi32>], vector<16xf32>,
      %ge3A = arith.constant 998976 : i32
      %ge3A_147 = vector.broadcast %ge3A : i32 to vector<16xi32>
      %ge3A_148 = arith.cmpi sge, %get3A_115, %ge3A_147 : vector<16xi32>
      %select_n3A = arith.select %ge3A_148, %gather3A_139, %gather3A : vector<16xi1>, vector<16xf32>
      %ge3A_149 = arith.constant 998976 : i32
      %ge3A_150 = vector.broadcast %ge3A_149 : i32 to vector<16xi32>
      %ge3A_151 = arith.cmpi sge, %get3A_117, %ge3A_150 : vector<16xi32>
      %select_n3A_152 = arith.select %ge3A_151, %gather3A_146, %gather3A_123 : vector<16xi1>, vector<16xf32>
      %add3A_153 = arith.addf %select_n3A, %select_n3A_152 : vector<16xf32>
      %get3A_154 = arith.constant 0 : i32
      %get3A_155 = arith.index_cast %get3A_154 : i32 to index
      %get3A_156 = arith.index_cast %add3A_110 : i32 to index
      %get3A_157 = tpu.vector_load %arg23[%get3A_155, %get3A_156] {strides = array<i32>} : memref<16x512xf32, #tpu.memory_space<vmem>>, vector<16xf32>,
      %get3A_158 = arith.constant 0 : i32
      %get3A_159 = arith.index_cast %get3A_158 : i32 to index
      %get3A_160 = arith.index_cast %add3A_110 : i32 to index
      %get3A_161 = tpu.vector_load %arg24[%get3A_159, %get3A_160] {strides = array<i32>} : memref<16x512xf32, #tpu.memory_space<vmem>>, vector<16xf32>,
      %mul3A_162 = arith.mulf %get3A_157, %get3A_161 : vector<16xf32>
      %add3A_163 = arith.addf %add3A_153, %mul3A_162 : vector<16xf32>
      %get3A_164 = arith.constant 1 : i32
      %get3A_165 = arith.index_cast %get3A_164 : i32 to index
      %get3A_166 = arith.index_cast %add3A_110 : i32 to index
      %get3A_167 = tpu.vector_load %arg23[%get3A_165, %get3A_166] {strides = array<i32>} : memref<16x512xf32, #tpu.memory_space<vmem>>, vector<16xf32>,
      %get3A_168 = arith.constant 1 : i32
      %get3A_169 = arith.index_cast %get3A_168 : i32 to index
      %get3A_170 = arith.index_cast %add3A_110 : i32 to index
      %get3A_171 = tpu.vector_load %arg24[%get3A_169, %get3A_170] {strides = array<i32>} : memref<16x512xf32, #tpu.memory_space<vmem>>, vector<16xf32>,
      %mul3A_172 = arith.mulf %get3A_167, %get3A_171 : vector<16xf32>
      %add3A_173 = arith.addf %add3A_163, %mul3A_172 : vector<16xf32>
      %get3A_174 = arith.constant 2 : i32
      %get3A_175 = arith.index_cast %get3A_174 : i32 to index
      %get3A_176 = arith.index_cast %add3A_110 : i32 to index
      %get3A_177 = tpu.vector_load %arg23[%get3A_175, %get3A_176] {strides = array<i32>} : memref<16x512xf32, #tpu.memory_space<vmem>>, vector<16xf32>,
      %get3A_178 = arith.constant 2 : i32
      %get3A_179 = arith.index_cast %get3A_178 : i32 to index
      %get3A_180 = arith.index_cast %add3A_110 : i32 to index
      %get3A_181 = tpu.vector_load %arg24[%get3A_179, %get3A_180] {strides = array<i32>} : memref<16x512xf32, #tpu.memory_space<vmem>>, vector<16xf32>,
      %mul3A_182 = arith.mulf %get3A_177, %get3A_181 : vector<16xf32>
      %add3A_183 = arith.addf %add3A_173, %mul3A_182 : vector<16xf32>
      %get3A_184 = arith.constant 3 : i32
      %get3A_185 = arith.index_cast %get3A_184 : i32 to index
      %get3A_186 = arith.index_cast %add3A_110 : i32 to index
      %get3A_187 = tpu.vector_load %arg23[%get3A_185, %get3A_186] {strides = array<i32>} : memref<16x512xf32, #tpu.memory_space<vmem>>, vector<16xf32>,
      %get3A_188 = arith.constant 3 : i32
      %get3A_189 = arith.index_cast %get3A_188 : i32 to index
      %get3A_190 = arith.index_cast %add3A_110 : i32 to index
      %get3A_191 = tpu.vector_load %arg24[%get3A_189, %get3A_190] {strides = array<i32>} : memref<16x512xf32, #tpu.memory_space<vmem>>, vector<16xf32>,
      %mul3A_192 = arith.mulf %get3A_187, %get3A_191 : vector<16xf32>
      %add3A_193 = arith.addf %add3A_183, %mul3A_192 : vector<16xf32>
      %get3A_194 = arith.constant 4 : i32
      %get3A_195 = arith.index_cast %get3A_194 : i32 to index
      %get3A_196 = arith.index_cast %add3A_110 : i32 to index
      %get3A_197 = tpu.vector_load %arg23[%get3A_195, %get3A_196] {strides = array<i32>} : memref<16x512xf32, #tpu.memory_space<vmem>>, vector<16xf32>,
      %get3A_198 = arith.constant 4 : i32
      %get3A_199 = arith.index_cast %get3A_198 : i32 to index
      %get3A_200 = arith.index_cast %add3A_110 : i32 to index
      %get3A_201 = tpu.vector_load %arg24[%get3A_199, %get3A_200] {strides = array<i32>} : memref<16x512xf32, #tpu.memory_space<vmem>>, vector<16xf32>,
      %mul3A_202 = arith.mulf %get3A_197, %get3A_201 : vector<16xf32>
      %add3A_203 = arith.addf %add3A_193, %mul3A_202 : vector<16xf32>
      %get3A_204 = arith.constant 5 : i32
      %get3A_205 = arith.index_cast %get3A_204 : i32 to index
      %get3A_206 = arith.index_cast %add3A_110 : i32 to index
      %get3A_207 = tpu.vector_load %arg23[%get3A_205, %get3A_206] {strides = array<i32>} : memref<16x512xf32, #tpu.memory_space<vmem>>, vector<16xf32>,
      %get3A_208 = arith.constant 5 : i32
      %get3A_209 = arith.index_cast %get3A_208 : i32 to index
      %get3A_210 = arith.index_cast %add3A_110 : i32 to index
      %get3A_211 = tpu.vector_load %arg24[%get3A_209, %get3A_210] {strides = array<i32>} : memref<16x512xf32, #tpu.memory_space<vmem>>, vector<16xf32>,
      %mul3A_212 = arith.mulf %get3A_207, %get3A_211 : vector<16xf32>
      %add3A_213 = arith.addf %add3A_203, %mul3A_212 : vector<16xf32>
      %get3A_214 = arith.constant 6 : i32
      %get3A_215 = arith.index_cast %get3A_214 : i32 to index
      %get3A_216 = arith.index_cast %add3A_110 : i32 to index
      %get3A_217 = tpu.vector_load %arg23[%get3A_215, %get3A_216] {strides = array<i32>} : memref<16x512xf32, #tpu.memory_space<vmem>>, vector<16xf32>,
      %get3A_218 = arith.constant 6 : i32
      %get3A_219 = arith.index_cast %get3A_218 : i32 to index
      %get3A_220 = arith.index_cast %add3A_110 : i32 to index
      %get3A_221 = tpu.vector_load %arg24[%get3A_219, %get3A_220] {strides = array<i32>} : memref<16x512xf32, #tpu.memory_space<vmem>>, vector<16xf32>,
      %mul3A_222 = arith.mulf %get3A_217, %get3A_221 : vector<16xf32>
      %add3A_223 = arith.addf %add3A_213, %mul3A_222 : vector<16xf32>
      %get3A_224 = arith.constant 7 : i32
      %get3A_225 = arith.index_cast %get3A_224 : i32 to index
      %get3A_226 = arith.index_cast %add3A_110 : i32 to index
      %get3A_227 = tpu.vector_load %arg23[%get3A_225, %get3A_226] {strides = array<i32>} : memref<16x512xf32, #tpu.memory_space<vmem>>, vector<16xf32>,
      %get3A_228 = arith.constant 7 : i32
      %get3A_229 = arith.index_cast %get3A_228 : i32 to index
      %get3A_230 = arith.index_cast %add3A_110 : i32 to index
      %get3A_231 = tpu.vector_load %arg24[%get3A_229, %get3A_230] {strides = array<i32>} : memref<16x512xf32, #tpu.memory_space<vmem>>, vector<16xf32>,
      %mul3A_232 = arith.mulf %get3A_227, %get3A_231 : vector<16xf32>
      %add3A_233 = arith.addf %add3A_223, %mul3A_232 : vector<16xf32>
      %get3A_234 = arith.constant 8 : i32
      %get3A_235 = arith.index_cast %get3A_234 : i32 to index
      %get3A_236 = arith.index_cast %add3A_110 : i32 to index
      %get3A_237 = tpu.vector_load %arg23[%get3A_235, %get3A_236] {strides = array<i32>} : memref<16x512xf32, #tpu.memory_space<vmem>>, vector<16xf32>,
      %get3A_238 = arith.constant 8 : i32
      %get3A_239 = arith.index_cast %get3A_238 : i32 to index
      %get3A_240 = arith.index_cast %add3A_110 : i32 to index
      %get3A_241 = tpu.vector_load %arg24[%get3A_239, %get3A_240] {strides = array<i32>} : memref<16x512xf32, #tpu.memory_space<vmem>>, vector<16xf32>,
      %mul3A_242 = arith.mulf %get3A_237, %get3A_241 : vector<16xf32>
      %add3A_243 = arith.addf %add3A_233, %mul3A_242 : vector<16xf32>
      %get3A_244 = arith.constant 9 : i32
      %get3A_245 = arith.index_cast %get3A_244 : i32 to index
      %get3A_246 = arith.index_cast %add3A_110 : i32 to index
      %get3A_247 = tpu.vector_load %arg23[%get3A_245, %get3A_246] {strides = array<i32>} : memref<16x512xf32, #tpu.memory_space<vmem>>, vector<16xf32>,
      %get3A_248 = arith.constant 9 : i32
      %get3A_249 = arith.index_cast %get3A_248 : i32 to index
      %get3A_250 = arith.index_cast %add3A_110 : i32 to index
      %get3A_251 = tpu.vector_load %arg24[%get3A_249, %get3A_250] {strides = array<i32>} : memref<16x512xf32, #tpu.memory_space<vmem>>, vector<16xf32>,
      %mul3A_252 = arith.mulf %get3A_247, %get3A_251 : vector<16xf32>
      %add3A_253 = arith.addf %add3A_243, %mul3A_252 : vector<16xf32>
      %get3A_254 = arith.constant 10 : i32
      %get3A_255 = arith.index_cast %get3A_254 : i32 to index
      %get3A_256 = arith.index_cast %add3A_110 : i32 to index
      %get3A_257 = tpu.vector_load %arg23[%get3A_255, %get3A_256] {strides = array<i32>} : memref<16x512xf32, #tpu.memory_space<vmem>>, vector<16xf32>,
      %get3A_258 = arith.constant 10 : i32
      %get3A_259 = arith.index_cast %get3A_258 : i32 to index
      %get3A_260 = arith.index_cast %add3A_110 : i32 to index
      %get3A_261 = tpu.vector_load %arg24[%get3A_259, %get3A_260] {strides = array<i32>} : memref<16x512xf32, #tpu.memory_space<vmem>>, vector<16xf32>,
      %mul3A_262 = arith.mulf %get3A_257, %get3A_261 : vector<16xf32>
      %add3A_263 = arith.addf %add3A_253, %mul3A_262 : vector<16xf32>
      %get3A_264 = arith.constant 11 : i32
      %get3A_265 = arith.index_cast %get3A_264 : i32 to index
      %get3A_266 = arith.index_cast %add3A_110 : i32 to index
      %get3A_267 = tpu.vector_load %arg23[%get3A_265, %get3A_266] {strides = array<i32>} : memref<16x512xf32, #tpu.memory_space<vmem>>, vector<16xf32>,
      %get3A_268 = arith.constant 11 : i32
      %get3A_269 = arith.index_cast %get3A_268 : i32 to index
      %get3A_270 = arith.index_cast %add3A_110 : i32 to index
      %get3A_271 = tpu.vector_load %arg24[%get3A_269, %get3A_270] {strides = array<i32>} : memref<16x512xf32, #tpu.memory_space<vmem>>, vector<16xf32>,
      %mul3A_272 = arith.mulf %get3A_267, %get3A_271 : vector<16xf32>
      %add3A_273 = arith.addf %add3A_263, %mul3A_272 : vector<16xf32>
      %get3A_274 = arith.constant 12 : i32
      %get3A_275 = arith.index_cast %get3A_274 : i32 to index
      %get3A_276 = arith.index_cast %add3A_110 : i32 to index
      %get3A_277 = tpu.vector_load %arg23[%get3A_275, %get3A_276] {strides = array<i32>} : memref<16x512xf32, #tpu.memory_space<vmem>>, vector<16xf32>,
      %get3A_278 = arith.constant 12 : i32
      %get3A_279 = arith.index_cast %get3A_278 : i32 to index
      %get3A_280 = arith.index_cast %add3A_110 : i32 to index
      %get3A_281 = tpu.vector_load %arg24[%get3A_279, %get3A_280] {strides = array<i32>} : memref<16x512xf32, #tpu.memory_space<vmem>>, vector<16xf32>,
      %mul3A_282 = arith.mulf %get3A_277, %get3A_281 : vector<16xf32>
      %add3A_283 = arith.addf %add3A_273, %mul3A_282 : vector<16xf32>
      %get3A_284 = arith.constant 13 : i32
      %get3A_285 = arith.index_cast %get3A_284 : i32 to index
      %get3A_286 = arith.index_cast %add3A_110 : i32 to index
      %get3A_287 = tpu.vector_load %arg23[%get3A_285, %get3A_286] {strides = array<i32>} : memref<16x512xf32, #tpu.memory_space<vmem>>, vector<16xf32>,
      %get3A_288 = arith.constant 13 : i32
      %get3A_289 = arith.index_cast %get3A_288 : i32 to index
      %get3A_290 = arith.index_cast %add3A_110 : i32 to index
      %get3A_291 = tpu.vector_load %arg24[%get3A_289, %get3A_290] {strides = array<i32>} : memref<16x512xf32, #tpu.memory_space<vmem>>, vector<16xf32>,
      %mul3A_292 = arith.mulf %get3A_287, %get3A_291 : vector<16xf32>
      %add3A_293 = arith.addf %add3A_283, %mul3A_292 : vector<16xf32>
      %get3A_294 = arith.constant 14 : i32
      %get3A_295 = arith.index_cast %get3A_294 : i32 to index
      %get3A_296 = arith.index_cast %add3A_110 : i32 to index
      %get3A_297 = tpu.vector_load %arg23[%get3A_295, %get3A_296] {strides = array<i32>} : memref<16x512xf32, #tpu.memory_space<vmem>>, vector<16xf32>,
      %get3A_298 = arith.constant 14 : i32
      %get3A_299 = arith.index_cast %get3A_298 : i32 to index
      %get3A_300 = arith.index_cast %add3A_110 : i32 to index
      %get3A_301 = tpu.vector_load %arg24[%get3A_299, %get3A_300] {strides = array<i32>} : memref<16x512xf32, #tpu.memory_space<vmem>>, vector<16xf32>,
      %mul3A_302 = arith.mulf %get3A_297, %get3A_301 : vector<16xf32>
      %add3A_303 = arith.addf %add3A_293, %mul3A_302 : vector<16xf32>
      %get3A_304 = arith.constant 15 : i32
      %get3A_305 = arith.index_cast %get3A_304 : i32 to index
      %get3A_306 = arith.index_cast %add3A_110 : i32 to index
      %get3A_307 = tpu.vector_load %arg23[%get3A_305, %get3A_306] {strides = array<i32>} : memref<16x512xf32, #tpu.memory_space<vmem>>, vector<16xf32>,
      %get3A_308 = arith.constant 15 : i32
      %get3A_309 = arith.index_cast %get3A_308 : i32 to index
      %get3A_310 = arith.index_cast %add3A_110 : i32 to index
      %get3A_311 = tpu.vector_load %arg24[%get3A_309, %get3A_310] {strides = array<i32>} : memref<16x512xf32, #tpu.memory_space<vmem>>, vector<16xf32>,
      %mul3A_312 = arith.mulf %get3A_307, %get3A_311 : vector<16xf32>
      %add3A_313 = arith.addf %add3A_303, %mul3A_312 : vector<16xf32>
      %swap3A = arith.index_cast %add3A_110 : i32 to index
      %swap3A_314 = tpu.vector_load %arg25[%swap3A] {strides = array<i32>} : memref<512xf32, #tpu.memory_space<vmem>>, vector<16xf32>,
      tpu.vector_store %arg25[%swap3A], %add3A_313 {strides = array<i32>} : memref<512xf32, #tpu.memory_space<vmem>>, vector<16xf32>,
    }
    %scan3A_48 = arith.constant 8 : i32
    %scan3A_49 = arith.constant 0 : i32
    %scan3A_50 = arith.constant 8 : i32
    %scan3A_51 = arith.addi %scan3A_49, %scan3A_50 : i32
    %scan3A_52 = arith.constant 1 : i32
    scf.for %scan3A_104 = %scan3A_49 to %scan3A_51 step %scan3A_52  : i32 {
      %mul3A_105 = arith.constant 16 : i32
      %mul3A_106 = arith.muli %scan3A_104, %mul3A_105 : i32
      %mul3A_107 = arith.constant 16 : i32
      %mul3A_108 = arith.muli %scan3A_104, %mul3A_107 : i32
      %add3A_109 = arith.constant 256 : i32
      %add3A_110 = arith.addi %add3A_109, %mul3A_108 : i32
      %get3A = arith.index_cast %add3A_110 : i32 to index
      %get3A_111 = tpu.vector_load %arg11[%get3A] {strides = array<i32>} : memref<512xi32, #tpu.memory_space<vmem>>, vector<16xi32>,
      %shift_right_arithmetic3A = arith.constant 7 : i32
      %shift_right_arithmetic3A_112 = vector.broadcast %shift_right_arithmetic3A : i32 to vector<16xi32>
      %shift_right_arithmetic3A_113 = arith.shrsi %get3A_111, %shift_right_arithmetic3A_112 : vector<16xi32>
      %min3A = arith.constant 7807 : i32
      %min3A_114 = vector.broadcast %min3A : i32 to vector<16xi32>
      %min3A_115 = arith.minsi %shift_right_arithmetic3A_113, %min3A_114 : vector<16xi32>
      %swap3A = arith.index_cast %mul3A_106 : i32 to index
      %swap3A_116 = tpu.vector_load %arg13[%swap3A] {strides = array<i32>} : memref<128xi32, #tpu.memory_space<vmem>>, vector<16xi32>,
      tpu.vector_store %arg13[%swap3A], %min3A_115 {strides = array<i32>} : memref<128xi32, #tpu.memory_space<vmem>>, vector<16xi32>,
      %get3A_117 = arith.index_cast %add3A_110 : i32 to index
      %get3A_118 = tpu.vector_load %arg12[%get3A_117] {strides = array<i32>} : memref<512xi32, #tpu.memory_space<vmem>>, vector<16xi32>,
      %shift_right_arithmetic3A_119 = arith.constant 7 : i32
      %shift_right_arithmetic3A_120 = vector.broadcast %shift_right_arithmetic3A_119 : i32 to vector<16xi32>
      %shift_right_arithmetic3A_121 = arith.shrsi %get3A_118, %shift_right_arithmetic3A_120 : vector<16xi32>
      %min3A_122 = arith.constant 7807 : i32
      %min3A_123 = vector.broadcast %min3A_122 : i32 to vector<16xi32>
      %min3A_124 = arith.minsi %shift_right_arithmetic3A_121, %min3A_123 : vector<16xi32>
      %swap3A_125 = arith.index_cast %mul3A_106 : i32 to index
      %swap3A_126 = tpu.vector_load %arg15[%swap3A_125] {strides = array<i32>} : memref<128xi32, #tpu.memory_space<vmem>>, vector<16xi32>,
      tpu.vector_store %arg15[%swap3A_125], %min3A_124 {strides = array<i32>} : memref<128xi32, #tpu.memory_space<vmem>>, vector<16xi32>,
    }
    %scan3A_53 = arith.constant 8 : i32
    %dma_wait3A_54 = arith.constant 0 : i32
    %dma_wait3A_55 = arith.constant 0 : i32
    %dma_wait3A_56 = tpu.memref_slice %arg4[%dma_wait3A_54, %dma_wait3A_55] : memref<7808x128xf32, #tpu.memory_space<hbm>> -> memref<7808x128xf32, #tpu.memory_space<hbm>>
    tpu.wait_indirect_dma semaphore(%arg26 : memref<!tpu.dma_semaphore, #tpu.memory_space<semaphore_mem>>) src(%dma_wait3A_56 : memref<7808x128xf32, #tpu.memory_space<hbm>>) dst(%arg18 : memref<128x128xf32, #tpu.memory_space<vmem>>)
    %dma_wait3A_57 = arith.constant 0 : i32
    %dma_wait3A_58 = arith.constant 0 : i32
    %dma_wait3A_59 = tpu.memref_slice %arg5[%dma_wait3A_57, %dma_wait3A_58] : memref<7808x128xf32, #tpu.memory_space<hbm>> -> memref<7808x128xf32, #tpu.memory_space<hbm>>
    tpu.wait_indirect_dma semaphore(%arg26 : memref<!tpu.dma_semaphore, #tpu.memory_space<semaphore_mem>>) src(%dma_wait3A_59 : memref<7808x128xf32, #tpu.memory_space<hbm>>) dst(%arg20 : memref<128x128xf32, #tpu.memory_space<vmem>>)
    %dma_start3A_60 = arith.constant 0 : i32
    %dma_start3A_61 = arith.constant 0 : i32
    %dma_start3A_62 = tpu.memref_slice %arg4[%dma_start3A_60, %dma_start3A_61] : memref<7808x128xf32, #tpu.memory_space<hbm>> -> memref<7808x128xf32, #tpu.memory_space<hbm>>
    tpu.enqueue_indirect_dma source(%dma_start3A_62 : memref<7808x128xf32, #tpu.memory_space<hbm>>) target(%arg17 : memref<128x128xf32, #tpu.memory_space<vmem>>) offsets(%arg13 : memref<128xi32, #tpu.memory_space<vmem>>) semaphore(%arg26 : memref<!tpu.dma_semaphore, #tpu.memory_space<semaphore_mem>>)
    %dma_start3A_63 = arith.constant 0 : i32
    %dma_start3A_64 = arith.constant 0 : i32
    %dma_start3A_65 = tpu.memref_slice %arg5[%dma_start3A_63, %dma_start3A_64] : memref<7808x128xf32, #tpu.memory_space<hbm>> -> memref<7808x128xf32, #tpu.memory_space<hbm>>
    tpu.enqueue_indirect_dma source(%dma_start3A_65 : memref<7808x128xf32, #tpu.memory_space<hbm>>) target(%arg19 : memref<128x128xf32, #tpu.memory_space<vmem>>) offsets(%arg15 : memref<128xi32, #tpu.memory_space<vmem>>) semaphore(%arg26 : memref<!tpu.dma_semaphore, #tpu.memory_space<semaphore_mem>>)
    %scan3A_66 = arith.constant 0 : i32
    %scan3A_67 = arith.constant 8 : i32
    %scan3A_68 = arith.addi %scan3A_66, %scan3A_67 : i32
    %scan3A_69 = arith.constant 1 : i32
    scf.for %scan3A_104 = %scan3A_66 to %scan3A_68 step %scan3A_69  : i32 {
      %mul3A_105 = arith.constant 16 : i32
      %mul3A_106 = arith.muli %scan3A_104, %mul3A_105 : i32
      %mul3A_107 = arith.constant 16 : i32
      %mul3A_108 = arith.muli %scan3A_104, %mul3A_107 : i32
      %add3A_109 = arith.constant 128 : i32
      %add3A_110 = arith.addi %add3A_109, %mul3A_108 : i32
      %mul3A_111 = arith.constant 16 : i32
      %mul3A_112 = arith.muli %scan3A_104, %mul3A_111 : i32
      %add3A_113 = vector.broadcast %mul3A_112 : i32 to vector<16xi32>
      %add3A_114 = arith.addi %add3A_113, %iota3A : vector<16xi32>
      %get3A = arith.index_cast %add3A_110 : i32 to index
      %get3A_115 = tpu.vector_load %arg11[%get3A] {strides = array<i32>} : memref<512xi32, #tpu.memory_space<vmem>>, vector<16xi32>,
      %get3A_116 = arith.index_cast %add3A_110 : i32 to index
      %get3A_117 = tpu.vector_load %arg12[%get3A_116] {strides = array<i32>} : memref<512xi32, #tpu.memory_space<vmem>>, vector<16xi32>,
      %and3A = arith.constant 127 : i32
      %and3A_118 = vector.broadcast %and3A : i32 to vector<16xi32>
      %and3A_119 = arith.andi %get3A_115, %and3A_118 : vector<16xi32>
      %gather3A = tpu.vector_load_idx %arg18[%add3A_114, %and3A_119] : memref<128x128xf32, #tpu.memory_space<vmem>>[vector<16xi32>, vector<16xi32>], vector<16xf32>,
      %and3A_120 = arith.constant 127 : i32
      %and3A_121 = vector.broadcast %and3A_120 : i32 to vector<16xi32>
      %and3A_122 = arith.andi %get3A_117, %and3A_121 : vector<16xi32>
      %gather3A_123 = tpu.vector_load_idx %arg20[%add3A_114, %and3A_122] : memref<128x128xf32, #tpu.memory_space<vmem>>[vector<16xi32>, vector<16xi32>], vector<16xf32>,
      %sub3A = arith.constant 998976 : i32
      %sub3A_124 = vector.broadcast %sub3A : i32 to vector<16xi32>
      %sub3A_125 = arith.subi %get3A_115, %sub3A_124 : vector<16xi32>
      %max3A = arith.constant 0 : i32
      %max3A_126 = vector.broadcast %max3A : i32 to vector<16xi32>
      %max3A_127 = arith.maxsi %sub3A_125, %max3A_126 : vector<16xi32>
      %sub3A_128 = arith.constant 998976 : i32
      %sub3A_129 = vector.broadcast %sub3A_128 : i32 to vector<16xi32>
      %sub3A_130 = arith.subi %get3A_117, %sub3A_129 : vector<16xi32>
      %max3A_131 = arith.constant 0 : i32
      %max3A_132 = vector.broadcast %max3A_131 : i32 to vector<16xi32>
      %max3A_133 = arith.maxsi %sub3A_130, %max3A_132 : vector<16xi32>
      %shift_right_arithmetic3A = arith.constant 7 : i32
      %shift_right_arithmetic3A_134 = vector.broadcast %shift_right_arithmetic3A : i32 to vector<16xi32>
      %shift_right_arithmetic3A_135 = arith.shrsi %max3A_127, %shift_right_arithmetic3A_134 : vector<16xi32>
      %and3A_136 = arith.constant 127 : i32
      %and3A_137 = vector.broadcast %and3A_136 : i32 to vector<16xi32>
      %and3A_138 = arith.andi %max3A_127, %and3A_137 : vector<16xi32>
      %gather3A_139 = tpu.vector_load_idx %arg21[%shift_right_arithmetic3A_135, %and3A_138] : memref<8x128xf32, #tpu.memory_space<vmem>>[vector<16xi32>, vector<16xi32>], vector<16xf32>,
      %shift_right_arithmetic3A_140 = arith.constant 7 : i32
      %shift_right_arithmetic3A_141 = vector.broadcast %shift_right_arithmetic3A_140 : i32 to vector<16xi32>
      %shift_right_arithmetic3A_142 = arith.shrsi %max3A_133, %shift_right_arithmetic3A_141 : vector<16xi32>
      %and3A_143 = arith.constant 127 : i32
      %and3A_144 = vector.broadcast %and3A_143 : i32 to vector<16xi32>
      %and3A_145 = arith.andi %max3A_133, %and3A_144 : vector<16xi32>
      %gather3A_146 = tpu.vector_load_idx %arg22[%shift_right_arithmetic3A_142, %and3A_145] : memref<8x128xf32, #tpu.memory_space<vmem>>[vector<16xi32>, vector<16xi32>], vector<16xf32>,
      %ge3A = arith.constant 998976 : i32
      %ge3A_147 = vector.broadcast %ge3A : i32 to vector<16xi32>
      %ge3A_148 = arith.cmpi sge, %get3A_115, %ge3A_147 : vector<16xi32>
      %select_n3A = arith.select %ge3A_148, %gather3A_139, %gather3A : vector<16xi1>, vector<16xf32>
      %ge3A_149 = arith.constant 998976 : i32
      %ge3A_150 = vector.broadcast %ge3A_149 : i32 to vector<16xi32>
      %ge3A_151 = arith.cmpi sge, %get3A_117, %ge3A_150 : vector<16xi32>
      %select_n3A_152 = arith.select %ge3A_151, %gather3A_146, %gather3A_123 : vector<16xi1>, vector<16xf32>
      %add3A_153 = arith.addf %select_n3A, %select_n3A_152 : vector<16xf32>
      %get3A_154 = arith.constant 0 : i32
      %get3A_155 = arith.index_cast %get3A_154 : i32 to index
      %get3A_156 = arith.index_cast %add3A_110 : i32 to index
      %get3A_157 = tpu.vector_load %arg23[%get3A_155, %get3A_156] {strides = array<i32>} : memref<16x512xf32, #tpu.memory_space<vmem>>, vector<16xf32>,
      %get3A_158 = arith.constant 0 : i32
      %get3A_159 = arith.index_cast %get3A_158 : i32 to index
      %get3A_160 = arith.index_cast %add3A_110 : i32 to index
      %get3A_161 = tpu.vector_load %arg24[%get3A_159, %get3A_160] {strides = array<i32>} : memref<16x512xf32, #tpu.memory_space<vmem>>, vector<16xf32>,
      %mul3A_162 = arith.mulf %get3A_157, %get3A_161 : vector<16xf32>
      %add3A_163 = arith.addf %add3A_153, %mul3A_162 : vector<16xf32>
      %get3A_164 = arith.constant 1 : i32
      %get3A_165 = arith.index_cast %get3A_164 : i32 to index
      %get3A_166 = arith.index_cast %add3A_110 : i32 to index
      %get3A_167 = tpu.vector_load %arg23[%get3A_165, %get3A_166] {strides = array<i32>} : memref<16x512xf32, #tpu.memory_space<vmem>>, vector<16xf32>,
      %get3A_168 = arith.constant 1 : i32
      %get3A_169 = arith.index_cast %get3A_168 : i32 to index
      %get3A_170 = arith.index_cast %add3A_110 : i32 to index
      %get3A_171 = tpu.vector_load %arg24[%get3A_169, %get3A_170] {strides = array<i32>} : memref<16x512xf32, #tpu.memory_space<vmem>>, vector<16xf32>,
      %mul3A_172 = arith.mulf %get3A_167, %get3A_171 : vector<16xf32>
      %add3A_173 = arith.addf %add3A_163, %mul3A_172 : vector<16xf32>
      %get3A_174 = arith.constant 2 : i32
      %get3A_175 = arith.index_cast %get3A_174 : i32 to index
      %get3A_176 = arith.index_cast %add3A_110 : i32 to index
      %get3A_177 = tpu.vector_load %arg23[%get3A_175, %get3A_176] {strides = array<i32>} : memref<16x512xf32, #tpu.memory_space<vmem>>, vector<16xf32>,
      %get3A_178 = arith.constant 2 : i32
      %get3A_179 = arith.index_cast %get3A_178 : i32 to index
      %get3A_180 = arith.index_cast %add3A_110 : i32 to index
      %get3A_181 = tpu.vector_load %arg24[%get3A_179, %get3A_180] {strides = array<i32>} : memref<16x512xf32, #tpu.memory_space<vmem>>, vector<16xf32>,
      %mul3A_182 = arith.mulf %get3A_177, %get3A_181 : vector<16xf32>
      %add3A_183 = arith.addf %add3A_173, %mul3A_182 : vector<16xf32>
      %get3A_184 = arith.constant 3 : i32
      %get3A_185 = arith.index_cast %get3A_184 : i32 to index
      %get3A_186 = arith.index_cast %add3A_110 : i32 to index
      %get3A_187 = tpu.vector_load %arg23[%get3A_185, %get3A_186] {strides = array<i32>} : memref<16x512xf32, #tpu.memory_space<vmem>>, vector<16xf32>,
      %get3A_188 = arith.constant 3 : i32
      %get3A_189 = arith.index_cast %get3A_188 : i32 to index
      %get3A_190 = arith.index_cast %add3A_110 : i32 to index
      %get3A_191 = tpu.vector_load %arg24[%get3A_189, %get3A_190] {strides = array<i32>} : memref<16x512xf32, #tpu.memory_space<vmem>>, vector<16xf32>,
      %mul3A_192 = arith.mulf %get3A_187, %get3A_191 : vector<16xf32>
      %add3A_193 = arith.addf %add3A_183, %mul3A_192 : vector<16xf32>
      %get3A_194 = arith.constant 4 : i32
      %get3A_195 = arith.index_cast %get3A_194 : i32 to index
      %get3A_196 = arith.index_cast %add3A_110 : i32 to index
      %get3A_197 = tpu.vector_load %arg23[%get3A_195, %get3A_196] {strides = array<i32>} : memref<16x512xf32, #tpu.memory_space<vmem>>, vector<16xf32>,
      %get3A_198 = arith.constant 4 : i32
      %get3A_199 = arith.index_cast %get3A_198 : i32 to index
      %get3A_200 = arith.index_cast %add3A_110 : i32 to index
      %get3A_201 = tpu.vector_load %arg24[%get3A_199, %get3A_200] {strides = array<i32>} : memref<16x512xf32, #tpu.memory_space<vmem>>, vector<16xf32>,
      %mul3A_202 = arith.mulf %get3A_197, %get3A_201 : vector<16xf32>
      %add3A_203 = arith.addf %add3A_193, %mul3A_202 : vector<16xf32>
      %get3A_204 = arith.constant 5 : i32
      %get3A_205 = arith.index_cast %get3A_204 : i32 to index
      %get3A_206 = arith.index_cast %add3A_110 : i32 to index
      %get3A_207 = tpu.vector_load %arg23[%get3A_205, %get3A_206] {strides = array<i32>} : memref<16x512xf32, #tpu.memory_space<vmem>>, vector<16xf32>,
      %get3A_208 = arith.constant 5 : i32
      %get3A_209 = arith.index_cast %get3A_208 : i32 to index
      %get3A_210 = arith.index_cast %add3A_110 : i32 to index
      %get3A_211 = tpu.vector_load %arg24[%get3A_209, %get3A_210] {strides = array<i32>} : memref<16x512xf32, #tpu.memory_space<vmem>>, vector<16xf32>,
      %mul3A_212 = arith.mulf %get3A_207, %get3A_211 : vector<16xf32>
      %add3A_213 = arith.addf %add3A_203, %mul3A_212 : vector<16xf32>
      %get3A_214 = arith.constant 6 : i32
      %get3A_215 = arith.index_cast %get3A_214 : i32 to index
      %get3A_216 = arith.index_cast %add3A_110 : i32 to index
      %get3A_217 = tpu.vector_load %arg23[%get3A_215, %get3A_216] {strides = array<i32>} : memref<16x512xf32, #tpu.memory_space<vmem>>, vector<16xf32>,
      %get3A_218 = arith.constant 6 : i32
      %get3A_219 = arith.index_cast %get3A_218 : i32 to index
      %get3A_220 = arith.index_cast %add3A_110 : i32 to index
      %get3A_221 = tpu.vector_load %arg24[%get3A_219, %get3A_220] {strides = array<i32>} : memref<16x512xf32, #tpu.memory_space<vmem>>, vector<16xf32>,
      %mul3A_222 = arith.mulf %get3A_217, %get3A_221 : vector<16xf32>
      %add3A_223 = arith.addf %add3A_213, %mul3A_222 : vector<16xf32>
      %get3A_224 = arith.constant 7 : i32
      %get3A_225 = arith.index_cast %get3A_224 : i32 to index
      %get3A_226 = arith.index_cast %add3A_110 : i32 to index
      %get3A_227 = tpu.vector_load %arg23[%get3A_225, %get3A_226] {strides = array<i32>} : memref<16x512xf32, #tpu.memory_space<vmem>>, vector<16xf32>,
      %get3A_228 = arith.constant 7 : i32
      %get3A_229 = arith.index_cast %get3A_228 : i32 to index
      %get3A_230 = arith.index_cast %add3A_110 : i32 to index
      %get3A_231 = tpu.vector_load %arg24[%get3A_229, %get3A_230] {strides = array<i32>} : memref<16x512xf32, #tpu.memory_space<vmem>>, vector<16xf32>,
      %mul3A_232 = arith.mulf %get3A_227, %get3A_231 : vector<16xf32>
      %add3A_233 = arith.addf %add3A_223, %mul3A_232 : vector<16xf32>
      %get3A_234 = arith.constant 8 : i32
      %get3A_235 = arith.index_cast %get3A_234 : i32 to index
      %get3A_236 = arith.index_cast %add3A_110 : i32 to index
      %get3A_237 = tpu.vector_load %arg23[%get3A_235, %get3A_236] {strides = array<i32>} : memref<16x512xf32, #tpu.memory_space<vmem>>, vector<16xf32>,
      %get3A_238 = arith.constant 8 : i32
      %get3A_239 = arith.index_cast %get3A_238 : i32 to index
      %get3A_240 = arith.index_cast %add3A_110 : i32 to index
      %get3A_241 = tpu.vector_load %arg24[%get3A_239, %get3A_240] {strides = array<i32>} : memref<16x512xf32, #tpu.memory_space<vmem>>, vector<16xf32>,
      %mul3A_242 = arith.mulf %get3A_237, %get3A_241 : vector<16xf32>
      %add3A_243 = arith.addf %add3A_233, %mul3A_242 : vector<16xf32>
      %get3A_244 = arith.constant 9 : i32
      %get3A_245 = arith.index_cast %get3A_244 : i32 to index
      %get3A_246 = arith.index_cast %add3A_110 : i32 to index
      %get3A_247 = tpu.vector_load %arg23[%get3A_245, %get3A_246] {strides = array<i32>} : memref<16x512xf32, #tpu.memory_space<vmem>>, vector<16xf32>,
      %get3A_248 = arith.constant 9 : i32
      %get3A_249 = arith.index_cast %get3A_248 : i32 to index
      %get3A_250 = arith.index_cast %add3A_110 : i32 to index
      %get3A_251 = tpu.vector_load %arg24[%get3A_249, %get3A_250] {strides = array<i32>} : memref<16x512xf32, #tpu.memory_space<vmem>>, vector<16xf32>,
      %mul3A_252 = arith.mulf %get3A_247, %get3A_251 : vector<16xf32>
      %add3A_253 = arith.addf %add3A_243, %mul3A_252 : vector<16xf32>
      %get3A_254 = arith.constant 10 : i32
      %get3A_255 = arith.index_cast %get3A_254 : i32 to index
      %get3A_256 = arith.index_cast %add3A_110 : i32 to index
      %get3A_257 = tpu.vector_load %arg23[%get3A_255, %get3A_256] {strides = array<i32>} : memref<16x512xf32, #tpu.memory_space<vmem>>, vector<16xf32>,
      %get3A_258 = arith.constant 10 : i32
      %get3A_259 = arith.index_cast %get3A_258 : i32 to index
      %get3A_260 = arith.index_cast %add3A_110 : i32 to index
      %get3A_261 = tpu.vector_load %arg24[%get3A_259, %get3A_260] {strides = array<i32>} : memref<16x512xf32, #tpu.memory_space<vmem>>, vector<16xf32>,
      %mul3A_262 = arith.mulf %get3A_257, %get3A_261 : vector<16xf32>
      %add3A_263 = arith.addf %add3A_253, %mul3A_262 : vector<16xf32>
      %get3A_264 = arith.constant 11 : i32
      %get3A_265 = arith.index_cast %get3A_264 : i32 to index
      %get3A_266 = arith.index_cast %add3A_110 : i32 to index
      %get3A_267 = tpu.vector_load %arg23[%get3A_265, %get3A_266] {strides = array<i32>} : memref<16x512xf32, #tpu.memory_space<vmem>>, vector<16xf32>,
      %get3A_268 = arith.constant 11 : i32
      %get3A_269 = arith.index_cast %get3A_268 : i32 to index
      %get3A_270 = arith.index_cast %add3A_110 : i32 to index
      %get3A_271 = tpu.vector_load %arg24[%get3A_269, %get3A_270] {strides = array<i32>} : memref<16x512xf32, #tpu.memory_space<vmem>>, vector<16xf32>,
      %mul3A_272 = arith.mulf %get3A_267, %get3A_271 : vector<16xf32>
      %add3A_273 = arith.addf %add3A_263, %mul3A_272 : vector<16xf32>
      %get3A_274 = arith.constant 12 : i32
      %get3A_275 = arith.index_cast %get3A_274 : i32 to index
      %get3A_276 = arith.index_cast %add3A_110 : i32 to index
      %get3A_277 = tpu.vector_load %arg23[%get3A_275, %get3A_276] {strides = array<i32>} : memref<16x512xf32, #tpu.memory_space<vmem>>, vector<16xf32>,
      %get3A_278 = arith.constant 12 : i32
      %get3A_279 = arith.index_cast %get3A_278 : i32 to index
      %get3A_280 = arith.index_cast %add3A_110 : i32 to index
      %get3A_281 = tpu.vector_load %arg24[%get3A_279, %get3A_280] {strides = array<i32>} : memref<16x512xf32, #tpu.memory_space<vmem>>, vector<16xf32>,
      %mul3A_282 = arith.mulf %get3A_277, %get3A_281 : vector<16xf32>
      %add3A_283 = arith.addf %add3A_273, %mul3A_282 : vector<16xf32>
      %get3A_284 = arith.constant 13 : i32
      %get3A_285 = arith.index_cast %get3A_284 : i32 to index
      %get3A_286 = arith.index_cast %add3A_110 : i32 to index
      %get3A_287 = tpu.vector_load %arg23[%get3A_285, %get3A_286] {strides = array<i32>} : memref<16x512xf32, #tpu.memory_space<vmem>>, vector<16xf32>,
      %get3A_288 = arith.constant 13 : i32
      %get3A_289 = arith.index_cast %get3A_288 : i32 to index
      %get3A_290 = arith.index_cast %add3A_110 : i32 to index
      %get3A_291 = tpu.vector_load %arg24[%get3A_289, %get3A_290] {strides = array<i32>} : memref<16x512xf32, #tpu.memory_space<vmem>>, vector<16xf32>,
      %mul3A_292 = arith.mulf %get3A_287, %get3A_291 : vector<16xf32>
      %add3A_293 = arith.addf %add3A_283, %mul3A_292 : vector<16xf32>
      %get3A_294 = arith.constant 14 : i32
      %get3A_295 = arith.index_cast %get3A_294 : i32 to index
      %get3A_296 = arith.index_cast %add3A_110 : i32 to index
      %get3A_297 = tpu.vector_load %arg23[%get3A_295, %get3A_296] {strides = array<i32>} : memref<16x512xf32, #tpu.memory_space<vmem>>, vector<16xf32>,
      %get3A_298 = arith.constant 14 : i32
      %get3A_299 = arith.index_cast %get3A_298 : i32 to index
      %get3A_300 = arith.index_cast %add3A_110 : i32 to index
      %get3A_301 = tpu.vector_load %arg24[%get3A_299, %get3A_300] {strides = array<i32>} : memref<16x512xf32, #tpu.memory_space<vmem>>, vector<16xf32>,
      %mul3A_302 = arith.mulf %get3A_297, %get3A_301 : vector<16xf32>
      %add3A_303 = arith.addf %add3A_293, %mul3A_302 : vector<16xf32>
      %get3A_304 = arith.constant 15 : i32
      %get3A_305 = arith.index_cast %get3A_304 : i32 to index
      %get3A_306 = arith.index_cast %add3A_110 : i32 to index
      %get3A_307 = tpu.vector_load %arg23[%get3A_305, %get3A_306] {strides = array<i32>} : memref<16x512xf32, #tpu.memory_space<vmem>>, vector<16xf32>,
      %get3A_308 = arith.constant 15 : i32
      %get3A_309 = arith.index_cast %get3A_308 : i32 to index
      %get3A_310 = arith.index_cast %add3A_110 : i32 to index
      %get3A_311 = tpu.vector_load %arg24[%get3A_309, %get3A_310] {strides = array<i32>} : memref<16x512xf32, #tpu.memory_space<vmem>>, vector<16xf32>,
      %mul3A_312 = arith.mulf %get3A_307, %get3A_311 : vector<16xf32>
      %add3A_313 = arith.addf %add3A_303, %mul3A_312 : vector<16xf32>
      %swap3A = arith.index_cast %add3A_110 : i32 to index
      %swap3A_314 = tpu.vector_load %arg25[%swap3A] {strides = array<i32>} : memref<512xf32, #tpu.memory_space<vmem>>, vector<16xf32>,
      tpu.vector_store %arg25[%swap3A], %add3A_313 {strides = array<i32>} : memref<512xf32, #tpu.memory_space<vmem>>, vector<16xf32>,
    }
    %scan3A_70 = arith.constant 8 : i32
    %scan3A_71 = arith.constant 0 : i32
    %scan3A_72 = arith.constant 8 : i32
    %scan3A_73 = arith.addi %scan3A_71, %scan3A_72 : i32
    %scan3A_74 = arith.constant 1 : i32
    scf.for %scan3A_104 = %scan3A_71 to %scan3A_73 step %scan3A_74  : i32 {
      %mul3A_105 = arith.constant 16 : i32
      %mul3A_106 = arith.muli %scan3A_104, %mul3A_105 : i32
      %mul3A_107 = arith.constant 16 : i32
      %mul3A_108 = arith.muli %scan3A_104, %mul3A_107 : i32
      %add3A_109 = arith.constant 384 : i32
      %add3A_110 = arith.addi %add3A_109, %mul3A_108 : i32
      %get3A = arith.index_cast %add3A_110 : i32 to index
      %get3A_111 = tpu.vector_load %arg11[%get3A] {strides = array<i32>} : memref<512xi32, #tpu.memory_space<vmem>>, vector<16xi32>,
      %shift_right_arithmetic3A = arith.constant 7 : i32
      %shift_right_arithmetic3A_112 = vector.broadcast %shift_right_arithmetic3A : i32 to vector<16xi32>
      %shift_right_arithmetic3A_113 = arith.shrsi %get3A_111, %shift_right_arithmetic3A_112 : vector<16xi32>
      %min3A = arith.constant 7807 : i32
      %min3A_114 = vector.broadcast %min3A : i32 to vector<16xi32>
      %min3A_115 = arith.minsi %shift_right_arithmetic3A_113, %min3A_114 : vector<16xi32>
      %swap3A = arith.index_cast %mul3A_106 : i32 to index
      %swap3A_116 = tpu.vector_load %arg14[%swap3A] {strides = array<i32>} : memref<128xi32, #tpu.memory_space<vmem>>, vector<16xi32>,
      tpu.vector_store %arg14[%swap3A], %min3A_115 {strides = array<i32>} : memref<128xi32, #tpu.memory_space<vmem>>, vector<16xi32>,
      %get3A_117 = arith.index_cast %add3A_110 : i32 to index
      %get3A_118 = tpu.vector_load %arg12[%get3A_117] {strides = array<i32>} : memref<512xi32, #tpu.memory_space<vmem>>, vector<16xi32>,
      %shift_right_arithmetic3A_119 = arith.constant 7 : i32
      %shift_right_arithmetic3A_120 = vector.broadcast %shift_right_arithmetic3A_119 : i32 to vector<16xi32>
      %shift_right_arithmetic3A_121 = arith.shrsi %get3A_118, %shift_right_arithmetic3A_120 : vector<16xi32>
      %min3A_122 = arith.constant 7807 : i32
      %min3A_123 = vector.broadcast %min3A_122 : i32 to vector<16xi32>
      %min3A_124 = arith.minsi %shift_right_arithmetic3A_121, %min3A_123 : vector<16xi32>
      %swap3A_125 = arith.index_cast %mul3A_106 : i32 to index
      %swap3A_126 = tpu.vector_load %arg16[%swap3A_125] {strides = array<i32>} : memref<128xi32, #tpu.memory_space<vmem>>, vector<16xi32>,
      tpu.vector_store %arg16[%swap3A_125], %min3A_124 {strides = array<i32>} : memref<128xi32, #tpu.memory_space<vmem>>, vector<16xi32>,
    }
    %scan3A_75 = arith.constant 8 : i32
    %dma_wait3A_76 = arith.constant 0 : i32
    %dma_wait3A_77 = arith.constant 0 : i32
    %dma_wait3A_78 = tpu.memref_slice %arg4[%dma_wait3A_76, %dma_wait3A_77] : memref<7808x128xf32, #tpu.memory_space<hbm>> -> memref<7808x128xf32, #tpu.memory_space<hbm>>
    tpu.wait_indirect_dma semaphore(%arg26 : memref<!tpu.dma_semaphore, #tpu.memory_space<semaphore_mem>>) src(%dma_wait3A_78 : memref<7808x128xf32, #tpu.memory_space<hbm>>) dst(%arg17 : memref<128x128xf32, #tpu.memory_space<vmem>>)
    %dma_wait3A_79 = arith.constant 0 : i32
    %dma_wait3A_80 = arith.constant 0 : i32
    %dma_wait3A_81 = tpu.memref_slice %arg5[%dma_wait3A_79, %dma_wait3A_80] : memref<7808x128xf32, #tpu.memory_space<hbm>> -> memref<7808x128xf32, #tpu.memory_space<hbm>>
    tpu.wait_indirect_dma semaphore(%arg26 : memref<!tpu.dma_semaphore, #tpu.memory_space<semaphore_mem>>) src(%dma_wait3A_81 : memref<7808x128xf32, #tpu.memory_space<hbm>>) dst(%arg19 : memref<128x128xf32, #tpu.memory_space<vmem>>)
    %dma_start3A_82 = arith.constant 0 : i32
    %dma_start3A_83 = arith.constant 0 : i32
    %dma_start3A_84 = tpu.memref_slice %arg4[%dma_start3A_82, %dma_start3A_83] : memref<7808x128xf32, #tpu.memory_space<hbm>> -> memref<7808x128xf32, #tpu.memory_space<hbm>>
    tpu.enqueue_indirect_dma source(%dma_start3A_84 : memref<7808x128xf32, #tpu.memory_space<hbm>>) target(%arg18 : memref<128x128xf32, #tpu.memory_space<vmem>>) offsets(%arg14 : memref<128xi32, #tpu.memory_space<vmem>>) semaphore(%arg26 : memref<!tpu.dma_semaphore, #tpu.memory_space<semaphore_mem>>)
    %dma_start3A_85 = arith.constant 0 : i32
    %dma_start3A_86 = arith.constant 0 : i32
    %dma_start3A_87 = tpu.memref_slice %arg5[%dma_start3A_85, %dma_start3A_86] : memref<7808x128xf32, #tpu.memory_space<hbm>> -> memref<7808x128xf32, #tpu.memory_space<hbm>>
    tpu.enqueue_indirect_dma source(%dma_start3A_87 : memref<7808x128xf32, #tpu.memory_space<hbm>>) target(%arg20 : memref<128x128xf32, #tpu.memory_space<vmem>>) offsets(%arg16 : memref<128xi32, #tpu.memory_space<vmem>>) semaphore(%arg26 : memref<!tpu.dma_semaphore, #tpu.memory_space<semaphore_mem>>)
    %scan3A_88 = arith.constant 0 : i32
    %scan3A_89 = arith.constant 8 : i32
    %scan3A_90 = arith.addi %scan3A_88, %scan3A_89 : i32
    %scan3A_91 = arith.constant 1 : i32
    scf.for %scan3A_104 = %scan3A_88 to %scan3A_90 step %scan3A_91  : i32 {
      %mul3A_105 = arith.constant 16 : i32
      %mul3A_106 = arith.muli %scan3A_104, %mul3A_105 : i32
      %mul3A_107 = arith.constant 16 : i32
      %mul3A_108 = arith.muli %scan3A_104, %mul3A_107 : i32
      %add3A_109 = arith.constant 256 : i32
      %add3A_110 = arith.addi %add3A_109, %mul3A_108 : i32
      %mul3A_111 = arith.constant 16 : i32
      %mul3A_112 = arith.muli %scan3A_104, %mul3A_111 : i32
      %add3A_113 = vector.broadcast %mul3A_112 : i32 to vector<16xi32>
      %add3A_114 = arith.addi %add3A_113, %iota3A : vector<16xi32>
      %get3A = arith.index_cast %add3A_110 : i32 to index
      %get3A_115 = tpu.vector_load %arg11[%get3A] {strides = array<i32>} : memref<512xi32, #tpu.memory_space<vmem>>, vector<16xi32>,
      %get3A_116 = arith.index_cast %add3A_110 : i32 to index
      %get3A_117 = tpu.vector_load %arg12[%get3A_116] {strides = array<i32>} : memref<512xi32, #tpu.memory_space<vmem>>, vector<16xi32>,
      %and3A = arith.constant 127 : i32
      %and3A_118 = vector.broadcast %and3A : i32 to vector<16xi32>
      %and3A_119 = arith.andi %get3A_115, %and3A_118 : vector<16xi32>
      %gather3A = tpu.vector_load_idx %arg17[%add3A_114, %and3A_119] : memref<128x128xf32, #tpu.memory_space<vmem>>[vector<16xi32>, vector<16xi32>], vector<16xf32>,
      %and3A_120 = arith.constant 127 : i32
      %and3A_121 = vector.broadcast %and3A_120 : i32 to vector<16xi32>
      %and3A_122 = arith.andi %get3A_117, %and3A_121 : vector<16xi32>
      %gather3A_123 = tpu.vector_load_idx %arg19[%add3A_114, %and3A_122] : memref<128x128xf32, #tpu.memory_space<vmem>>[vector<16xi32>, vector<16xi32>], vector<16xf32>,
      %sub3A = arith.constant 998976 : i32
      %sub3A_124 = vector.broadcast %sub3A : i32 to vector<16xi32>
      %sub3A_125 = arith.subi %get3A_115, %sub3A_124 : vector<16xi32>
      %max3A = arith.constant 0 : i32
      %max3A_126 = vector.broadcast %max3A : i32 to vector<16xi32>
      %max3A_127 = arith.maxsi %sub3A_125, %max3A_126 : vector<16xi32>
      %sub3A_128 = arith.constant 998976 : i32
      %sub3A_129 = vector.broadcast %sub3A_128 : i32 to vector<16xi32>
      %sub3A_130 = arith.subi %get3A_117, %sub3A_129 : vector<16xi32>
      %max3A_131 = arith.constant 0 : i32
      %max3A_132 = vector.broadcast %max3A_131 : i32 to vector<16xi32>
      %max3A_133 = arith.maxsi %sub3A_130, %max3A_132 : vector<16xi32>
      %shift_right_arithmetic3A = arith.constant 7 : i32
      %shift_right_arithmetic3A_134 = vector.broadcast %shift_right_arithmetic3A : i32 to vector<16xi32>
      %shift_right_arithmetic3A_135 = arith.shrsi %max3A_127, %shift_right_arithmetic3A_134 : vector<16xi32>
      %and3A_136 = arith.constant 127 : i32
      %and3A_137 = vector.broadcast %and3A_136 : i32 to vector<16xi32>
      %and3A_138 = arith.andi %max3A_127, %and3A_137 : vector<16xi32>
      %gather3A_139 = tpu.vector_load_idx %arg21[%shift_right_arithmetic3A_135, %and3A_138] : memref<8x128xf32, #tpu.memory_space<vmem>>[vector<16xi32>, vector<16xi32>], vector<16xf32>,
      %shift_right_arithmetic3A_140 = arith.constant 7 : i32
      %shift_right_arithmetic3A_141 = vector.broadcast %shift_right_arithmetic3A_140 : i32 to vector<16xi32>
      %shift_right_arithmetic3A_142 = arith.shrsi %max3A_133, %shift_right_arithmetic3A_141 : vector<16xi32>
      %and3A_143 = arith.constant 127 : i32
      %and3A_144 = vector.broadcast %and3A_143 : i32 to vector<16xi32>
      %and3A_145 = arith.andi %max3A_133, %and3A_144 : vector<16xi32>
      %gather3A_146 = tpu.vector_load_idx %arg22[%shift_right_arithmetic3A_142, %and3A_145] : memref<8x128xf32, #tpu.memory_space<vmem>>[vector<16xi32>, vector<16xi32>], vector<16xf32>,
      %ge3A = arith.constant 998976 : i32
      %ge3A_147 = vector.broadcast %ge3A : i32 to vector<16xi32>
      %ge3A_148 = arith.cmpi sge, %get3A_115, %ge3A_147 : vector<16xi32>
      %select_n3A = arith.select %ge3A_148, %gather3A_139, %gather3A : vector<16xi1>, vector<16xf32>
      %ge3A_149 = arith.constant 998976 : i32
      %ge3A_150 = vector.broadcast %ge3A_149 : i32 to vector<16xi32>
      %ge3A_151 = arith.cmpi sge, %get3A_117, %ge3A_150 : vector<16xi32>
      %select_n3A_152 = arith.select %ge3A_151, %gather3A_146, %gather3A_123 : vector<16xi1>, vector<16xf32>
      %add3A_153 = arith.addf %select_n3A, %select_n3A_152 : vector<16xf32>
      %get3A_154 = arith.constant 0 : i32
      %get3A_155 = arith.index_cast %get3A_154 : i32 to index
      %get3A_156 = arith.index_cast %add3A_110 : i32 to index
      %get3A_157 = tpu.vector_load %arg23[%get3A_155, %get3A_156] {strides = array<i32>} : memref<16x512xf32, #tpu.memory_space<vmem>>, vector<16xf32>,
      %get3A_158 = arith.constant 0 : i32
      %get3A_159 = arith.index_cast %get3A_158 : i32 to index
      %get3A_160 = arith.index_cast %add3A_110 : i32 to index
      %get3A_161 = tpu.vector_load %arg24[%get3A_159, %get3A_160] {strides = array<i32>} : memref<16x512xf32, #tpu.memory_space<vmem>>, vector<16xf32>,
      %mul3A_162 = arith.mulf %get3A_157, %get3A_161 : vector<16xf32>
      %add3A_163 = arith.addf %add3A_153, %mul3A_162 : vector<16xf32>
      %get3A_164 = arith.constant 1 : i32
      %get3A_165 = arith.index_cast %get3A_164 : i32 to index
      %get3A_166 = arith.index_cast %add3A_110 : i32 to index
      %get3A_167 = tpu.vector_load %arg23[%get3A_165, %get3A_166] {strides = array<i32>} : memref<16x512xf32, #tpu.memory_space<vmem>>, vector<16xf32>,
      %get3A_168 = arith.constant 1 : i32
      %get3A_169 = arith.index_cast %get3A_168 : i32 to index
      %get3A_170 = arith.index_cast %add3A_110 : i32 to index
      %get3A_171 = tpu.vector_load %arg24[%get3A_169, %get3A_170] {strides = array<i32>} : memref<16x512xf32, #tpu.memory_space<vmem>>, vector<16xf32>,
      %mul3A_172 = arith.mulf %get3A_167, %get3A_171 : vector<16xf32>
      %add3A_173 = arith.addf %add3A_163, %mul3A_172 : vector<16xf32>
      %get3A_174 = arith.constant 2 : i32
      %get3A_175 = arith.index_cast %get3A_174 : i32 to index
      %get3A_176 = arith.index_cast %add3A_110 : i32 to index
      %get3A_177 = tpu.vector_load %arg23[%get3A_175, %get3A_176] {strides = array<i32>} : memref<16x512xf32, #tpu.memory_space<vmem>>, vector<16xf32>,
      %get3A_178 = arith.constant 2 : i32
      %get3A_179 = arith.index_cast %get3A_178 : i32 to index
      %get3A_180 = arith.index_cast %add3A_110 : i32 to index
      %get3A_181 = tpu.vector_load %arg24[%get3A_179, %get3A_180] {strides = array<i32>} : memref<16x512xf32, #tpu.memory_space<vmem>>, vector<16xf32>,
      %mul3A_182 = arith.mulf %get3A_177, %get3A_181 : vector<16xf32>
      %add3A_183 = arith.addf %add3A_173, %mul3A_182 : vector<16xf32>
      %get3A_184 = arith.constant 3 : i32
      %get3A_185 = arith.index_cast %get3A_184 : i32 to index
      %get3A_186 = arith.index_cast %add3A_110 : i32 to index
      %get3A_187 = tpu.vector_load %arg23[%get3A_185, %get3A_186] {strides = array<i32>} : memref<16x512xf32, #tpu.memory_space<vmem>>, vector<16xf32>,
      %get3A_188 = arith.constant 3 : i32
      %get3A_189 = arith.index_cast %get3A_188 : i32 to index
      %get3A_190 = arith.index_cast %add3A_110 : i32 to index
      %get3A_191 = tpu.vector_load %arg24[%get3A_189, %get3A_190] {strides = array<i32>} : memref<16x512xf32, #tpu.memory_space<vmem>>, vector<16xf32>,
      %mul3A_192 = arith.mulf %get3A_187, %get3A_191 : vector<16xf32>
      %add3A_193 = arith.addf %add3A_183, %mul3A_192 : vector<16xf32>
      %get3A_194 = arith.constant 4 : i32
      %get3A_195 = arith.index_cast %get3A_194 : i32 to index
      %get3A_196 = arith.index_cast %add3A_110 : i32 to index
      %get3A_197 = tpu.vector_load %arg23[%get3A_195, %get3A_196] {strides = array<i32>} : memref<16x512xf32, #tpu.memory_space<vmem>>, vector<16xf32>,
      %get3A_198 = arith.constant 4 : i32
      %get3A_199 = arith.index_cast %get3A_198 : i32 to index
      %get3A_200 = arith.index_cast %add3A_110 : i32 to index
      %get3A_201 = tpu.vector_load %arg24[%get3A_199, %get3A_200] {strides = array<i32>} : memref<16x512xf32, #tpu.memory_space<vmem>>, vector<16xf32>,
      %mul3A_202 = arith.mulf %get3A_197, %get3A_201 : vector<16xf32>
      %add3A_203 = arith.addf %add3A_193, %mul3A_202 : vector<16xf32>
      %get3A_204 = arith.constant 5 : i32
      %get3A_205 = arith.index_cast %get3A_204 : i32 to index
      %get3A_206 = arith.index_cast %add3A_110 : i32 to index
      %get3A_207 = tpu.vector_load %arg23[%get3A_205, %get3A_206] {strides = array<i32>} : memref<16x512xf32, #tpu.memory_space<vmem>>, vector<16xf32>,
      %get3A_208 = arith.constant 5 : i32
      %get3A_209 = arith.index_cast %get3A_208 : i32 to index
      %get3A_210 = arith.index_cast %add3A_110 : i32 to index
      %get3A_211 = tpu.vector_load %arg24[%get3A_209, %get3A_210] {strides = array<i32>} : memref<16x512xf32, #tpu.memory_space<vmem>>, vector<16xf32>,
      %mul3A_212 = arith.mulf %get3A_207, %get3A_211 : vector<16xf32>
      %add3A_213 = arith.addf %add3A_203, %mul3A_212 : vector<16xf32>
      %get3A_214 = arith.constant 6 : i32
      %get3A_215 = arith.index_cast %get3A_214 : i32 to index
      %get3A_216 = arith.index_cast %add3A_110 : i32 to index
      %get3A_217 = tpu.vector_load %arg23[%get3A_215, %get3A_216] {strides = array<i32>} : memref<16x512xf32, #tpu.memory_space<vmem>>, vector<16xf32>,
      %get3A_218 = arith.constant 6 : i32
      %get3A_219 = arith.index_cast %get3A_218 : i32 to index
      %get3A_220 = arith.index_cast %add3A_110 : i32 to index
      %get3A_221 = tpu.vector_load %arg24[%get3A_219, %get3A_220] {strides = array<i32>} : memref<16x512xf32, #tpu.memory_space<vmem>>, vector<16xf32>,
      %mul3A_222 = arith.mulf %get3A_217, %get3A_221 : vector<16xf32>
      %add3A_223 = arith.addf %add3A_213, %mul3A_222 : vector<16xf32>
      %get3A_224 = arith.constant 7 : i32
      %get3A_225 = arith.index_cast %get3A_224 : i32 to index
      %get3A_226 = arith.index_cast %add3A_110 : i32 to index
      %get3A_227 = tpu.vector_load %arg23[%get3A_225, %get3A_226] {strides = array<i32>} : memref<16x512xf32, #tpu.memory_space<vmem>>, vector<16xf32>,
      %get3A_228 = arith.constant 7 : i32
      %get3A_229 = arith.index_cast %get3A_228 : i32 to index
      %get3A_230 = arith.index_cast %add3A_110 : i32 to index
      %get3A_231 = tpu.vector_load %arg24[%get3A_229, %get3A_230] {strides = array<i32>} : memref<16x512xf32, #tpu.memory_space<vmem>>, vector<16xf32>,
      %mul3A_232 = arith.mulf %get3A_227, %get3A_231 : vector<16xf32>
      %add3A_233 = arith.addf %add3A_223, %mul3A_232 : vector<16xf32>
      %get3A_234 = arith.constant 8 : i32
      %get3A_235 = arith.index_cast %get3A_234 : i32 to index
      %get3A_236 = arith.index_cast %add3A_110 : i32 to index
      %get3A_237 = tpu.vector_load %arg23[%get3A_235, %get3A_236] {strides = array<i32>} : memref<16x512xf32, #tpu.memory_space<vmem>>, vector<16xf32>,
      %get3A_238 = arith.constant 8 : i32
      %get3A_239 = arith.index_cast %get3A_238 : i32 to index
      %get3A_240 = arith.index_cast %add3A_110 : i32 to index
      %get3A_241 = tpu.vector_load %arg24[%get3A_239, %get3A_240] {strides = array<i32>} : memref<16x512xf32, #tpu.memory_space<vmem>>, vector<16xf32>,
      %mul3A_242 = arith.mulf %get3A_237, %get3A_241 : vector<16xf32>
      %add3A_243 = arith.addf %add3A_233, %mul3A_242 : vector<16xf32>
      %get3A_244 = arith.constant 9 : i32
      %get3A_245 = arith.index_cast %get3A_244 : i32 to index
      %get3A_246 = arith.index_cast %add3A_110 : i32 to index
      %get3A_247 = tpu.vector_load %arg23[%get3A_245, %get3A_246] {strides = array<i32>} : memref<16x512xf32, #tpu.memory_space<vmem>>, vector<16xf32>,
      %get3A_248 = arith.constant 9 : i32
      %get3A_249 = arith.index_cast %get3A_248 : i32 to index
      %get3A_250 = arith.index_cast %add3A_110 : i32 to index
      %get3A_251 = tpu.vector_load %arg24[%get3A_249, %get3A_250] {strides = array<i32>} : memref<16x512xf32, #tpu.memory_space<vmem>>, vector<16xf32>,
      %mul3A_252 = arith.mulf %get3A_247, %get3A_251 : vector<16xf32>
      %add3A_253 = arith.addf %add3A_243, %mul3A_252 : vector<16xf32>
      %get3A_254 = arith.constant 10 : i32
      %get3A_255 = arith.index_cast %get3A_254 : i32 to index
      %get3A_256 = arith.index_cast %add3A_110 : i32 to index
      %get3A_257 = tpu.vector_load %arg23[%get3A_255, %get3A_256] {strides = array<i32>} : memref<16x512xf32, #tpu.memory_space<vmem>>, vector<16xf32>,
      %get3A_258 = arith.constant 10 : i32
      %get3A_259 = arith.index_cast %get3A_258 : i32 to index
      %get3A_260 = arith.index_cast %add3A_110 : i32 to index
      %get3A_261 = tpu.vector_load %arg24[%get3A_259, %get3A_260] {strides = array<i32>} : memref<16x512xf32, #tpu.memory_space<vmem>>, vector<16xf32>,
      %mul3A_262 = arith.mulf %get3A_257, %get3A_261 : vector<16xf32>
      %add3A_263 = arith.addf %add3A_253, %mul3A_262 : vector<16xf32>
      %get3A_264 = arith.constant 11 : i32
      %get3A_265 = arith.index_cast %get3A_264 : i32 to index
      %get3A_266 = arith.index_cast %add3A_110 : i32 to index
      %get3A_267 = tpu.vector_load %arg23[%get3A_265, %get3A_266] {strides = array<i32>} : memref<16x512xf32, #tpu.memory_space<vmem>>, vector<16xf32>,
      %get3A_268 = arith.constant 11 : i32
      %get3A_269 = arith.index_cast %get3A_268 : i32 to index
      %get3A_270 = arith.index_cast %add3A_110 : i32 to index
      %get3A_271 = tpu.vector_load %arg24[%get3A_269, %get3A_270] {strides = array<i32>} : memref<16x512xf32, #tpu.memory_space<vmem>>, vector<16xf32>,
      %mul3A_272 = arith.mulf %get3A_267, %get3A_271 : vector<16xf32>
      %add3A_273 = arith.addf %add3A_263, %mul3A_272 : vector<16xf32>
      %get3A_274 = arith.constant 12 : i32
      %get3A_275 = arith.index_cast %get3A_274 : i32 to index
      %get3A_276 = arith.index_cast %add3A_110 : i32 to index
      %get3A_277 = tpu.vector_load %arg23[%get3A_275, %get3A_276] {strides = array<i32>} : memref<16x512xf32, #tpu.memory_space<vmem>>, vector<16xf32>,
      %get3A_278 = arith.constant 12 : i32
      %get3A_279 = arith.index_cast %get3A_278 : i32 to index
      %get3A_280 = arith.index_cast %add3A_110 : i32 to index
      %get3A_281 = tpu.vector_load %arg24[%get3A_279, %get3A_280] {strides = array<i32>} : memref<16x512xf32, #tpu.memory_space<vmem>>, vector<16xf32>,
      %mul3A_282 = arith.mulf %get3A_277, %get3A_281 : vector<16xf32>
      %add3A_283 = arith.addf %add3A_273, %mul3A_282 : vector<16xf32>
      %get3A_284 = arith.constant 13 : i32
      %get3A_285 = arith.index_cast %get3A_284 : i32 to index
      %get3A_286 = arith.index_cast %add3A_110 : i32 to index
      %get3A_287 = tpu.vector_load %arg23[%get3A_285, %get3A_286] {strides = array<i32>} : memref<16x512xf32, #tpu.memory_space<vmem>>, vector<16xf32>,
      %get3A_288 = arith.constant 13 : i32
      %get3A_289 = arith.index_cast %get3A_288 : i32 to index
      %get3A_290 = arith.index_cast %add3A_110 : i32 to index
      %get3A_291 = tpu.vector_load %arg24[%get3A_289, %get3A_290] {strides = array<i32>} : memref<16x512xf32, #tpu.memory_space<vmem>>, vector<16xf32>,
      %mul3A_292 = arith.mulf %get3A_287, %get3A_291 : vector<16xf32>
      %add3A_293 = arith.addf %add3A_283, %mul3A_292 : vector<16xf32>
      %get3A_294 = arith.constant 14 : i32
      %get3A_295 = arith.index_cast %get3A_294 : i32 to index
      %get3A_296 = arith.index_cast %add3A_110 : i32 to index
      %get3A_297 = tpu.vector_load %arg23[%get3A_295, %get3A_296] {strides = array<i32>} : memref<16x512xf32, #tpu.memory_space<vmem>>, vector<16xf32>,
      %get3A_298 = arith.constant 14 : i32
      %get3A_299 = arith.index_cast %get3A_298 : i32 to index
      %get3A_300 = arith.index_cast %add3A_110 : i32 to index
      %get3A_301 = tpu.vector_load %arg24[%get3A_299, %get3A_300] {strides = array<i32>} : memref<16x512xf32, #tpu.memory_space<vmem>>, vector<16xf32>,
      %mul3A_302 = arith.mulf %get3A_297, %get3A_301 : vector<16xf32>
      %add3A_303 = arith.addf %add3A_293, %mul3A_302 : vector<16xf32>
      %get3A_304 = arith.constant 15 : i32
      %get3A_305 = arith.index_cast %get3A_304 : i32 to index
      %get3A_306 = arith.index_cast %add3A_110 : i32 to index
      %get3A_307 = tpu.vector_load %arg23[%get3A_305, %get3A_306] {strides = array<i32>} : memref<16x512xf32, #tpu.memory_space<vmem>>, vector<16xf32>,
      %get3A_308 = arith.constant 15 : i32
      %get3A_309 = arith.index_cast %get3A_308 : i32 to index
      %get3A_310 = arith.index_cast %add3A_110 : i32 to index
      %get3A_311 = tpu.vector_load %arg24[%get3A_309, %get3A_310] {strides = array<i32>} : memref<16x512xf32, #tpu.memory_space<vmem>>, vector<16xf32>,
      %mul3A_312 = arith.mulf %get3A_307, %get3A_311 : vector<16xf32>
      %add3A_313 = arith.addf %add3A_303, %mul3A_312 : vector<16xf32>
      %swap3A = arith.index_cast %add3A_110 : i32 to index
      %swap3A_314 = tpu.vector_load %arg25[%swap3A] {strides = array<i32>} : memref<512xf32, #tpu.memory_space<vmem>>, vector<16xf32>,
      tpu.vector_store %arg25[%swap3A], %add3A_313 {strides = array<i32>} : memref<512xf32, #tpu.memory_space<vmem>>, vector<16xf32>,
    }
    %scan3A_92 = arith.constant 8 : i32
    %dma_wait3A_93 = arith.constant 0 : i32
    %dma_wait3A_94 = arith.constant 0 : i32
    %dma_wait3A_95 = tpu.memref_slice %arg4[%dma_wait3A_93, %dma_wait3A_94] : memref<7808x128xf32, #tpu.memory_space<hbm>> -> memref<7808x128xf32, #tpu.memory_space<hbm>>
    tpu.wait_indirect_dma semaphore(%arg26 : memref<!tpu.dma_semaphore, #tpu.memory_space<semaphore_mem>>) src(%dma_wait3A_95 : memref<7808x128xf32, #tpu.memory_space<hbm>>) dst(%arg18 : memref<128x128xf32, #tpu.memory_space<vmem>>)
    %dma_wait3A_96 = arith.constant 0 : i32
    %dma_wait3A_97 = arith.constant 0 : i32
    %dma_wait3A_98 = tpu.memref_slice %arg5[%dma_wait3A_96, %dma_wait3A_97] : memref<7808x128xf32, #tpu.memory_space<hbm>> -> memref<7808x128xf32, #tpu.memory_space<hbm>>
    tpu.wait_indirect_dma semaphore(%arg26 : memref<!tpu.dma_semaphore, #tpu.memory_space<semaphore_mem>>) src(%dma_wait3A_98 : memref<7808x128xf32, #tpu.memory_space<hbm>>) dst(%arg20 : memref<128x128xf32, #tpu.memory_space<vmem>>)
    %scan3A_99 = arith.constant 0 : i32
    %scan3A_100 = arith.constant 8 : i32
    %scan3A_101 = arith.addi %scan3A_99, %scan3A_100 : i32
    %scan3A_102 = arith.constant 1 : i32
    scf.for %scan3A_104 = %scan3A_99 to %scan3A_101 step %scan3A_102  : i32 {
      %mul3A_105 = arith.constant 16 : i32
      %mul3A_106 = arith.muli %scan3A_104, %mul3A_105 : i32
      %mul3A_107 = arith.constant 16 : i32
      %mul3A_108 = arith.muli %scan3A_104, %mul3A_107 : i32
      %add3A_109 = arith.constant 384 : i32
      %add3A_110 = arith.addi %add3A_109, %mul3A_108 : i32
      %mul3A_111 = arith.constant 16 : i32
      %mul3A_112 = arith.muli %scan3A_104, %mul3A_111 : i32
      %add3A_113 = vector.broadcast %mul3A_112 : i32 to vector<16xi32>
      %add3A_114 = arith.addi %add3A_113, %iota3A : vector<16xi32>
      %get3A = arith.index_cast %add3A_110 : i32 to index
      %get3A_115 = tpu.vector_load %arg11[%get3A] {strides = array<i32>} : memref<512xi32, #tpu.memory_space<vmem>>, vector<16xi32>,
      %get3A_116 = arith.index_cast %add3A_110 : i32 to index
      %get3A_117 = tpu.vector_load %arg12[%get3A_116] {strides = array<i32>} : memref<512xi32, #tpu.memory_space<vmem>>, vector<16xi32>,
      %and3A = arith.constant 127 : i32
      %and3A_118 = vector.broadcast %and3A : i32 to vector<16xi32>
      %and3A_119 = arith.andi %get3A_115, %and3A_118 : vector<16xi32>
      %gather3A = tpu.vector_load_idx %arg18[%add3A_114, %and3A_119] : memref<128x128xf32, #tpu.memory_space<vmem>>[vector<16xi32>, vector<16xi32>], vector<16xf32>,
      %and3A_120 = arith.constant 127 : i32
      %and3A_121 = vector.broadcast %and3A_120 : i32 to vector<16xi32>
      %and3A_122 = arith.andi %get3A_117, %and3A_121 : vector<16xi32>
      %gather3A_123 = tpu.vector_load_idx %arg20[%add3A_114, %and3A_122] : memref<128x128xf32, #tpu.memory_space<vmem>>[vector<16xi32>, vector<16xi32>], vector<16xf32>,
      %sub3A = arith.constant 998976 : i32
      %sub3A_124 = vector.broadcast %sub3A : i32 to vector<16xi32>
      %sub3A_125 = arith.subi %get3A_115, %sub3A_124 : vector<16xi32>
      %max3A = arith.constant 0 : i32
      %max3A_126 = vector.broadcast %max3A : i32 to vector<16xi32>
      %max3A_127 = arith.maxsi %sub3A_125, %max3A_126 : vector<16xi32>
      %sub3A_128 = arith.constant 998976 : i32
      %sub3A_129 = vector.broadcast %sub3A_128 : i32 to vector<16xi32>
      %sub3A_130 = arith.subi %get3A_117, %sub3A_129 : vector<16xi32>
      %max3A_131 = arith.constant 0 : i32
      %max3A_132 = vector.broadcast %max3A_131 : i32 to vector<16xi32>
      %max3A_133 = arith.maxsi %sub3A_130, %max3A_132 : vector<16xi32>
      %shift_right_arithmetic3A = arith.constant 7 : i32
      %shift_right_arithmetic3A_134 = vector.broadcast %shift_right_arithmetic3A : i32 to vector<16xi32>
      %shift_right_arithmetic3A_135 = arith.shrsi %max3A_127, %shift_right_arithmetic3A_134 : vector<16xi32>
      %and3A_136 = arith.constant 127 : i32
      %and3A_137 = vector.broadcast %and3A_136 : i32 to vector<16xi32>
      %and3A_138 = arith.andi %max3A_127, %and3A_137 : vector<16xi32>
      %gather3A_139 = tpu.vector_load_idx %arg21[%shift_right_arithmetic3A_135, %and3A_138] : memref<8x128xf32, #tpu.memory_space<vmem>>[vector<16xi32>, vector<16xi32>], vector<16xf32>,
      %shift_right_arithmetic3A_140 = arith.constant 7 : i32
      %shift_right_arithmetic3A_141 = vector.broadcast %shift_right_arithmetic3A_140 : i32 to vector<16xi32>
      %shift_right_arithmetic3A_142 = arith.shrsi %max3A_133, %shift_right_arithmetic3A_141 : vector<16xi32>
      %and3A_143 = arith.constant 127 : i32
      %and3A_144 = vector.broadcast %and3A_143 : i32 to vector<16xi32>
      %and3A_145 = arith.andi %max3A_133, %and3A_144 : vector<16xi32>
      %gather3A_146 = tpu.vector_load_idx %arg22[%shift_right_arithmetic3A_142, %and3A_145] : memref<8x128xf32, #tpu.memory_space<vmem>>[vector<16xi32>, vector<16xi32>], vector<16xf32>,
      %ge3A = arith.constant 998976 : i32
      %ge3A_147 = vector.broadcast %ge3A : i32 to vector<16xi32>
      %ge3A_148 = arith.cmpi sge, %get3A_115, %ge3A_147 : vector<16xi32>
      %select_n3A = arith.select %ge3A_148, %gather3A_139, %gather3A : vector<16xi1>, vector<16xf32>
      %ge3A_149 = arith.constant 998976 : i32
      %ge3A_150 = vector.broadcast %ge3A_149 : i32 to vector<16xi32>
      %ge3A_151 = arith.cmpi sge, %get3A_117, %ge3A_150 : vector<16xi32>
      %select_n3A_152 = arith.select %ge3A_151, %gather3A_146, %gather3A_123 : vector<16xi1>, vector<16xf32>
      %add3A_153 = arith.addf %select_n3A, %select_n3A_152 : vector<16xf32>
      %get3A_154 = arith.constant 0 : i32
      %get3A_155 = arith.index_cast %get3A_154 : i32 to index
      %get3A_156 = arith.index_cast %add3A_110 : i32 to index
      %get3A_157 = tpu.vector_load %arg23[%get3A_155, %get3A_156] {strides = array<i32>} : memref<16x512xf32, #tpu.memory_space<vmem>>, vector<16xf32>,
      %get3A_158 = arith.constant 0 : i32
      %get3A_159 = arith.index_cast %get3A_158 : i32 to index
      %get3A_160 = arith.index_cast %add3A_110 : i32 to index
      %get3A_161 = tpu.vector_load %arg24[%get3A_159, %get3A_160] {strides = array<i32>} : memref<16x512xf32, #tpu.memory_space<vmem>>, vector<16xf32>,
      %mul3A_162 = arith.mulf %get3A_157, %get3A_161 : vector<16xf32>
      %add3A_163 = arith.addf %add3A_153, %mul3A_162 : vector<16xf32>
      %get3A_164 = arith.constant 1 : i32
      %get3A_165 = arith.index_cast %get3A_164 : i32 to index
      %get3A_166 = arith.index_cast %add3A_110 : i32 to index
      %get3A_167 = tpu.vector_load %arg23[%get3A_165, %get3A_166] {strides = array<i32>} : memref<16x512xf32, #tpu.memory_space<vmem>>, vector<16xf32>,
      %get3A_168 = arith.constant 1 : i32
      %get3A_169 = arith.index_cast %get3A_168 : i32 to index
      %get3A_170 = arith.index_cast %add3A_110 : i32 to index
      %get3A_171 = tpu.vector_load %arg24[%get3A_169, %get3A_170] {strides = array<i32>} : memref<16x512xf32, #tpu.memory_space<vmem>>, vector<16xf32>,
      %mul3A_172 = arith.mulf %get3A_167, %get3A_171 : vector<16xf32>
      %add3A_173 = arith.addf %add3A_163, %mul3A_172 : vector<16xf32>
      %get3A_174 = arith.constant 2 : i32
      %get3A_175 = arith.index_cast %get3A_174 : i32 to index
      %get3A_176 = arith.index_cast %add3A_110 : i32 to index
      %get3A_177 = tpu.vector_load %arg23[%get3A_175, %get3A_176] {strides = array<i32>} : memref<16x512xf32, #tpu.memory_space<vmem>>, vector<16xf32>,
      %get3A_178 = arith.constant 2 : i32
      %get3A_179 = arith.index_cast %get3A_178 : i32 to index
      %get3A_180 = arith.index_cast %add3A_110 : i32 to index
      %get3A_181 = tpu.vector_load %arg24[%get3A_179, %get3A_180] {strides = array<i32>} : memref<16x512xf32, #tpu.memory_space<vmem>>, vector<16xf32>,
      %mul3A_182 = arith.mulf %get3A_177, %get3A_181 : vector<16xf32>
      %add3A_183 = arith.addf %add3A_173, %mul3A_182 : vector<16xf32>
      %get3A_184 = arith.constant 3 : i32
      %get3A_185 = arith.index_cast %get3A_184 : i32 to index
      %get3A_186 = arith.index_cast %add3A_110 : i32 to index
      %get3A_187 = tpu.vector_load %arg23[%get3A_185, %get3A_186] {strides = array<i32>} : memref<16x512xf32, #tpu.memory_space<vmem>>, vector<16xf32>,
      %get3A_188 = arith.constant 3 : i32
      %get3A_189 = arith.index_cast %get3A_188 : i32 to index
      %get3A_190 = arith.index_cast %add3A_110 : i32 to index
      %get3A_191 = tpu.vector_load %arg24[%get3A_189, %get3A_190] {strides = array<i32>} : memref<16x512xf32, #tpu.memory_space<vmem>>, vector<16xf32>,
      %mul3A_192 = arith.mulf %get3A_187, %get3A_191 : vector<16xf32>
      %add3A_193 = arith.addf %add3A_183, %mul3A_192 : vector<16xf32>
      %get3A_194 = arith.constant 4 : i32
      %get3A_195 = arith.index_cast %get3A_194 : i32 to index
      %get3A_196 = arith.index_cast %add3A_110 : i32 to index
      %get3A_197 = tpu.vector_load %arg23[%get3A_195, %get3A_196] {strides = array<i32>} : memref<16x512xf32, #tpu.memory_space<vmem>>, vector<16xf32>,
      %get3A_198 = arith.constant 4 : i32
      %get3A_199 = arith.index_cast %get3A_198 : i32 to index
      %get3A_200 = arith.index_cast %add3A_110 : i32 to index
      %get3A_201 = tpu.vector_load %arg24[%get3A_199, %get3A_200] {strides = array<i32>} : memref<16x512xf32, #tpu.memory_space<vmem>>, vector<16xf32>,
      %mul3A_202 = arith.mulf %get3A_197, %get3A_201 : vector<16xf32>
      %add3A_203 = arith.addf %add3A_193, %mul3A_202 : vector<16xf32>
      %get3A_204 = arith.constant 5 : i32
      %get3A_205 = arith.index_cast %get3A_204 : i32 to index
      %get3A_206 = arith.index_cast %add3A_110 : i32 to index
      %get3A_207 = tpu.vector_load %arg23[%get3A_205, %get3A_206] {strides = array<i32>} : memref<16x512xf32, #tpu.memory_space<vmem>>, vector<16xf32>,
      %get3A_208 = arith.constant 5 : i32
      %get3A_209 = arith.index_cast %get3A_208 : i32 to index
      %get3A_210 = arith.index_cast %add3A_110 : i32 to index
      %get3A_211 = tpu.vector_load %arg24[%get3A_209, %get3A_210] {strides = array<i32>} : memref<16x512xf32, #tpu.memory_space<vmem>>, vector<16xf32>,
      %mul3A_212 = arith.mulf %get3A_207, %get3A_211 : vector<16xf32>
      %add3A_213 = arith.addf %add3A_203, %mul3A_212 : vector<16xf32>
      %get3A_214 = arith.constant 6 : i32
      %get3A_215 = arith.index_cast %get3A_214 : i32 to index
      %get3A_216 = arith.index_cast %add3A_110 : i32 to index
      %get3A_217 = tpu.vector_load %arg23[%get3A_215, %get3A_216] {strides = array<i32>} : memref<16x512xf32, #tpu.memory_space<vmem>>, vector<16xf32>,
      %get3A_218 = arith.constant 6 : i32
      %get3A_219 = arith.index_cast %get3A_218 : i32 to index
      %get3A_220 = arith.index_cast %add3A_110 : i32 to index
      %get3A_221 = tpu.vector_load %arg24[%get3A_219, %get3A_220] {strides = array<i32>} : memref<16x512xf32, #tpu.memory_space<vmem>>, vector<16xf32>,
      %mul3A_222 = arith.mulf %get3A_217, %get3A_221 : vector<16xf32>
      %add3A_223 = arith.addf %add3A_213, %mul3A_222 : vector<16xf32>
      %get3A_224 = arith.constant 7 : i32
      %get3A_225 = arith.index_cast %get3A_224 : i32 to index
      %get3A_226 = arith.index_cast %add3A_110 : i32 to index
      %get3A_227 = tpu.vector_load %arg23[%get3A_225, %get3A_226] {strides = array<i32>} : memref<16x512xf32, #tpu.memory_space<vmem>>, vector<16xf32>,
      %get3A_228 = arith.constant 7 : i32
      %get3A_229 = arith.index_cast %get3A_228 : i32 to index
      %get3A_230 = arith.index_cast %add3A_110 : i32 to index
      %get3A_231 = tpu.vector_load %arg24[%get3A_229, %get3A_230] {strides = array<i32>} : memref<16x512xf32, #tpu.memory_space<vmem>>, vector<16xf32>,
      %mul3A_232 = arith.mulf %get3A_227, %get3A_231 : vector<16xf32>
      %add3A_233 = arith.addf %add3A_223, %mul3A_232 : vector<16xf32>
      %get3A_234 = arith.constant 8 : i32
      %get3A_235 = arith.index_cast %get3A_234 : i32 to index
      %get3A_236 = arith.index_cast %add3A_110 : i32 to index
      %get3A_237 = tpu.vector_load %arg23[%get3A_235, %get3A_236] {strides = array<i32>} : memref<16x512xf32, #tpu.memory_space<vmem>>, vector<16xf32>,
      %get3A_238 = arith.constant 8 : i32
      %get3A_239 = arith.index_cast %get3A_238 : i32 to index
      %get3A_240 = arith.index_cast %add3A_110 : i32 to index
      %get3A_241 = tpu.vector_load %arg24[%get3A_239, %get3A_240] {strides = array<i32>} : memref<16x512xf32, #tpu.memory_space<vmem>>, vector<16xf32>,
      %mul3A_242 = arith.mulf %get3A_237, %get3A_241 : vector<16xf32>
      %add3A_243 = arith.addf %add3A_233, %mul3A_242 : vector<16xf32>
      %get3A_244 = arith.constant 9 : i32
      %get3A_245 = arith.index_cast %get3A_244 : i32 to index
      %get3A_246 = arith.index_cast %add3A_110 : i32 to index
      %get3A_247 = tpu.vector_load %arg23[%get3A_245, %get3A_246] {strides = array<i32>} : memref<16x512xf32, #tpu.memory_space<vmem>>, vector<16xf32>,
      %get3A_248 = arith.constant 9 : i32
      %get3A_249 = arith.index_cast %get3A_248 : i32 to index
      %get3A_250 = arith.index_cast %add3A_110 : i32 to index
      %get3A_251 = tpu.vector_load %arg24[%get3A_249, %get3A_250] {strides = array<i32>} : memref<16x512xf32, #tpu.memory_space<vmem>>, vector<16xf32>,
      %mul3A_252 = arith.mulf %get3A_247, %get3A_251 : vector<16xf32>
      %add3A_253 = arith.addf %add3A_243, %mul3A_252 : vector<16xf32>
      %get3A_254 = arith.constant 10 : i32
      %get3A_255 = arith.index_cast %get3A_254 : i32 to index
      %get3A_256 = arith.index_cast %add3A_110 : i32 to index
      %get3A_257 = tpu.vector_load %arg23[%get3A_255, %get3A_256] {strides = array<i32>} : memref<16x512xf32, #tpu.memory_space<vmem>>, vector<16xf32>,
      %get3A_258 = arith.constant 10 : i32
      %get3A_259 = arith.index_cast %get3A_258 : i32 to index
      %get3A_260 = arith.index_cast %add3A_110 : i32 to index
      %get3A_261 = tpu.vector_load %arg24[%get3A_259, %get3A_260] {strides = array<i32>} : memref<16x512xf32, #tpu.memory_space<vmem>>, vector<16xf32>,
      %mul3A_262 = arith.mulf %get3A_257, %get3A_261 : vector<16xf32>
      %add3A_263 = arith.addf %add3A_253, %mul3A_262 : vector<16xf32>
      %get3A_264 = arith.constant 11 : i32
      %get3A_265 = arith.index_cast %get3A_264 : i32 to index
      %get3A_266 = arith.index_cast %add3A_110 : i32 to index
      %get3A_267 = tpu.vector_load %arg23[%get3A_265, %get3A_266] {strides = array<i32>} : memref<16x512xf32, #tpu.memory_space<vmem>>, vector<16xf32>,
      %get3A_268 = arith.constant 11 : i32
      %get3A_269 = arith.index_cast %get3A_268 : i32 to index
      %get3A_270 = arith.index_cast %add3A_110 : i32 to index
      %get3A_271 = tpu.vector_load %arg24[%get3A_269, %get3A_270] {strides = array<i32>} : memref<16x512xf32, #tpu.memory_space<vmem>>, vector<16xf32>,
      %mul3A_272 = arith.mulf %get3A_267, %get3A_271 : vector<16xf32>
      %add3A_273 = arith.addf %add3A_263, %mul3A_272 : vector<16xf32>
      %get3A_274 = arith.constant 12 : i32
      %get3A_275 = arith.index_cast %get3A_274 : i32 to index
      %get3A_276 = arith.index_cast %add3A_110 : i32 to index
      %get3A_277 = tpu.vector_load %arg23[%get3A_275, %get3A_276] {strides = array<i32>} : memref<16x512xf32, #tpu.memory_space<vmem>>, vector<16xf32>,
      %get3A_278 = arith.constant 12 : i32
      %get3A_279 = arith.index_cast %get3A_278 : i32 to index
      %get3A_280 = arith.index_cast %add3A_110 : i32 to index
      %get3A_281 = tpu.vector_load %arg24[%get3A_279, %get3A_280] {strides = array<i32>} : memref<16x512xf32, #tpu.memory_space<vmem>>, vector<16xf32>,
      %mul3A_282 = arith.mulf %get3A_277, %get3A_281 : vector<16xf32>
      %add3A_283 = arith.addf %add3A_273, %mul3A_282 : vector<16xf32>
      %get3A_284 = arith.constant 13 : i32
      %get3A_285 = arith.index_cast %get3A_284 : i32 to index
      %get3A_286 = arith.index_cast %add3A_110 : i32 to index
      %get3A_287 = tpu.vector_load %arg23[%get3A_285, %get3A_286] {strides = array<i32>} : memref<16x512xf32, #tpu.memory_space<vmem>>, vector<16xf32>,
      %get3A_288 = arith.constant 13 : i32
      %get3A_289 = arith.index_cast %get3A_288 : i32 to index
      %get3A_290 = arith.index_cast %add3A_110 : i32 to index
      %get3A_291 = tpu.vector_load %arg24[%get3A_289, %get3A_290] {strides = array<i32>} : memref<16x512xf32, #tpu.memory_space<vmem>>, vector<16xf32>,
      %mul3A_292 = arith.mulf %get3A_287, %get3A_291 : vector<16xf32>
      %add3A_293 = arith.addf %add3A_283, %mul3A_292 : vector<16xf32>
      %get3A_294 = arith.constant 14 : i32
      %get3A_295 = arith.index_cast %get3A_294 : i32 to index
      %get3A_296 = arith.index_cast %add3A_110 : i32 to index
      %get3A_297 = tpu.vector_load %arg23[%get3A_295, %get3A_296] {strides = array<i32>} : memref<16x512xf32, #tpu.memory_space<vmem>>, vector<16xf32>,
      %get3A_298 = arith.constant 14 : i32
      %get3A_299 = arith.index_cast %get3A_298 : i32 to index
      %get3A_300 = arith.index_cast %add3A_110 : i32 to index
      %get3A_301 = tpu.vector_load %arg24[%get3A_299, %get3A_300] {strides = array<i32>} : memref<16x512xf32, #tpu.memory_space<vmem>>, vector<16xf32>,
      %mul3A_302 = arith.mulf %get3A_297, %get3A_301 : vector<16xf32>
      %add3A_303 = arith.addf %add3A_293, %mul3A_302 : vector<16xf32>
      %get3A_304 = arith.constant 15 : i32
      %get3A_305 = arith.index_cast %get3A_304 : i32 to index
      %get3A_306 = arith.index_cast %add3A_110 : i32 to index
      %get3A_307 = tpu.vector_load %arg23[%get3A_305, %get3A_306] {strides = array<i32>} : memref<16x512xf32, #tpu.memory_space<vmem>>, vector<16xf32>,
      %get3A_308 = arith.constant 15 : i32
      %get3A_309 = arith.index_cast %get3A_308 : i32 to index
      %get3A_310 = arith.index_cast %add3A_110 : i32 to index
      %get3A_311 = tpu.vector_load %arg24[%get3A_309, %get3A_310] {strides = array<i32>} : memref<16x512xf32, #tpu.memory_space<vmem>>, vector<16xf32>,
      %mul3A_312 = arith.mulf %get3A_307, %get3A_311 : vector<16xf32>
      %add3A_313 = arith.addf %add3A_303, %mul3A_312 : vector<16xf32>
      %swap3A = arith.index_cast %add3A_110 : i32 to index
      %swap3A_314 = tpu.vector_load %arg25[%swap3A] {strides = array<i32>} : memref<512xf32, #tpu.memory_space<vmem>>, vector<16xf32>,
      tpu.vector_store %arg25[%swap3A], %add3A_313 {strides = array<i32>} : memref<512xf32, #tpu.memory_space<vmem>>, vector<16xf32>,
    }
    %scan3A_103 = arith.constant 8 : i32
    "tpu.region"() ({
      %run_scoped3A = tpu.sem_alloc : memref<!tpu.dma_semaphore, #tpu.memory_space<semaphore_mem>>
      %dma_start3A_104 = tpu.memref_slice %arg10[%mul3A_2] : memref<16384xf32, #tpu.memory_space<hbm>> -> memref<512xf32, #tpu.memory_space<hbm>>
      %dma_start3A_105 = tpu.memref_slice %arg10[%mul3A_2] : memref<16384xf32, #tpu.memory_space<hbm>> -> memref<512xf32, #tpu.memory_space<hbm>>
      tpu.enqueue_dma source(%arg25 : memref<512xf32, #tpu.memory_space<vmem>>) target(%dma_start3A_105 : memref<512xf32, #tpu.memory_space<hbm>>) target_semaphore(%run_scoped3A : memref<!tpu.dma_semaphore, #tpu.memory_space<semaphore_mem>>)
      %dma_wait3A_106 = tpu.memref_slice %arg10[%mul3A_2] : memref<16384xf32, #tpu.memory_space<hbm>> -> memref<512xf32, #tpu.memory_space<hbm>>
      %dma_wait3A_107 = tpu.memref_slice %arg10[%mul3A_2] : memref<16384xf32, #tpu.memory_space<hbm>> -> memref<512xf32, #tpu.memory_space<hbm>>
      tpu.wait_dma2 semaphore(%run_scoped3A : memref<!tpu.dma_semaphore, #tpu.memory_space<semaphore_mem>>) src(%arg25 : memref<512xf32, #tpu.memory_space<vmem>>) dst(%dma_wait3A_107 : memref<512xf32, #tpu.memory_space<hbm>>)
      tpu.yield
    }) : () -> ()
    return
  }
}

</mosaic_0001>

<sc_bundles>
// kernel: gather_offload_async_start.1
scs
__scs_entry_jumppad:
0x0: {  	(pc) =	sbr.rel $0x88, $3  }
0x1: {  	(tag) =	ssettag $0x0;
	lr =	simm.s32 $0x1  }
0x2: {  	[smem:$0x3F9B] =	sst lr;
	_ =	strace $0xD0000000  }
0x3: {  	_ = 	snop  }
0x4: {  	_ = 	snop  }
0x5: {  	_ = 	snop  }
0x6: {  	_ = 	snop  }
0x7: {  	_ = 	snop  }
__scs_overlays_trampoline_lowered:
0x8: {  	[smem:$0x3FAA] =	sst s0  }
0x9: {  	[smem:$0x3FAB] =	sst s1  }
0xa: {  	[smem:$0x3FAC] =	sst s2  }
0xb: {  	[smem:$0x3FAD] =	sst s3  }
0xc: {  	[smem:$0x3FAE] =	sst s4  }
0xd: {  	[smem:$0x3FAF] =	sst s5  }
0xe: {  	[smem:$0x3FB0] =	sst s6  }
0xf: {  	[smem:$0x3FB1] =	sst s7  }
0x10: {  	[smem:$0x3FB2] =	sst s8  }
0x11: {  	[smem:$0x3FB3] =	sst s9;
	s0 =	simm.s32 @!p0 $0x0  }
0x12: {  	s1 =	sld [smem:$0x3F99];
	s0 =	simm.s32 @p0 $0x1  }
0x13: {  	[smem:$0x3FB4] =	sst s0;
	s0 =	simm.s32 @!p1 $0x0  }
0x14: {  	s2 =	sld [smem:$0x3F98];
	s0 =	simm.s32 @p1 $0x1  }
0x15: {  	[smem:$0x3FB5] =	sst s0;
	s0 =	simm.s32 @!p2 $0x0  }
0x16: {  	s3 =	sld [smem:$0x3FDB];
	s0 =	simm.s32 @p2 $0x1  }
0x17: {  	s4 =	simm.s32 $0x1BF5;
	[smem:$0x3FB7] =	sst s0  }
0x18: {  	s0 =	sld [smem:$0x3F9A];
	_ =	swait.ge [sflag:s4], $0x0  }
0x19: {  	s7 =	sld [smem:$0x3F9B]  }
0x1a: {  	s8 =	sadd.s32 $0xFFFFE003, lr  }
0x1b: {  	s9 =	sadd.s32 $0xFFFFFEF7, lr;
	s5 =	simm.s32 $0xFFFFFFFF;
	p2 =	slt.u32 s8, $0xFFFFF086  }
0x1c: {  	p1 =	slt.u32 s9, $0xF7A;
	s5 =	simm.s32 @!p2 $0x0  }
0x1d: {  	s5 =	simm.s32 @p1 $0x1;
	p0 =	seq.s32 s7, s2  }
0x1e: {  	s7 =	smul.u32 @!p0 $0xF7A, s2;
	p2 =	seq.s32 @!p0 s5, $0x0  }
0x1f: {  	s9 =	smul.u32 $0xF7A, s1;
	s8 =	simm.s32 @!p0 $0x1BF5;
	p2 =	por !p2, p0  }
0x20: {  	[sflag:s8] =	ssyncset.s32 @!p0 $0xFFFFF086;
	s6 =	sadd.s32 @!p0 s3, s7;
	s7 =	simm.s32 @!p0 $0x108  }
0x21: {  	s3 =	sadd.s32 s3, s9;
	s6 =	sadd.s32 @!p0 $0x88, s6;
	s7 =	simm.s32 @p2 $0x1082  }
0x22: {  	[simem:s7], [sflag:s8] =	dma.local @!p0 [hbm:s6], $0xF7A  }
0x23: {  	s9 =	sor.u32 $0xD0000000, s2;
	s6 =	simm.s32 $0x108;
	_ =	swait.ge @!p0 [sflag:s8], $0x0  }
0x24: {  	s3 =	sadd.s32 $0x88, s3;
	s6 =	simm.s32 @!p1 $0x1082;
	[sflag:s4] =	ssyncset.s32 $0xFFFFF086  }
0x25: {  	[simem:s6], [sflag:s4] =	dma.local [hbm:s3], $0xF7A  }
0x26: {  	[smem:$0x3F9B] =	sst s1;
	(tag) =	ssettag s2;
	_ =	strace s9  }
0x27: {  	s1 =	sld [smem:$0x3FAB]  }
0x28: {  	s2 =	sld [smem:$0x3FAC]  }
0x29: {  	s4 =	sld [smem:$0x3FAE]  }
0x2a: {  	p0 =	seq.s32 s5, $0x0;
	s5 =	sld [smem:$0x3FAF]  }
0x2b: {  	s6 =	sld [smem:$0x3FB0]  }
0x2c: {  	s7 =	sld [smem:$0x3FB1]  }
0x2d: {  	s3 =	simm.s32 $0x108;
	s8 =	sld [smem:$0x3FB2]  }
0x2e: {  	s3 =	simm.s32 @!p0 $0x1082;
	s9 =	sld [smem:$0x3FB3]  }
0x2f: {  	lr =	sadd.s32 s0, s3;
	s0 =	sld [smem:$0x3FAA]  }
0x30: {  	s3 =	sld [smem:$0x3FAD]  }
0x31: {  	[smem:$0x3FB6] =	sst s10  }
0x32: {  	s10 =	sld [smem:$0x3FB4];
	_ =	sdelay $0x3  }
0x33: {  	p0 =	seq.s32 s10, $0x1;
	s10 =	sld [smem:$0x3FB6];
	_ =	sdelay $0x3  }
0x34: {  	[smem:$0x3FB6] =	sst s10  }
0x35: {  	s10 =	sld [smem:$0x3FB5];
	_ =	sdelay $0x3  }
0x36: {  	p1 =	seq.s32 s10, $0x1;
	s10 =	sld [smem:$0x3FB6];
	_ =	sdelay $0x3  }
0x37: {  	[smem:$0x3FB6] =	sst s10  }
0x38: {  	s10 =	sld [smem:$0x3FB7]  }
0x39: {  	_ = 	snop;
	(pc) =	sbr.ind lr, $3  }
0x3a: {  	_ = 	snop  }
0x3b: {  	_ = 	snop  }
0x3c: {  	p2 =	seq.s32 s10, $0x1;
	s10 =	sld [smem:$0x3FB6]  }
0x3d: {  	_ =	shalt  }
0x3e: {  	_ =	shalt  }
0x3f: {  	_ =	shalt  }
0x40: {  	_ =	shalt  }
0x41: {  	_ =	shalt  }
0x42: {  	_ =	shalt  }
0x43: {  	_ =	shalt  }
0x44: {  	_ =	shalt  }
0x45: {  	_ =	shalt  }
0x46: {  	_ =	shalt  }
0x47: {  	_ =	shalt  }
0x48: {  	_ =	shalt  }
0x49: {  	_ =	shalt  }
0x4a: {  	_ =	shalt  }
0x4b: {  	_ =	shalt  }
0x4c: {  	_ =	shalt  }
0x4d: {  	_ =	shalt  }
0x4e: {  	_ =	shalt  }
0x4f: {  	_ =	shalt  }
0x50: {  	_ =	shalt  }
0x51: {  	_ =	shalt  }
0x52: {  	_ =	shalt  }
0x53: {  	_ =	shalt  }
0x54: {  	_ =	shalt  }
0x55: {  	_ =	shalt  }
0x56: {  	_ =	shalt  }
0x57: {  	_ =	shalt  }
0x58: {  	_ =	shalt  }
0x59: {  	_ =	shalt  }
0x5a: {  	_ =	shalt  }
0x5b: {  	_ =	shalt  }
0x5c: {  	_ =	shalt  }
0x5d: {  	_ =	shalt  }
0x5e: {  	_ =	shalt  }
0x5f: {  	_ =	shalt  }
0x60: {  	_ =	shalt  }
0x61: {  	_ =	shalt  }
0x62: {  	_ =	shalt  }
0x63: {  	_ =	shalt  }
0x64: {  	_ =	shalt  }
0x65: {  	_ =	shalt  }
0x66: {  	_ =	shalt  }
0x67: {  	_ =	shalt  }
0x68: {  	_ =	shalt  }
0x69: {  	_ =	shalt  }
0x6a: {  	_ =	shalt  }
0x6b: {  	_ =	shalt  }
0x6c: {  	_ =	shalt  }
0x6d: {  	_ =	shalt  }
0x6e: {  	_ =	shalt  }
0x6f: {  	_ =	shalt  }
0x70: {  	_ =	shalt  }
0x71: {  	_ =	shalt  }
0x72: {  	_ =	shalt  }
0x73: {  	_ =	shalt  }
0x74: {  	_ =	shalt  }
0x75: {  	_ =	shalt  }
0x76: {  	_ =	shalt  }
0x77: {  	_ =	shalt  }
0x78: {  	_ =	shalt  }
0x79: {  	_ =	shalt  }
0x7a: {  	_ =	shalt  }
0x7b: {  	_ =	shalt  }
0x7c: {  	_ =	shalt  }
0x7d: {  	_ =	shalt  }
0x7e: {  	_ =	shalt  }
0x7f: {  	_ =	shalt  }
0x80: {  	_ =	shalt  }
0x81: {  	_ =	shalt  }
0x82: {  	_ =	shalt  }
0x83: {  	_ =	shalt  }
0x84: {  	_ =	shalt  }
0x85: {  	_ =	shalt  }
0x86: {  	_ =	shalt  }
0x87: {  	_ =	shalt  }
.Lfunc_end0:
.L_simem_size_0:
called_computation.1_lowered:
.L_overlay_start_0:
0x88: {  	s2 =	sld [smem:$0x3FD9]  }
0x89: {  	s3 =	sld [smem:$0x3FFE];
	_ =	sdelay $0x1  }
0x8a: {  	s1 =	srdreg.scid  }
0x8b: {  	s0 =	sand.u32 $0x1, s1  }
0x8c: {  	s17 =	sshll.u32 s0, $0xA;
	s2 =	sadd.s32 s3, s2  }
0x8d: {  	s2 =	sadd.s32 s2, s17  }
0x8e: {  	[smem:$0x3FC2] =	sst s2  }
0x8f: {  	_ = 	snop  }
0x90: {  	s2 =	sld [smem:$0x3FC4]  }
0x91: {  	s18 =	sld [smem:$0x3FD0];
	(tm) =	ssettm $0x1  }
0x92: {  	s4 =	sld [smem:$0x3FFB];
	_ =	sdelay $0x3  }
0x93: {  	_ =	strace s4  }
0x94: {  	s4 =	sld [smem:$0x3FFC];
	_ =	sdelay $0x3  }
0x95: {  	_ =	strace s4  }
0x96: {  	s4 =	sld [smem:$0x3FFD];
	_ =	sdelay $0x3  }
0x97: {  	_ =	strace s4  }
0x98: {  	_ =	strace $0x8FFFFFFF  }
0x99: {  	s19 =	sld [smem:$0x3FDB];
	_ =	sdelay $0x1  }
0x9a: {  	s5 =	simm.s32 $_scs_section_size  }
0x9b: {  	s6 =	simm.s32 $_size__tile_overlayer_lowered;
	s7 =	simm.s32 $_tile_overlayer_lowered  }
0x9c: {  	s22 =	simm.s32 $0x1BFF;
	s21 =	sshll.u32 s7, $0x1;
	s4 =	sadd.s32 s5, s19  }
0x9d: {  	s8 =	simm.s32 $0x0;
	s20 =	sshll.u32 s6, $0x1;
	s6 =	sadd.s32 s21, s4  }
0x9e: {  	[timem:s8], [sflag:s22] =	dma.local [hbm:s6], s20  }
0x9f: {  	_ =	swait.ge [sflag:s22], s20  }
0xa0: {  	s5 =	ssub.s32 $0x0, s20;
	[sflag:s22] =	ssyncset.done $0x0  }
0xa1: {  	[sflag:s22] =	ssyncadd.s32 s5;
	_ =	sdelay $0x1  }
0xa2: {  	s23 =	simm.s32 $0x1B8B  }
0xa3: {  	_ =	swait.ge [sflag:s23], $0x1  }
0xa4: {  	[sflag:s23] =	ssyncset.done $0x0  }
0xa5: {  	s25 =	simm.s32 $0x1B8E;
	s24 =	sld [smem:$0x3FFE];
	[sflag:s23] =	ssyncadd.s32 $0xFFFFFFFF  }
0xa6: {  	s26 =	simm.s32 $execute0_lowered;
	[smem:$0x3FD2] =	sst s25  }
0xa7: {  	s6 =	sshll.u32 s26, $0x1;
	_ =	strace $0x80000046;
	[dreg:$0x1] =	wrdreg $0xFFFFFFFF  }
0xa8: {  	s28 =	simm.s32 $_size_execute0_lowered;
	s4 =	sadd.s32 s4, s6;
	[dreg:$0x0] =	wrdreg $0x0  }
0xa9: {  	s6 =	sshll.u32 s28, $0x1;
	[dreg:$0x2] =	wrdreg s4  }
0xaa: {  	[dreg:$0x3] =	wrdreg s6  }
0xab: {  	[dreg:$0x4] =	wrdreg $0xC0  }
0xac: {  	_ =	task [dreg:s8], $0x5FFFF  }
0xad: {  	[dreg:$0x1] =	wrdreg $0xFFFFFFFF  }
0xae: {  	[dreg:$0x0] =	wrdreg $0x60  }
0xaf: {  	[dreg:$0x2] =	wrdreg s2  }
0xb0: {  	[dreg:$0x3] =	wrdreg s18  }
0xb1: {  	[dreg:$0x4] =	wrdreg s24  }
0xb2: {  	[dreg:$0x5] =	wrdreg $0xA  }
0xb3: {  	_ =	task.clear_ibuf [dreg:s8], $0x6FFFF;
	_ =	strace $0x90000046  }
0xb4: {  	s29 =	simm.s32 $0xA;
	_ =	strace $0x80000048  }
0xb5: {  	_ =	swait.ge [sflag:s29], $0x1  }
0xb6: {  	[sflag:s29] =	ssyncadd.s32 $0xFFFFFFFF  }
0xb7: {  	_ =	strace $0x90000048  }
0xb8: {  	_ =	sfence  }
0xb9: {  	s30 =	sld [smem:$0x0];
	_ =	sdelay $0x2  }
0xba: {  	s31 =	sshll.u32 s1, $0xD;
	s1 =	sshrl.u32 s1, $0x2  }
0xbb: {  	s3 =	sand.u32 $0x4000, s31;
	s1 =	sadd.s32 s1, s30  }
0xbc: {  	s0 =	sor.u32 s3, s0;
	s1 =	sshll.u32 s1, $0x11  }
0xbd: {  	s0 =	sor.u32 s1, s0  }
0xbe: {  	s0 =	sadd.s32 $0x8F2B, s0  }
0xbf: {  	[sflag:s0] =	ssyncadd.remote.s32 $0x1  }
0xc0: {  	_ =	sfence.sel $0xFFFF  }
0xc1: {  	[dreg:$0x0] =	wrdreg $0xFFFFFFFF;
	(pc) =	sbr.abs _section_cstart, $3  }
0xc2: {  	[dreg:$0x1] =	wrdreg $0xFFFFFFFF  }
0xc3: {  	_ =	task.clear_ibuf [dreg:s8], $0x2FFFF;
	_ =	strace $0x9FFFFFFF  }
0xc4: {  	(tm) =	ssettm $0x7FFFFFFF  }
0xc5: {  	_ =	shalt  }
tec
execute0_lowered:
.L_overlay_start_1:
0x0: {  	(tag) =	ssettag $0x1  }
0x1: {  	s2 =	rddreg [dreg:$0x0]  }
0x2: {  	s8 =	rddreg [dreg:$0x1]  }
0x3: {  	s0 =	srdreg.scid;
	s9 =	rddreg [dreg:$0x2]  }
0x4: {  	s1 =	stileid.u32;
	s11 =	simm.s32 $0x3;
	s13 =	simm.s32 $0x0  }
0x5: {  	s3 =	sshll.u32 s0, $0x9;
	s0 =	rddreg [dreg:$0x3];
	s4 =	sshll.u32 s1, $0xA  }
0x6: {  	_ =	strace $0x80000047;
	s6 =	sadd.s32 $0x3F600, s9;
	s5 =	sand.u32 $0x200, s3  }
0x7: {  	s9 =	sadd.s32 $0x43600, s9;
	s3 =	simm.s32 $0x1;
	s4 =	sor.u32 s4, s5  }
0x8: {  	[sflag:s3] =	ssyncpa.u1 $0x0;
	s5 =	simm.s32 $0x2;
	s7 =	ssub.s32 $0x4000, s4  }
.Ltmp0:
0x9: {  	[sflag:s5] =	ssyncpa.u1 $0x0;
	s10 =	sand.u32 $0x3E00, s7;
	(pc) =	sbr.rel .LBB2_1-.Ltmp0, $4  }
0xa: {  	s12 =	sshrl.u32 s4, $0x3;
	p0 =	sne.s32 s10, $0x0;
	s10 =	simm.s32 $0x1  }
0xb: {  	s7 =	sshrl.u32 s7, $0xE;
	[sflag:s11] =	ssyncpa.u1 $0x0;
	s10 =	simm.s32 @!p0 $0x0  }
0xc: {  	s8 =	sadd.s32 s8, s12;
	s11 =	simm.s32 $0x0;
	s7 =	sadd.s32 s10, s7  }
0xd: {  	vm0 =	vmmov $0xffff;
	s12 =	simm.s32 $0x0;
	p0 =	por $0x0, $0x0;
	s10 =	sadd.s32 $0x1, s7  }
.LBB2_4:
0xe: {  	_ =	sdelay $0x3  }
0xf: {  	[tilespmem:s19], [sflag:$0x1] =	stream.indirect_vreg.gather [hbm4b:s2+s11], $0x1, v0, vm0, $0x4038;
	[tilespmem:$0x4400] =	vst v63  }
0x10: {  	s16 =	sshll.u32 s13, $0x3  }
0x11: {  	s30 =	sand.u32 $0x78, s13;
	s16 =	sand.u32 $0x7FFFFC00, s16  }
0x12: {  	_ =	swait.ge [sflag:s3], $0x2000;
	s13 =	sor.u32 s30, s16  }
0x13: {  	[sflag:s3] =	ssyncset.done $0x0;
	s13 =	sshrl.u32 s13, $0x3  }
0x14: {  	[sflag:s3] =	ssyncadd.s32 $0xFFFFE000;
	s31 =	sadd.s32 s6, s13  }
0x15: {  	[hbm:s31] =	stream.linear.scatter [tilespmem:s15], [sflag:$0x3], $0x1000, $0x38;
	[tilespmem:$0x4400] =	vst v63  }
0x16: {  	s14 =	sadd.s32 $0x1400, s14;
	s13 =	sadd.s32 s13, s9  }
0x17: {  	[hbm:s13] =	stream.linear.scatter [tilespmem:s14], [sflag:$0x3], $0x1000, $0x38;
	[tilespmem:$0x4400] =	vst v63  }
.LBB2_5:
0x18: {  	p2 =	sne.s32 s12, s10  }
.Ltmp1:
0x19: {  	p1 =	slt.u32 s12, $0x2;
	(pc) =	sbr.rel @!p2 .LBB2_6-.Ltmp1, $4  }
0x1a: {  	s13 =	simm.s32 @!p1 $0x3  }
0x1b: {  	_ =	swait.ge @!p1 [sflag:s13], $0x2000  }
0x1c: {  	s14 =	sadd.s32 $0x1, s12;
	p0 =	por !p0, !p0;
	[sflag:s13] =	ssyncset.done @!p1 $0x0  }
0x1d: {  	s12 =	smov.u32 s14;
	[sflag:s13] =	ssyncadd.s32 @!p1 $0xFFFFE000;
	s13 =	smov.u32 s4  }
.LBB2_1:
0x1e: {  	p1 =	sge.u32 s12, s7  }
0x1f: {  	s14 =	sxor.u32 @!p1 $0xFFFFFFFF, s12  }
0x20: {  	s14 =	sshll.u32 @!p1 s14, $0x9  }
0x21: {  	s31 =	sadd.s32 $0xFFFFFFFF, s12;
	s15 =	simm.s32 @!p1 $0x0;
	s14 =	sand.u32 @!p1 $0x200, s14  }
0x22: {  	[tilespmem:s14], [sflag:$0x2] =	stream.linear.gather @!p1 [hbm4b:s8+s15], $0x200, $0x38;
	[tilespmem:$0x4400] =	vst v63  }
0x23: {  	p1 =	sge.u32 s31, s7  }
.Ltmp2:
0x24: {  	_ = 	snop;
	(pc) =	sbr.rel @p1 .LBB2_5-.Ltmp2, $1  }
0x25: {  	_ =	sdelay $0x3  }
0x26: {  	s14 =	simm.s32 $0x1;
	_ =	swait.ge [sflag:s5], $0x200  }
0x27: {  	s14 =	simm.s32 @!p0 $0x0;
	[sflag:s5] =	ssyncset.done $0x0  }
0x28: {  	s17 =	sshll.u32 s14, $0x9;
	[sflag:s5] =	ssyncadd.s32 $0xFFFFFE00  }
0x29: {  	v0 =	vld.msk [tilespmem:s17+$0x0 ss:$0x1], $0xffff;
	_ =	sdelay $0x4  }
0x2a: {  	vm1 =	vgt.s32 v0, $0x0  }
0x2b: {  	v0 =	vnsel vm1, $0x0, v0  }
0x2c: {  	v0 =	vmin.u32 v0, $0xF423F  }
0x2d: {  	v1 =	vshll.u32 v0, $0x3  }
0x2e: {  	v0 =	vand.u32 $0x7F, v0;
	v1 =	vand.u32 $0x7FFC00, v1  }
0x2f: {  	s30 =	sshll.u32 s12, $0xD;
	v0 =	vor.u32 v0, v1  }
0x30: {  	s16 =	simm.s32 $0x0;
	s14 =	sand.u32 $0x2000, s30  }
0x31: {  	s18 =	sand.u32 $0xC00, s16;
	s15 =	sor.u32 $0x400, s14  }
0x32: {  	s19 =	sand.u32 $0x70, s16;
	(ifvalue) =	ssetifvalue $0x7FFFFFFF;
	s18 =	sadd.s32 s18, s15;
	v1 =	vor.u32 $0x80, v0  }
0x33: {  	(ifvalue) =	ssetifvalue $0x7FFFFFFF;
	s18 =	sadd.s32 s19, s18  }
0x34: {  	[tilespmem:s18], [sflag:$0x1] =	stream.indirect_vreg.gather [hbm4b:s2+s11], $0x1, v0, vm0, $0x4038;
	[tilespmem:$0x4400] =	vst v63  }
0x35: {  	v2 =	vor.u32 $0x100, v0;
	(ifvalue) =	ssetifvalue $0x7FFFFFFF  }
0x36: {  	s19 =	sadd.s32 $0x80, s18;
	(ifvalue) =	ssetifvalue $0x7FFFFFFF  }
0x37: {  	[tilespmem:s19], [sflag:$0x1] =	stream.indirect_vreg.gather [hbm4b:s2+s11], $0x1, v1, vm0, $0x4038;
	[tilespmem:$0x4400] =	vst v63  }
0x38: {  	v1 =	vor.u32 $0x180, v0;
	(ifvalue) =	ssetifvalue $0x7FFFFFFF  }
0x39: {  	s31 =	sadd.s32 $0x100, s18;
	(ifvalue) =	ssetifvalue $0x7FFFFFFF  }
0x3a: {  	[tilespmem:s31], [sflag:$0x1] =	stream.indirect_vreg.gather [hbm4b:s2+s11], $0x1, v2, vm0, $0x4038;
	[tilespmem:$0x4400] =	vst v63  }
0x3b: {  	v2 =	vor.u32 $0x200, v0;
	(ifvalue) =	ssetifvalue $0x7FFFFFFF  }
0x3c: {  	s20 =	sadd.s32 $0x180, s18;
	(ifvalue) =	ssetifvalue $0x7FFFFFFF  }
0x3d: {  	[tilespmem:s20], [sflag:$0x1] =	stream.indirect_vreg.gather [hbm4b:s2+s11], $0x1, v1, vm0, $0x4038;
	[tilespmem:$0x4400] =	vst v63  }
0x3e: {  	(ifvalue) =	ssetifvalue $0x7FFFFFFF;
	v1 =	vor.u32 $0x280, v0  }
0x3f: {  	s21 =	sadd.s32 $0x200, s18;
	(ifvalue) =	ssetifvalue $0x7FFFFFFF  }
0x40: {  	[tilespmem:s21], [sflag:$0x1] =	stream.indirect_vreg.gather [hbm4b:s2+s11], $0x1, v2, vm0, $0x4038;
	[tilespmem:$0x4400] =	vst v63  }
0x41: {  	(ifvalue) =	ssetifvalue $0x7FFFFFFF;
	v2 =	vor.u32 $0x300, v0  }
0x42: {  	s22 =	sadd.s32 $0x280, s18;
	(ifvalue) =	ssetifvalue $0x7FFFFFFF  }
0x43: {  	[tilespmem:s22], [sflag:$0x1] =	stream.indirect_vreg.gather [hbm4b:s2+s11], $0x1, v1, vm0, $0x4038;
	[tilespmem:$0x4400] =	vst v63  }
0x44: {  	(ifvalue) =	ssetifvalue $0x7FFFFFFF;
	v1 =	vor.u32 $0x380, v0  }
0x45: {  	s16 =	sor.u32 s16, s16;
	s23 =	sadd.s32 $0x300, s18;
	(ifvalue) =	ssetifvalue $0x7FFFFFFF  }
0x46: {  	[tilespmem:s23], [sflag:$0x1] =	stream.indirect_vreg.gather [hbm4b:s2+s11], $0x1, v2, vm0, $0x4038;
	[tilespmem:$0x4400] =	vst v63  }
0x47: {  	s16 =	sor.u32 $0x380, s16;
	(ifvalue) =	ssetifvalue $0x7FFFFFFF;
	v2 =	vadd.s32 $0x7A1400, v0  }
0x48: {  	s16 =	sadd.s32 s16, s15;
	(ifvalue) =	ssetifvalue $0x7FFFFFFF  }
0x49: {  	[tilespmem:s16], [sflag:$0x1] =	stream.indirect_vreg.gather [hbm4b:s2+s11], $0x1, v1, vm0, $0x4038;
	[tilespmem:$0x4400] =	vst v63  }
0x4a: {  	(ifvalue) =	ssetifvalue $0x7FFFFFFF;
	v1 =	vadd.s32 $0x7A1480, v0  }
0x4b: {  	s24 =	sadd.s32 $0x1000, s18;
	(ifvalue) =	ssetifvalue $0x7FFFFFFF  }
0x4c: {  	[tilespmem:s24], [sflag:$0x1] =	stream.indirect_vreg.gather [hbm4b:s2+s11], $0x1, v2, vm0, $0x4038;
	[tilespmem:$0x4400] =	vst v63  }
0x4d: {  	(ifvalue) =	ssetifvalue $0x7FFFFFFF;
	v2 =	vadd.s32 $0x7A1500, v0  }
0x4e: {  	s25 =	sadd.s32 $0x1080, s18;
	(ifvalue) =	ssetifvalue $0x7FFFFFFF  }
0x4f: {  	[tilespmem:s25], [sflag:$0x1] =	stream.indirect_vreg.gather [hbm4b:s2+s11], $0x1, v1, vm0, $0x4038;
	[tilespmem:$0x4400] =	vst v63  }
0x50: {  	(ifvalue) =	ssetifvalue $0x7FFFFFFF;
	v1 =	vadd.s32 $0x7A1580, v0  }
0x51: {  	s26 =	sadd.s32 $0x1100, s18;
	(ifvalue) =	ssetifvalue $0x7FFFFFFF  }
0x52: {  	[tilespmem:s26], [sflag:$0x1] =	stream.indirect_vreg.gather [hbm4b:s2+s11], $0x1, v2, vm0, $0x4038;
	[tilespmem:$0x4400] =	vst v63  }
0x53: {  	(ifvalue) =	ssetifvalue $0x7FFFFFFF;
	v2 =	vadd.s32 $0x7A1600, v0  }
0x54: {  	s28 =	sadd.s32 $0x1180, s18;
	(ifvalue) =	ssetifvalue $0x7FFFFFFF  }
0x55: {  	[tilespmem:s28], [sflag:$0x1] =	stream.indirect_vreg.gather [hbm4b:s2+s11], $0x1, v1, vm0, $0x4038;
	[tilespmem:$0x4400] =	vst v63  }
0x56: {  	(ifvalue) =	ssetifvalue $0x7FFFFFFF;
	v1 =	vadd.s32 $0x7A1680, v0  }
0x57: {  	s29 =	sadd.s32 $0x1200, s18;
	(ifvalue) =	ssetifvalue $0x7FFFFFFF  }
0x58: {  	[tilespmem:s29], [sflag:$0x1] =	stream.indirect_vreg.gather [hbm4b:s2+s11], $0x1, v2, vm0, $0x4038;
	[tilespmem:$0x4400] =	vst v63  }
0x59: {  	(ifvalue) =	ssetifvalue $0x7FFFFFFF;
	v2 =	vadd.s32 $0x7A1700, v0  }
0x5a: {  	s30 =	sadd.s32 $0x1280, s18;
	(ifvalue) =	ssetifvalue $0x7FFFFFFF  }
0x5b: {  	[tilespmem:s30], [sflag:$0x1] =	stream.indirect_vreg.gather [hbm4b:s2+s11], $0x1, v1, vm0, $0x4038;
	[tilespmem:$0x4400] =	vst v63  }
0x5c: {  	v0 =	vadd.s32 $0x7A1780, v0;
	(ifvalue) =	ssetifvalue $0x7FFFFFFF  }
0x5d: {  	s31 =	sadd.s32 $0x1300, s18;
	(ifvalue) =	ssetifvalue $0x7FFFFFFF  }
0x5e: {  	[tilespmem:s31], [sflag:$0x1] =	stream.indirect_vreg.gather [hbm4b:s2+s11], $0x1, v2, vm0, $0x4038;
	[tilespmem:$0x4400] =	vst v63  }
0x5f: {  	s17 =	sadd.s32 $0x10, s17;
	s19 =	sadd.s32 $0x1380, s18;
	(ifvalue) =	ssetifvalue $0x7FFFFFFF  }
0x60: {  	s18 =	simm.s32 $0x80;
	s16 =	simm.s32 $0x10;
	(ifvalue) =	ssetifvalue $0x7FFFFFFF  }
.LBB2_3:
0x61: {  	[tilespmem:s19], [sflag:$0x1] =	stream.indirect_vreg.gather [hbm4b:s2+s11], $0x1, v0, vm0, $0x4038;
	[tilespmem:$0x4400] =	vst v63  }
0x62: {  	p1 =	sne.s32 s16, $0x1F0;
	s20 =	smov.u32 s16;
	s16 =	sadd.s32 $0x10, s16;
	v0 =	vld.msk [tilespmem:s17+$0x0 ss:$0x1], $0xffff  }
0x63: {  	(ifvalue) =	ssetifvalue $0x7FFFFFFF;
	_ =	sdelay $0x4  }
0x64: {  	vm1 =	vgt.s32 v0, $0x0  }
0x65: {  	v0 =	vnsel vm1, $0x0, v0  }
0x66: {  	v0 =	vmin.u32 v0, $0xF423F  }
0x67: {  	v1 =	vshll.u32 v0, $0x3  }
0x68: {  	v0 =	vand.u32 $0x7F, v0;
	v1 =	vand.u32 $0x7FFC00, v1  }
0x69: {  	v0 =	vor.u32 v0, v1;
	_ =	sdelay $0x1  }
0x6a: {  	s19 =	sand.u32 $0xC00, s18  }
0x6b: {  	s21 =	sand.u32 $0x70, s20;
	s19 =	sadd.s32 s19, s15;
	v1 =	vor.u32 $0x80, v0  }
0x6c: {  	s19 =	sadd.s32 s21, s19;
	(ifvalue) =	ssetifvalue $0x7FFFFFFF  }
0x6d: {  	[tilespmem:s19], [sflag:$0x1] =	stream.indirect_vreg.gather [hbm4b:s2+s11], $0x1, v0, vm0, $0x4038;
	[tilespmem:$0x4400] =	vst v63  }
0x6e: {  	v2 =	vor.u32 $0x100, v0;
	(ifvalue) =	ssetifvalue $0x7FFFFFFF  }
0x6f: {  	s21 =	sadd.s32 $0x80, s19;
	(ifvalue) =	ssetifvalue $0x7FFFFFFF  }
0x70: {  	[tilespmem:s21], [sflag:$0x1] =	stream.indirect_vreg.gather [hbm4b:s2+s11], $0x1, v1, vm0, $0x4038;
	[tilespmem:$0x4400] =	vst v63  }
0x71: {  	v1 =	vor.u32 $0x180, v0;
	(ifvalue) =	ssetifvalue $0x7FFFFFFF  }
0x72: {  	s21 =	sadd.s32 $0x100, s19;
	(ifvalue) =	ssetifvalue $0x7FFFFFFF  }
0x73: {  	[tilespmem:s21], [sflag:$0x1] =	stream.indirect_vreg.gather [hbm4b:s2+s11], $0x1, v2, vm0, $0x4038;
	[tilespmem:$0x4400] =	vst v63  }
0x74: {  	v2 =	vor.u32 $0x200, v0;
	(ifvalue) =	ssetifvalue $0x7FFFFFFF  }
0x75: {  	s21 =	sadd.s32 $0x180, s19;
	(ifvalue) =	ssetifvalue $0x7FFFFFFF  }
0x76: {  	[tilespmem:s21], [sflag:$0x1] =	stream.indirect_vreg.gather [hbm4b:s2+s11], $0x1, v1, vm0, $0x4038;
	[tilespmem:$0x4400] =	vst v63  }
0x77: {  	v1 =	vor.u32 $0x280, v0;
	(ifvalue) =	ssetifvalue $0x7FFFFFFF  }
0x78: {  	s21 =	sadd.s32 $0x200, s19;
	(ifvalue) =	ssetifvalue $0x7FFFFFFF  }
0x79: {  	[tilespmem:s21], [sflag:$0x1] =	stream.indirect_vreg.gather [hbm4b:s2+s11], $0x1, v2, vm0, $0x4038;
	[tilespmem:$0x4400] =	vst v63  }
0x7a: {  	v2 =	vor.u32 $0x300, v0;
	(ifvalue) =	ssetifvalue $0x7FFFFFFF  }
0x7b: {  	s21 =	sadd.s32 $0x280, s19;
	(ifvalue) =	ssetifvalue $0x7FFFFFFF  }
0x7c: {  	[tilespmem:s21], [sflag:$0x1] =	stream.indirect_vreg.gather [hbm4b:s2+s11], $0x1, v1, vm0, $0x4038;
	[tilespmem:$0x4400] =	vst v63  }
0x7d: {  	v1 =	vor.u32 $0x380, v0;
	(ifvalue) =	ssetifvalue $0x7FFFFFFF  }
0x7e: {  	s20 =	sor.u32 s18, s20;
	s21 =	sadd.s32 $0x300, s19;
	(ifvalue) =	ssetifvalue $0x7FFFFFFF  }
0x7f: {  	[tilespmem:s21], [sflag:$0x1] =	stream.indirect_vreg.gather [hbm4b:s2+s11], $0x1, v2, vm0, $0x4038;
	[tilespmem:$0x4400] =	vst v63  }
0x80: {  	s20 =	sor.u32 $0x380, s20;
	v2 =	vadd.s32 $0x7A1400, v0;
	(ifvalue) =	ssetifvalue $0x7FFFFFFF  }
0x81: {  	s20 =	sadd.s32 s20, s15;
	(ifvalue) =	ssetifvalue $0x7FFFFFFF  }
0x82: {  	[tilespmem:s20], [sflag:$0x1] =	stream.indirect_vreg.gather [hbm4b:s2+s11], $0x1, v1, vm0, $0x4038;
	[tilespmem:$0x4400] =	vst v63  }
0x83: {  	v1 =	vadd.s32 $0x7A1480, v0;
	(ifvalue) =	ssetifvalue $0x7FFFFFFF  }
0x84: {  	s20 =	sadd.s32 $0x1000, s19;
	(ifvalue) =	ssetifvalue $0x7FFFFFFF  }
0x85: {  	[tilespmem:s20], [sflag:$0x1] =	stream.indirect_vreg.gather [hbm4b:s2+s11], $0x1, v2, vm0, $0x4038;
	[tilespmem:$0x4400] =	vst v63  }
0x86: {  	v2 =	vadd.s32 $0x7A1500, v0;
	(ifvalue) =	ssetifvalue $0x7FFFFFFF  }
0x87: {  	s20 =	sadd.s32 $0x1080, s19;
	(ifvalue) =	ssetifvalue $0x7FFFFFFF  }
0x88: {  	[tilespmem:s20], [sflag:$0x1] =	stream.indirect_vreg.gather [hbm4b:s2+s11], $0x1, v1, vm0, $0x4038;
	[tilespmem:$0x4400] =	vst v63  }
0x89: {  	v1 =	vadd.s32 $0x7A1580, v0;
	(ifvalue) =	ssetifvalue $0x7FFFFFFF  }
0x8a: {  	s20 =	sadd.s32 $0x1100, s19;
	(ifvalue) =	ssetifvalue $0x7FFFFFFF  }
0x8b: {  	[tilespmem:s20], [sflag:$0x1] =	stream.indirect_vreg.gather [hbm4b:s2+s11], $0x1, v2, vm0, $0x4038;
	[tilespmem:$0x4400] =	vst v63  }
0x8c: {  	v2 =	vadd.s32 $0x7A1600, v0;
	(ifvalue) =	ssetifvalue $0x7FFFFFFF  }
0x8d: {  	s20 =	sadd.s32 $0x1180, s19;
	(ifvalue) =	ssetifvalue $0x7FFFFFFF  }
0x8e: {  	[tilespmem:s20], [sflag:$0x1] =	stream.indirect_vreg.gather [hbm4b:s2+s11], $0x1, v1, vm0, $0x4038;
	[tilespmem:$0x4400] =	vst v63  }
0x8f: {  	v1 =	vadd.s32 $0x7A1680, v0;
	(ifvalue) =	ssetifvalue $0x7FFFFFFF  }
0x90: {  	s20 =	sadd.s32 $0x1200, s19;
	(ifvalue) =	ssetifvalue $0x7FFFFFFF  }
0x91: {  	[tilespmem:s20], [sflag:$0x1] =	stream.indirect_vreg.gather [hbm4b:s2+s11], $0x1, v2, vm0, $0x4038;
	[tilespmem:$0x4400] =	vst v63  }
0x92: {  	v2 =	vadd.s32 $0x7A1700, v0;
	(ifvalue) =	ssetifvalue $0x7FFFFFFF  }
0x93: {  	s20 =	sadd.s32 $0x1280, s19;
	(ifvalue) =	ssetifvalue $0x7FFFFFFF  }
0x94: {  	[tilespmem:s20], [sflag:$0x1] =	stream.indirect_vreg.gather [hbm4b:s2+s11], $0x1, v1, vm0, $0x4038;
	[tilespmem:$0x4400] =	vst v63  }
.Ltmp3:
0x95: {  	v0 =	vadd.s32 $0x7A1780, v0;
	(ifvalue) =	ssetifvalue $0x7FFFFFFF;
	(pc) =	sbr.rel @p1 .LBB2_3-.Ltmp3, $4  }
0x96: {  	s20 =	sadd.s32 $0x1300, s19;
	(ifvalue) =	ssetifvalue $0x7FFFFFFF  }
0x97: {  	[tilespmem:s20], [sflag:$0x1] =	stream.indirect_vreg.gather [hbm4b:s2+s11], $0x1, v2, vm0, $0x4038;
	[tilespmem:$0x4400] =	vst v63  }
0x98: {  	s17 =	sadd.s32 $0x10, s17;
	(ifvalue) =	ssetifvalue $0x7FFFFFFF  }
0x99: {  	s18 =	sadd.s32 $0x80, s18;
	s19 =	sadd.s32 $0x1380, s19;
	(ifvalue) =	ssetifvalue $0x7FFFFFFF  }
.Ltmp4:
0x9a: {  	_ = 	snop;
	(pc) =	sbr.rel .LBB2_4-.Ltmp4, $1  }
0x9b: {  	_ =	sdelay $0x3  }
.LBB2_6:
0x9c: {  	_ =	sfence.sel $0x180000  }
0x9d: {  	s2 =	simm.s32 $0x2;
	[bflag:$0x0] =	sbarrier.arrive $0xFFFF  }
0x9e: {  	s30 =	simm.s32 $0x3;
	[sflag:s2] =	ssyncpa.u1 $0x1  }
0x9f: {  	s31 =	simm.s32 $0x1;
	[sflag:s30] =	ssyncpa.u1 $0x1  }
0xa0: {  	[sflag:s31] =	ssyncpa.u1 $0x1  }
0xa1: {  	p0 =	sne.s32 s1, $0x0;
	_ =	strace $0x90000047  }
0xa2: {  	s0 =	sadd.s32 @!p0 $0x100000, s0;
	[bflag:$0x2] =	sbarrier.arrive $0xFFFF  }
0xa3: {  	[sflag:s0] =	ssyncadd.tile.s32 @!p0 $0x1;
	_ =	shalt  }
.Lfunc_end2:
_tile_overlayer_lowered:
.L_overlay_start_2:
0xa4: {  	(tag) =	ssettag $0x2  }
0xa5: {  	s0 =	rddreg [dreg:$0x0];
	s2 =	stileid.u32  }
0xa6: {  	s1 =	rddreg [dreg:$0x1];
	p0 =	sne.s32 s2, $0x0  }
0xa7: {  	s3 =	rddreg [dreg:$0x2];
	[bflag:$0x3] =	sbarrier.arrive $0xFFFF;
	s2 =	simm.s32 @!p0 $0x1C01  }
0xa8: {  	[timem:s3], [sflag:s2] =	dma.local @!p0 [hbm:s0], s1  }
0xa9: {  	s0 =	simm.s32 @!p0 $0x1  }
0xaa: {  	_ =	swait.ge @!p0 [sflag:s0], s1  }
0xab: {  	s1 =	ssub.s32 @!p0 $0x0, s1;
	[sflag:s0] =	ssyncset.done @!p0 $0x0  }
0xac: {  	[sflag:s0] =	ssyncadd.s32 @!p0 s1  }
0xad: {  	[bflag:$0x3] =	sbarrier.arrive $0xFFFF  }
0xae: {  	_ =	shalt  }

// kernel: gather_offload_async_start
scs
__scs_entry_jumppad:
0x0: {  	(pc) =	sbr.rel $0x88, $3  }
0x1: {  	(tag) =	ssettag $0x0;
	lr =	simm.s32 $0x1  }
0x2: {  	[smem:$0x3F9B] =	sst lr;
	_ =	strace $0xD0000000  }
0x3: {  	_ = 	snop  }
0x4: {  	_ = 	snop  }
0x5: {  	_ = 	snop  }
0x6: {  	_ = 	snop  }
0x7: {  	_ = 	snop  }
__scs_overlays_trampoline_lowered:
0x8: {  	[smem:$0x3FAA] =	sst s0  }
0x9: {  	[smem:$0x3FAB] =	sst s1  }
0xa: {  	[smem:$0x3FAC] =	sst s2  }
0xb: {  	[smem:$0x3FAD] =	sst s3  }
0xc: {  	[smem:$0x3FAE] =	sst s4  }
0xd: {  	[smem:$0x3FAF] =	sst s5  }
0xe: {  	[smem:$0x3FB0] =	sst s6  }
0xf: {  	[smem:$0x3FB1] =	sst s7  }
0x10: {  	[smem:$0x3FB2] =	sst s8  }
0x11: {  	[smem:$0x3FB3] =	sst s9;
	s0 =	simm.s32 @!p0 $0x0  }
0x12: {  	s1 =	sld [smem:$0x3F99];
	s0 =	simm.s32 @p0 $0x1  }
0x13: {  	[smem:$0x3FB4] =	sst s0;
	s0 =	simm.s32 @!p1 $0x0  }
0x14: {  	s2 =	sld [smem:$0x3F98];
	s0 =	simm.s32 @p1 $0x1  }
0x15: {  	[smem:$0x3FB5] =	sst s0;
	s0 =	simm.s32 @!p2 $0x0  }
0x16: {  	s3 =	sld [smem:$0x3FDB];
	s0 =	simm.s32 @p2 $0x1  }
0x17: {  	s4 =	simm.s32 $0x1BF5;
	[smem:$0x3FB7] =	sst s0  }
0x18: {  	s0 =	sld [smem:$0x3F9A];
	_ =	swait.ge [sflag:s4], $0x0  }
0x19: {  	s7 =	sld [smem:$0x3F9B]  }
0x1a: {  	s8 =	sadd.s32 $0xFFFFE003, lr  }
0x1b: {  	s9 =	sadd.s32 $0xFFFFFEF7, lr;
	s5 =	simm.s32 $0xFFFFFFFF;
	p2 =	slt.u32 s8, $0xFFFFF086  }
0x1c: {  	p1 =	slt.u32 s9, $0xF7A;
	s5 =	simm.s32 @!p2 $0x0  }
0x1d: {  	s5 =	simm.s32 @p1 $0x1;
	p0 =	seq.s32 s7, s2  }
0x1e: {  	s7 =	smul.u32 @!p0 $0xF7A, s2;
	p2 =	seq.s32 @!p0 s5, $0x0  }
0x1f: {  	s9 =	smul.u32 $0xF7A, s1;
	s8 =	simm.s32 @!p0 $0x1BF5;
	p2 =	por !p2, p0  }
0x20: {  	[sflag:s8] =	ssyncset.s32 @!p0 $0xFFFFF086;
	s6 =	sadd.s32 @!p0 s3, s7;
	s7 =	simm.s32 @!p0 $0x108  }
0x21: {  	s3 =	sadd.s32 s3, s9;
	s6 =	sadd.s32 @!p0 $0x88, s6;
	s7 =	simm.s32 @p2 $0x1082  }
0x22: {  	[simem:s7], [sflag:s8] =	dma.local @!p0 [hbm:s6], $0xF7A  }
0x23: {  	s9 =	sor.u32 $0xD0000000, s2;
	s6 =	simm.s32 $0x108;
	_ =	swait.ge @!p0 [sflag:s8], $0x0  }
0x24: {  	s3 =	sadd.s32 $0x88, s3;
	s6 =	simm.s32 @!p1 $0x1082;
	[sflag:s4] =	ssyncset.s32 $0xFFFFF086  }
0x25: {  	[simem:s6], [sflag:s4] =	dma.local [hbm:s3], $0xF7A  }
0x26: {  	[smem:$0x3F9B] =	sst s1;
	(tag) =	ssettag s2;
	_ =	strace s9  }
0x27: {  	s1 =	sld [smem:$0x3FAB]  }
0x28: {  	s2 =	sld [smem:$0x3FAC]  }
0x29: {  	s4 =	sld [smem:$0x3FAE]  }
0x2a: {  	p0 =	seq.s32 s5, $0x0;
	s5 =	sld [smem:$0x3FAF]  }
0x2b: {  	s6 =	sld [smem:$0x3FB0]  }
0x2c: {  	s7 =	sld [smem:$0x3FB1]  }
0x2d: {  	s3 =	simm.s32 $0x108;
	s8 =	sld [smem:$0x3FB2]  }
0x2e: {  	s3 =	simm.s32 @!p0 $0x1082;
	s9 =	sld [smem:$0x3FB3]  }
0x2f: {  	lr =	sadd.s32 s0, s3;
	s0 =	sld [smem:$0x3FAA]  }
0x30: {  	s3 =	sld [smem:$0x3FAD]  }
0x31: {  	[smem:$0x3FB6] =	sst s10  }
0x32: {  	s10 =	sld [smem:$0x3FB4];
	_ =	sdelay $0x3  }
0x33: {  	p0 =	seq.s32 s10, $0x1;
	s10 =	sld [smem:$0x3FB6];
	_ =	sdelay $0x3  }
0x34: {  	[smem:$0x3FB6] =	sst s10  }
0x35: {  	s10 =	sld [smem:$0x3FB5];
	_ =	sdelay $0x3  }
0x36: {  	p1 =	seq.s32 s10, $0x1;
	s10 =	sld [smem:$0x3FB6];
	_ =	sdelay $0x3  }
0x37: {  	[smem:$0x3FB6] =	sst s10  }
0x38: {  	s10 =	sld [smem:$0x3FB7]  }
0x39: {  	_ = 	snop;
	(pc) =	sbr.ind lr, $3  }
0x3a: {  	_ = 	snop  }
0x3b: {  	_ = 	snop  }
0x3c: {  	p2 =	seq.s32 s10, $0x1;
	s10 =	sld [smem:$0x3FB6]  }
0x3d: {  	_ =	shalt  }
0x3e: {  	_ =	shalt  }
0x3f: {  	_ =	shalt  }
0x40: {  	_ =	shalt  }
0x41: {  	_ =	shalt  }
0x42: {  	_ =	shalt  }
0x43: {  	_ =	shalt  }
0x44: {  	_ =	shalt  }
0x45: {  	_ =	shalt  }
0x46: {  	_ =	shalt  }
0x47: {  	_ =	shalt  }
0x48: {  	_ =	shalt  }
0x49: {  	_ =	shalt  }
0x4a: {  	_ =	shalt  }
0x4b: {  	_ =	shalt  }
0x4c: {  	_ =	shalt  }
0x4d: {  	_ =	shalt  }
0x4e: {  	_ =	shalt  }
0x4f: {  	_ =	shalt  }
0x50: {  	_ =	shalt  }
0x51: {  	_ =	shalt  }
0x52: {  	_ =	shalt  }
0x53: {  	_ =	shalt  }
0x54: {  	_ =	shalt  }
0x55: {  	_ =	shalt  }
0x56: {  	_ =	shalt  }
0x57: {  	_ =	shalt  }
0x58: {  	_ =	shalt  }
0x59: {  	_ =	shalt  }
0x5a: {  	_ =	shalt  }
0x5b: {  	_ =	shalt  }
0x5c: {  	_ =	shalt  }
0x5d: {  	_ =	shalt  }
0x5e: {  	_ =	shalt  }
0x5f: {  	_ =	shalt  }
0x60: {  	_ =	shalt  }
0x61: {  	_ =	shalt  }
0x62: {  	_ =	shalt  }
0x63: {  	_ =	shalt  }
0x64: {  	_ =	shalt  }
0x65: {  	_ =	shalt  }
0x66: {  	_ =	shalt  }
0x67: {  	_ =	shalt  }
0x68: {  	_ =	shalt  }
0x69: {  	_ =	shalt  }
0x6a: {  	_ =	shalt  }
0x6b: {  	_ =	shalt  }
0x6c: {  	_ =	shalt  }
0x6d: {  	_ =	shalt  }
0x6e: {  	_ =	shalt  }
0x6f: {  	_ =	shalt  }
0x70: {  	_ =	shalt  }
0x71: {  	_ =	shalt  }
0x72: {  	_ =	shalt  }
0x73: {  	_ =	shalt  }
0x74: {  	_ =	shalt  }
0x75: {  	_ =	shalt  }
0x76: {  	_ =	shalt  }
0x77: {  	_ =	shalt  }
0x78: {  	_ =	shalt  }
0x79: {  	_ =	shalt  }
0x7a: {  	_ =	shalt  }
0x7b: {  	_ =	shalt  }
0x7c: {  	_ =	shalt  }
0x7d: {  	_ =	shalt  }
0x7e: {  	_ =	shalt  }
0x7f: {  	_ =	shalt  }
0x80: {  	_ =	shalt  }
0x81: {  	_ =	shalt  }
0x82: {  	_ =	shalt  }
0x83: {  	_ =	shalt  }
0x84: {  	_ =	shalt  }
0x85: {  	_ =	shalt  }
0x86: {  	_ =	shalt  }
0x87: {  	_ =	shalt  }
.Lfunc_end0:
.L_simem_size_0:
called_computation_lowered:
.L_overlay_start_0:
0x88: {  	s2 =	sld [smem:$0x3FD9]  }
0x89: {  	s3 =	sld [smem:$0x3FFE];
	_ =	sdelay $0x1  }
0x8a: {  	s1 =	srdreg.scid  }
0x8b: {  	s0 =	sand.u32 $0x1, s1  }
0x8c: {  	s17 =	sshll.u32 s0, $0xA;
	s2 =	sadd.s32 s3, s2  }
0x8d: {  	s2 =	sadd.s32 s2, s17  }
0x8e: {  	[smem:$0x3FC2] =	sst s2  }
0x8f: {  	_ = 	snop  }
0x90: {  	s18 =	sld [smem:$0x3FC5];
	(tm) =	ssettm $0x1  }
0x91: {  	s19 =	sld [smem:$0x3FFB];
	_ =	sdelay $0x3  }
0x92: {  	_ =	strace s19  }
0x93: {  	s2 =	sld [smem:$0x3FFC];
	_ =	sdelay $0x3  }
0x94: {  	_ =	strace s2  }
0x95: {  	s2 =	sld [smem:$0x3FFD];
	_ =	sdelay $0x3  }
0x96: {  	_ =	strace s2  }
0x97: {  	_ =	strace $0x8FFFFFFF  }
0x98: {  	s20 =	sld [smem:$0x3FDB];
	_ =	sdelay $0x1  }
0x99: {  	s4 =	simm.s32 $_scs_section_size  }
0x9a: {  	s5 =	simm.s32 $_size__tile_overlayer_lowered;
	s6 =	simm.s32 $_tile_overlayer_lowered  }
0x9b: {  	s7 =	simm.s32 $0x1BFF;
	s21 =	sshll.u32 s6, $0x1;
	s4 =	sadd.s32 s4, s20  }
0x9c: {  	s22 =	simm.s32 $0x0;
	s5 =	sshll.u32 s5, $0x1;
	s6 =	sadd.s32 s21, s4  }
0x9d: {  	[timem:s22], [sflag:s7] =	dma.local [hbm:s6], s5  }
0x9e: {  	_ =	swait.ge [sflag:s7], s5  }
0x9f: {  	s5 =	ssub.s32 $0x0, s5;
	[sflag:s7] =	ssyncset.done $0x0  }
0xa0: {  	[sflag:s7] =	ssyncadd.s32 s5;
	_ =	sdelay $0x1  }
0xa1: {  	s23 =	simm.s32 $0x1B8B  }
0xa2: {  	_ =	swait.ge [sflag:s23], $0x1  }
0xa3: {  	[sflag:s23] =	ssyncset.done $0x0  }
0xa4: {  	[sflag:s23] =	ssyncadd.s32 $0xFFFFFFFF  }
0xa5: {  	s5 =	sld [smem:$0x0]  }
0xa6: {  	s6 =	sand.u32 $0xFFFFFFFE, s1  }
0xa7: {  	p0 =	sne.s32 s1, s6  }
0xa8: {  	s6 =	sshll.u32 @p0 s6, $0xE  }
0xa9: {  	s6 =	sadd.s32 @p0 $0x11B8D, s6;
	s7 =	sshll.u32 @p0 s5, $0x11  }
0xaa: {  	s6 =	sor.u32 @p0 s7, s6  }
0xab: {  	[sflag:s6] =	ssyncadd.remote.s32 @p0 $0x1;
	_ =	sdelay $0x1  }
0xac: {  	s6 =	simm.s32 @p0 $0x1B8D  }
0xad: {  	_ =	swait.eq @p0 [sflag:s6], $0x1  }
0xae: {  	[sflag:s6] =	ssyncadd.s32 @p0 $0xFFFFFFFF  }
0xaf: {  	s7 =	sshll.u32 @!p0 s1, $0xE  }
0xb0: {  	s7 =	sor.u32 @!p0 $0x4000, s7;
	s6 =	simm.s32 @!p0 $0x1B8D  }
0xb1: {  	s5 =	sshll.u32 @!p0 s5, $0x11;
	s7 =	sadd.s32 @!p0 $0x11B8D, s7;
	_ =	swait.eq @!p0 [sflag:s6], $0x1  }
0xb2: {  	s5 =	sor.u32 @!p0 s5, s7;
	[sflag:s6] =	ssyncadd.s32 @!p0 $0xFFFFFFFF  }
0xb3: {  	s25 =	simm.s32 $0x1B8E;
	s24 =	sld [smem:$0x3FFE];
	[sflag:s5] =	ssyncadd.remote.s32 @!p0 $0x1  }
0xb4: {  	s26 =	simm.s32 $execute0_lowered;
	[smem:$0x3FD2] =	sst s25  }
0xb5: {  	s6 =	sshll.u32 s26, $0x1;
	_ =	strace $0x80000049;
	[dreg:$0x1] =	wrdreg $0xFFFFFFFF  }
0xb6: {  	s28 =	simm.s32 $_size_execute0_lowered;
	s4 =	sadd.s32 s4, s6;
	[dreg:$0x0] =	wrdreg $0x0  }
0xb7: {  	s6 =	sshll.u32 s28, $0x1;
	[dreg:$0x2] =	wrdreg s4  }
0xb8: {  	[dreg:$0x3] =	wrdreg s6  }
0xb9: {  	[dreg:$0x4] =	wrdreg $0xC0  }
0xba: {  	_ =	task [dreg:s22], $0x5FFFF  }
0xbb: {  	[dreg:$0x1] =	wrdreg $0xFFFFFFFF  }
0xbc: {  	[dreg:$0x0] =	wrdreg $0x60  }
0xbd: {  	[dreg:$0x2] =	wrdreg s18  }
0xbe: {  	[dreg:$0x3] =	wrdreg s24  }
0xbf: {  	[dreg:$0x4] =	wrdreg $0x9  }
0xc0: {  	_ =	task.clear_ibuf [dreg:s22], $0x5FFFF;
	_ =	strace $0x90000049  }
0xc1: {  	s29 =	simm.s32 $0x9;
	_ =	strace $0x8000004B  }
0xc2: {  	_ =	swait.ge [sflag:s29], $0x1  }
0xc3: {  	[sflag:s29] =	ssyncadd.s32 $0xFFFFFFFF  }
0xc4: {  	_ =	strace $0x9000004B  }
0xc5: {  	_ =	sfence  }
0xc6: {  	s30 =	sld [smem:$0x0];
	_ =	sdelay $0x2  }
0xc7: {  	s31 =	sshll.u32 s1, $0xD;
	s1 =	sshrl.u32 s1, $0x2  }
0xc8: {  	s4 =	sand.u32 $0x4000, s31;
	s1 =	sadd.s32 s1, s30  }
0xc9: {  	s0 =	sor.u32 s4, s0;
	s1 =	sshll.u32 s1, $0x11  }
0xca: {  	s0 =	sor.u32 s1, s0  }
0xcb: {  	s0 =	sadd.s32 $0x8F2B, s0  }
0xcc: {  	[sflag:s0] =	ssyncadd.remote.s32 $0x1  }
0xcd: {  	_ =	sfence.sel $0xFFFF  }
0xce: {  	[dreg:$0x0] =	wrdreg $0xFFFFFFFF;
	(pc) =	sbr.abs _section_cstart, $3  }
0xcf: {  	[dreg:$0x1] =	wrdreg $0xFFFFFFFF  }
0xd0: {  	_ =	task.clear_ibuf [dreg:s22], $0x2FFFF;
	_ =	strace $0x9FFFFFFF  }
0xd1: {  	(tm) =	ssettm $0x7FFFFFFF  }
tec
execute0_lowered:
.L_overlay_start_1:
0x0: {  	(tag) =	ssettag $0x1  }
0x1: {  	s1 =	srdreg.scid;
	s2 =	rddreg [dreg:$0x0]  }
0x2: {  	s0 =	stileid.u32;
	s9 =	rddreg [dreg:$0x1]  }
0x3: {  	s5 =	simm.s32 $0x1;
	s6 =	simm.s32 $0x2;
	s1 =	sshll.u32 s1, $0x9  }
0x4: {  	s11 =	simm.s32 $0x3;
	s3 =	sshll.u32 s0, $0xA;
	s1 =	sand.u32 $0x200, s1  }
0x5: {  	s13 =	simm.s32 $0x0;
	s12 =	simm.s32 $0x0;
	s3 =	sor.u32 s3, s1  }
0x6: {  	s1 =	rddreg [dreg:$0x2];
	_ =	strace $0x8000004A;
	s4 =	sshrl.u32 s3, $0x3  }
0x7: {  	s7 =	ssub.s32 $0x4000, s3;
	[sflag:s5] =	ssyncpa.u1 $0x0;
	s8 =	sadd.s32 s4, s9  }
.Ltmp0:
0x8: {  	s4 =	sadd.s32 $0x47800, s9;
	s10 =	sand.u32 $0x3E00, s7;
	(pc) =	sbr.rel .LBB2_1-.Ltmp0, $4  }
0x9: {  	[sflag:s6] =	ssyncpa.u1 $0x0;
	p0 =	sne.s32 s10, $0x0;
	s10 =	simm.s32 $0x1  }
0xa: {  	s7 =	sshrl.u32 s7, $0xE;
	s9 =	sadd.s32 $0x4B800, s9;
	s10 =	simm.s32 @!p0 $0x0  }
0xb: {  	[sflag:s11] =	ssyncpa.u1 $0x0;
	s8 =	sadd.s32 $0x3EE00, s8;
	s7 =	sadd.s32 s10, s7  }
0xc: {  	vm0 =	vmmov $0xffff;
	s11 =	simm.s32 $0x0;
	p0 =	por $0x0, $0x0;
	s10 =	sadd.s32 $0x1, s7  }
.LBB2_4:
0xd: {  	_ =	sdelay $0x3  }
0xe: {  	[tilespmem:s19], [sflag:$0x1] =	stream.indirect_vreg.gather [hbm4b:s2+s11], $0x1, v0, vm0, $0x4038;
	[tilespmem:$0x4400] =	vst v63  }
0xf: {  	s16 =	sshll.u32 s13, $0x3  }
0x10: {  	s30 =	sand.u32 $0x78, s13;
	s16 =	sand.u32 $0x7FFFFC00, s16  }
0x11: {  	_ =	swait.ge [sflag:s5], $0x2000;
	s13 =	sor.u32 s30, s16  }
0x12: {  	[sflag:s5] =	ssyncset.done $0x0;
	s13 =	sshrl.u32 s13, $0x3  }
0x13: {  	[sflag:s5] =	ssyncadd.s32 $0xFFFFE000;
	s31 =	sadd.s32 s4, s13  }
0x14: {  	[hbm:s31] =	stream.linear.scatter [tilespmem:s15], [sflag:$0x3], $0x1000, $0x38;
	[tilespmem:$0x4400] =	vst v63  }
0x15: {  	s14 =	sadd.s32 $0x1400, s14;
	s13 =	sadd.s32 s13, s9  }
0x16: {  	[hbm:s13] =	stream.linear.scatter [tilespmem:s14], [sflag:$0x3], $0x1000, $0x38;
	[tilespmem:$0x4400] =	vst v63  }
.LBB2_5:
0x17: {  	p2 =	sne.s32 s12, s10  }
.Ltmp1:
0x18: {  	p1 =	slt.u32 s12, $0x2;
	(pc) =	sbr.rel @!p2 .LBB2_6-.Ltmp1, $4  }
0x19: {  	s13 =	simm.s32 @!p1 $0x3  }
0x1a: {  	_ =	swait.ge @!p1 [sflag:s13], $0x2000  }
0x1b: {  	s14 =	sadd.s32 $0x1, s12;
	p0 =	por !p0, !p0;
	[sflag:s13] =	ssyncset.done @!p1 $0x0  }
0x1c: {  	s12 =	smov.u32 s14;
	[sflag:s13] =	ssyncadd.s32 @!p1 $0xFFFFE000;
	s13 =	smov.u32 s3  }
.LBB2_1:
0x1d: {  	p1 =	sge.u32 s12, s7  }
0x1e: {  	s14 =	sxor.u32 @!p1 $0xFFFFFFFF, s12  }
0x1f: {  	s14 =	sshll.u32 @!p1 s14, $0x9  }
0x20: {  	s31 =	sadd.s32 $0xFFFFFFFF, s12;
	s15 =	simm.s32 @!p1 $0x0;
	s14 =	sand.u32 @!p1 $0x200, s14  }
0x21: {  	[tilespmem:s14], [sflag:$0x2] =	stream.linear.gather @!p1 [hbm4b:s8+s15], $0x200, $0x38;
	[tilespmem:$0x4400] =	vst v63  }
0x22: {  	p1 =	sge.u32 s31, s7  }
.Ltmp2:
0x23: {  	_ = 	snop;
	(pc) =	sbr.rel @p1 .LBB2_5-.Ltmp2, $1  }
0x24: {  	_ =	sdelay $0x3  }
0x25: {  	s14 =	simm.s32 $0x1;
	_ =	swait.ge [sflag:s6], $0x200  }
0x26: {  	s14 =	simm.s32 @!p0 $0x0;
	[sflag:s6] =	ssyncset.done $0x0  }
0x27: {  	s17 =	sshll.u32 s14, $0x9;
	[sflag:s6] =	ssyncadd.s32 $0xFFFFFE00  }
0x28: {  	v0 =	vld.msk [tilespmem:s17+$0x0 ss:$0x1], $0xffff;
	_ =	sdelay $0x4  }
0x29: {  	vm1 =	vgt.s32 v0, $0x0  }
0x2a: {  	v0 =	vnsel vm1, $0x0, v0  }
0x2b: {  	v0 =	vmin.u32 v0, $0xF423F  }
0x2c: {  	v1 =	vshll.u32 v0, $0x3  }
0x2d: {  	v0 =	vand.u32 $0x7F, v0;
	v1 =	vand.u32 $0x7FFC00, v1  }
0x2e: {  	s30 =	sshll.u32 s12, $0xD;
	v0 =	vor.u32 v0, v1  }
0x2f: {  	s16 =	simm.s32 $0x0;
	s14 =	sand.u32 $0x2000, s30  }
0x30: {  	s18 =	sand.u32 $0xC00, s16;
	s15 =	sor.u32 $0x400, s14  }
0x31: {  	s19 =	sand.u32 $0x70, s16;
	(ifvalue) =	ssetifvalue $0x7FFFFFFF;
	s18 =	sadd.s32 s18, s15;
	v1 =	vor.u32 $0x80, v0  }
0x32: {  	(ifvalue) =	ssetifvalue $0x7FFFFFFF;
	s18 =	sadd.s32 s19, s18  }
0x33: {  	[tilespmem:s18], [sflag:$0x1] =	stream.indirect_vreg.gather [hbm4b:s2+s11], $0x1, v0, vm0, $0x4038;
	[tilespmem:$0x4400] =	vst v63  }
0x34: {  	v2 =	vor.u32 $0x100, v0;
	(ifvalue) =	ssetifvalue $0x7FFFFFFF  }
0x35: {  	s19 =	sadd.s32 $0x80, s18;
	(ifvalue) =	ssetifvalue $0x7FFFFFFF  }
0x36: {  	[tilespmem:s19], [sflag:$0x1] =	stream.indirect_vreg.gather [hbm4b:s2+s11], $0x1, v1, vm0, $0x4038;
	[tilespmem:$0x4400] =	vst v63  }
0x37: {  	v1 =	vor.u32 $0x180, v0;
	(ifvalue) =	ssetifvalue $0x7FFFFFFF  }
0x38: {  	s31 =	sadd.s32 $0x100, s18;
	(ifvalue) =	ssetifvalue $0x7FFFFFFF  }
0x39: {  	[tilespmem:s31], [sflag:$0x1] =	stream.indirect_vreg.gather [hbm4b:s2+s11], $0x1, v2, vm0, $0x4038;
	[tilespmem:$0x4400] =	vst v63  }
0x3a: {  	v2 =	vor.u32 $0x200, v0;
	(ifvalue) =	ssetifvalue $0x7FFFFFFF  }
0x3b: {  	s20 =	sadd.s32 $0x180, s18;
	(ifvalue) =	ssetifvalue $0x7FFFFFFF  }
0x3c: {  	[tilespmem:s20], [sflag:$0x1] =	stream.indirect_vreg.gather [hbm4b:s2+s11], $0x1, v1, vm0, $0x4038;
	[tilespmem:$0x4400] =	vst v63  }
0x3d: {  	(ifvalue) =	ssetifvalue $0x7FFFFFFF;
	v1 =	vor.u32 $0x280, v0  }
0x3e: {  	s21 =	sadd.s32 $0x200, s18;
	(ifvalue) =	ssetifvalue $0x7FFFFFFF  }
0x3f: {  	[tilespmem:s21], [sflag:$0x1] =	stream.indirect_vreg.gather [hbm4b:s2+s11], $0x1, v2, vm0, $0x4038;
	[tilespmem:$0x4400] =	vst v63  }
0x40: {  	(ifvalue) =	ssetifvalue $0x7FFFFFFF;
	v2 =	vor.u32 $0x300, v0  }
0x41: {  	s22 =	sadd.s32 $0x280, s18;
	(ifvalue) =	ssetifvalue $0x7FFFFFFF  }
0x42: {  	[tilespmem:s22], [sflag:$0x1] =	stream.indirect_vreg.gather [hbm4b:s2+s11], $0x1, v1, vm0, $0x4038;
	[tilespmem:$0x4400] =	vst v63  }
0x43: {  	(ifvalue) =	ssetifvalue $0x7FFFFFFF;
	v1 =	vor.u32 $0x380, v0  }
0x44: {  	s16 =	sor.u32 s16, s16;
	s23 =	sadd.s32 $0x300, s18;
	(ifvalue) =	ssetifvalue $0x7FFFFFFF  }
0x45: {  	[tilespmem:s23], [sflag:$0x1] =	stream.indirect_vreg.gather [hbm4b:s2+s11], $0x1, v2, vm0, $0x4038;
	[tilespmem:$0x4400] =	vst v63  }
0x46: {  	s16 =	sor.u32 $0x380, s16;
	(ifvalue) =	ssetifvalue $0x7FFFFFFF;
	v2 =	vadd.s32 $0x7A1400, v0  }
0x47: {  	s16 =	sadd.s32 s16, s15;
	(ifvalue) =	ssetifvalue $0x7FFFFFFF  }
0x48: {  	[tilespmem:s16], [sflag:$0x1] =	stream.indirect_vreg.gather [hbm4b:s2+s11], $0x1, v1, vm0, $0x4038;
	[tilespmem:$0x4400] =	vst v63  }
0x49: {  	(ifvalue) =	ssetifvalue $0x7FFFFFFF;
	v1 =	vadd.s32 $0x7A1480, v0  }
0x4a: {  	s24 =	sadd.s32 $0x1000, s18;
	(ifvalue) =	ssetifvalue $0x7FFFFFFF  }
0x4b: {  	[tilespmem:s24], [sflag:$0x1] =	stream.indirect_vreg.gather [hbm4b:s2+s11], $0x1, v2, vm0, $0x4038;
	[tilespmem:$0x4400] =	vst v63  }
0x4c: {  	(ifvalue) =	ssetifvalue $0x7FFFFFFF;
	v2 =	vadd.s32 $0x7A1500, v0  }
0x4d: {  	s25 =	sadd.s32 $0x1080, s18;
	(ifvalue) =	ssetifvalue $0x7FFFFFFF  }
0x4e: {  	[tilespmem:s25], [sflag:$0x1] =	stream.indirect_vreg.gather [hbm4b:s2+s11], $0x1, v1, vm0, $0x4038;
	[tilespmem:$0x4400] =	vst v63  }
0x4f: {  	(ifvalue) =	ssetifvalue $0x7FFFFFFF;
	v1 =	vadd.s32 $0x7A1580, v0  }
0x50: {  	s26 =	sadd.s32 $0x1100, s18;
	(ifvalue) =	ssetifvalue $0x7FFFFFFF  }
0x51: {  	[tilespmem:s26], [sflag:$0x1] =	stream.indirect_vreg.gather [hbm4b:s2+s11], $0x1, v2, vm0, $0x4038;
	[tilespmem:$0x4400] =	vst v63  }
0x52: {  	(ifvalue) =	ssetifvalue $0x7FFFFFFF;
	v2 =	vadd.s32 $0x7A1600, v0  }
0x53: {  	s28 =	sadd.s32 $0x1180, s18;
	(ifvalue) =	ssetifvalue $0x7FFFFFFF  }
0x54: {  	[tilespmem:s28], [sflag:$0x1] =	stream.indirect_vreg.gather [hbm4b:s2+s11], $0x1, v1, vm0, $0x4038;
	[tilespmem:$0x4400] =	vst v63  }
0x55: {  	(ifvalue) =	ssetifvalue $0x7FFFFFFF;
	v1 =	vadd.s32 $0x7A1680, v0  }
0x56: {  	s29 =	sadd.s32 $0x1200, s18;
	(ifvalue) =	ssetifvalue $0x7FFFFFFF  }
0x57: {  	[tilespmem:s29], [sflag:$0x1] =	stream.indirect_vreg.gather [hbm4b:s2+s11], $0x1, v2, vm0, $0x4038;
	[tilespmem:$0x4400] =	vst v63  }
0x58: {  	(ifvalue) =	ssetifvalue $0x7FFFFFFF;
	v2 =	vadd.s32 $0x7A1700, v0  }
0x59: {  	s30 =	sadd.s32 $0x1280, s18;
	(ifvalue) =	ssetifvalue $0x7FFFFFFF  }
0x5a: {  	[tilespmem:s30], [sflag:$0x1] =	stream.indirect_vreg.gather [hbm4b:s2+s11], $0x1, v1, vm0, $0x4038;
	[tilespmem:$0x4400] =	vst v63  }
0x5b: {  	v0 =	vadd.s32 $0x7A1780, v0;
	(ifvalue) =	ssetifvalue $0x7FFFFFFF  }
0x5c: {  	s31 =	sadd.s32 $0x1300, s18;
	(ifvalue) =	ssetifvalue $0x7FFFFFFF  }
0x5d: {  	[tilespmem:s31], [sflag:$0x1] =	stream.indirect_vreg.gather [hbm4b:s2+s11], $0x1, v2, vm0, $0x4038;
	[tilespmem:$0x4400] =	vst v63  }
0x5e: {  	s17 =	sadd.s32 $0x10, s17;
	s19 =	sadd.s32 $0x1380, s18;
	(ifvalue) =	ssetifvalue $0x7FFFFFFF  }
0x5f: {  	s18 =	simm.s32 $0x80;
	s16 =	simm.s32 $0x10;
	(ifvalue) =	ssetifvalue $0x7FFFFFFF  }
.LBB2_3:
0x60: {  	[tilespmem:s19], [sflag:$0x1] =	stream.indirect_vreg.gather [hbm4b:s2+s11], $0x1, v0, vm0, $0x4038;
	[tilespmem:$0x4400] =	vst v63  }
0x61: {  	p1 =	sne.s32 s16, $0x1F0;
	s20 =	smov.u32 s16;
	s16 =	sadd.s32 $0x10, s16;
	v0 =	vld.msk [tilespmem:s17+$0x0 ss:$0x1], $0xffff  }
0x62: {  	(ifvalue) =	ssetifvalue $0x7FFFFFFF;
	_ =	sdelay $0x4  }
0x63: {  	vm1 =	vgt.s32 v0, $0x0  }
0x64: {  	v0 =	vnsel vm1, $0x0, v0  }
0x65: {  	v0 =	vmin.u32 v0, $0xF423F  }
0x66: {  	v1 =	vshll.u32 v0, $0x3  }
0x67: {  	v0 =	vand.u32 $0x7F, v0;
	v1 =	vand.u32 $0x7FFC00, v1  }
0x68: {  	v0 =	vor.u32 v0, v1;
	_ =	sdelay $0x1  }
0x69: {  	s19 =	sand.u32 $0xC00, s18  }
0x6a: {  	s21 =	sand.u32 $0x70, s20;
	s19 =	sadd.s32 s19, s15;
	v1 =	vor.u32 $0x80, v0  }
0x6b: {  	s19 =	sadd.s32 s21, s19;
	(ifvalue) =	ssetifvalue $0x7FFFFFFF  }
0x6c: {  	[tilespmem:s19], [sflag:$0x1] =	stream.indirect_vreg.gather [hbm4b:s2+s11], $0x1, v0, vm0, $0x4038;
	[tilespmem:$0x4400] =	vst v63  }
0x6d: {  	v2 =	vor.u32 $0x100, v0;
	(ifvalue) =	ssetifvalue $0x7FFFFFFF  }
0x6e: {  	s21 =	sadd.s32 $0x80, s19;
	(ifvalue) =	ssetifvalue $0x7FFFFFFF  }
0x6f: {  	[tilespmem:s21], [sflag:$0x1] =	stream.indirect_vreg.gather [hbm4b:s2+s11], $0x1, v1, vm0, $0x4038;
	[tilespmem:$0x4400] =	vst v63  }
0x70: {  	v1 =	vor.u32 $0x180, v0;
	(ifvalue) =	ssetifvalue $0x7FFFFFFF  }
0x71: {  	s21 =	sadd.s32 $0x100, s19;
	(ifvalue) =	ssetifvalue $0x7FFFFFFF  }
0x72: {  	[tilespmem:s21], [sflag:$0x1] =	stream.indirect_vreg.gather [hbm4b:s2+s11], $0x1, v2, vm0, $0x4038;
	[tilespmem:$0x4400] =	vst v63  }
0x73: {  	v2 =	vor.u32 $0x200, v0;
	(ifvalue) =	ssetifvalue $0x7FFFFFFF  }
0x74: {  	s21 =	sadd.s32 $0x180, s19;
	(ifvalue) =	ssetifvalue $0x7FFFFFFF  }
0x75: {  	[tilespmem:s21], [sflag:$0x1] =	stream.indirect_vreg.gather [hbm4b:s2+s11], $0x1, v1, vm0, $0x4038;
	[tilespmem:$0x4400] =	vst v63  }
0x76: {  	v1 =	vor.u32 $0x280, v0;
	(ifvalue) =	ssetifvalue $0x7FFFFFFF  }
0x77: {  	s21 =	sadd.s32 $0x200, s19;
	(ifvalue) =	ssetifvalue $0x7FFFFFFF  }
0x78: {  	[tilespmem:s21], [sflag:$0x1] =	stream.indirect_vreg.gather [hbm4b:s2+s11], $0x1, v2, vm0, $0x4038;
	[tilespmem:$0x4400] =	vst v63  }
0x79: {  	v2 =	vor.u32 $0x300, v0;
	(ifvalue) =	ssetifvalue $0x7FFFFFFF  }
0x7a: {  	s21 =	sadd.s32 $0x280, s19;
	(ifvalue) =	ssetifvalue $0x7FFFFFFF  }
0x7b: {  	[tilespmem:s21], [sflag:$0x1] =	stream.indirect_vreg.gather [hbm4b:s2+s11], $0x1, v1, vm0, $0x4038;
	[tilespmem:$0x4400] =	vst v63  }
0x7c: {  	v1 =	vor.u32 $0x380, v0;
	(ifvalue) =	ssetifvalue $0x7FFFFFFF  }
0x7d: {  	s20 =	sor.u32 s18, s20;
	s21 =	sadd.s32 $0x300, s19;
	(ifvalue) =	ssetifvalue $0x7FFFFFFF  }
0x7e: {  	[tilespmem:s21], [sflag:$0x1] =	stream.indirect_vreg.gather [hbm4b:s2+s11], $0x1, v2, vm0, $0x4038;
	[tilespmem:$0x4400] =	vst v63  }
0x7f: {  	s20 =	sor.u32 $0x380, s20;
	v2 =	vadd.s32 $0x7A1400, v0;
	(ifvalue) =	ssetifvalue $0x7FFFFFFF  }
0x80: {  	s20 =	sadd.s32 s20, s15;
	(ifvalue) =	ssetifvalue $0x7FFFFFFF  }
0x81: {  	[tilespmem:s20], [sflag:$0x1] =	stream.indirect_vreg.gather [hbm4b:s2+s11], $0x1, v1, vm0, $0x4038;
	[tilespmem:$0x4400] =	vst v63  }
0x82: {  	v1 =	vadd.s32 $0x7A1480, v0;
	(ifvalue) =	ssetifvalue $0x7FFFFFFF  }
0x83: {  	s20 =	sadd.s32 $0x1000, s19;
	(ifvalue) =	ssetifvalue $0x7FFFFFFF  }
0x84: {  	[tilespmem:s20], [sflag:$0x1] =	stream.indirect_vreg.gather [hbm4b:s2+s11], $0x1, v2, vm0, $0x4038;
	[tilespmem:$0x4400] =	vst v63  }
0x85: {  	v2 =	vadd.s32 $0x7A1500, v0;
	(ifvalue) =	ssetifvalue $0x7FFFFFFF  }
0x86: {  	s20 =	sadd.s32 $0x1080, s19;
	(ifvalue) =	ssetifvalue $0x7FFFFFFF  }
0x87: {  	[tilespmem:s20], [sflag:$0x1] =	stream.indirect_vreg.gather [hbm4b:s2+s11], $0x1, v1, vm0, $0x4038;
	[tilespmem:$0x4400] =	vst v63  }
0x88: {  	v1 =	vadd.s32 $0x7A1580, v0;
	(ifvalue) =	ssetifvalue $0x7FFFFFFF  }
0x89: {  	s20 =	sadd.s32 $0x1100, s19;
	(ifvalue) =	ssetifvalue $0x7FFFFFFF  }
0x8a: {  	[tilespmem:s20], [sflag:$0x1] =	stream.indirect_vreg.gather [hbm4b:s2+s11], $0x1, v2, vm0, $0x4038;
	[tilespmem:$0x4400] =	vst v63  }
0x8b: {  	v2 =	vadd.s32 $0x7A1600, v0;
	(ifvalue) =	ssetifvalue $0x7FFFFFFF  }
0x8c: {  	s20 =	sadd.s32 $0x1180, s19;
	(ifvalue) =	ssetifvalue $0x7FFFFFFF  }
0x8d: {  	[tilespmem:s20], [sflag:$0x1] =	stream.indirect_vreg.gather [hbm4b:s2+s11], $0x1, v1, vm0, $0x4038;
	[tilespmem:$0x4400] =	vst v63  }
0x8e: {  	v1 =	vadd.s32 $0x7A1680, v0;
	(ifvalue) =	ssetifvalue $0x7FFFFFFF  }
0x8f: {  	s20 =	sadd.s32 $0x1200, s19;
	(ifvalue) =	ssetifvalue $0x7FFFFFFF  }
0x90: {  	[tilespmem:s20], [sflag:$0x1] =	stream.indirect_vreg.gather [hbm4b:s2+s11], $0x1, v2, vm0, $0x4038;
	[tilespmem:$0x4400] =	vst v63  }
0x91: {  	v2 =	vadd.s32 $0x7A1700, v0;
	(ifvalue) =	ssetifvalue $0x7FFFFFFF  }
0x92: {  	s20 =	sadd.s32 $0x1280, s19;
	(ifvalue) =	ssetifvalue $0x7FFFFFFF  }
0x93: {  	[tilespmem:s20], [sflag:$0x1] =	stream.indirect_vreg.gather [hbm4b:s2+s11], $0x1, v1, vm0, $0x4038;
	[tilespmem:$0x4400] =	vst v63  }
.Ltmp3:
0x94: {  	v0 =	vadd.s32 $0x7A1780, v0;
	(ifvalue) =	ssetifvalue $0x7FFFFFFF;
	(pc) =	sbr.rel @p1 .LBB2_3-.Ltmp3, $4  }
0x95: {  	s20 =	sadd.s32 $0x1300, s19;
	(ifvalue) =	ssetifvalue $0x7FFFFFFF  }
0x96: {  	[tilespmem:s20], [sflag:$0x1] =	stream.indirect_vreg.gather [hbm4b:s2+s11], $0x1, v2, vm0, $0x4038;
	[tilespmem:$0x4400] =	vst v63  }
0x97: {  	s17 =	sadd.s32 $0x10, s17;
	(ifvalue) =	ssetifvalue $0x7FFFFFFF  }
0x98: {  	s18 =	sadd.s32 $0x80, s18;
	s19 =	sadd.s32 $0x1380, s19;
	(ifvalue) =	ssetifvalue $0x7FFFFFFF  }
.Ltmp4:
0x99: {  	_ = 	snop;
	(pc) =	sbr.rel .LBB2_4-.Ltmp4, $1  }
0x9a: {  	_ =	sdelay $0x3  }
.LBB2_6:
0x9b: {  	_ =	sfence.sel $0x180000  }
0x9c: {  	s2 =	simm.s32 $0x2;
	[bflag:$0x0] =	sbarrier.arrive $0xFFFF  }
0x9d: {  	s30 =	simm.s32 $0x3;
	[sflag:s2] =	ssyncpa.u1 $0x1  }
0x9e: {  	s31 =	simm.s32 $0x1;
	[sflag:s30] =	ssyncpa.u1 $0x1  }
0x9f: {  	[sflag:s31] =	ssyncpa.u1 $0x1  }
0xa0: {  	p0 =	sne.s32 s0, $0x0;
	_ =	strace $0x9000004A  }
0xa1: {  	s0 =	sadd.s32 @!p0 $0x100000, s1;
	[bflag:$0x2] =	sbarrier.arrive $0xFFFF  }
0xa2: {  	[sflag:s0] =	ssyncadd.tile.s32 @!p0 $0x1;
	_ =	shalt  }
.Lfunc_end2:
_tile_overlayer_lowered:
.L_overlay_start_2:
0xa3: {  	(tag) =	ssettag $0x2  }
0xa4: {  	s0 =	rddreg [dreg:$0x0];
	s2 =	stileid.u32  }
0xa5: {  	s1 =	rddreg [dreg:$0x1];
	p0 =	sne.s32 s2, $0x0  }
0xa6: {  	s3 =	rddreg [dreg:$0x2];
	[bflag:$0x3] =	sbarrier.arrive $0xFFFF;
	s2 =	simm.s32 @!p0 $0x1C01  }
0xa7: {  	[timem:s3], [sflag:s2] =	dma.local @!p0 [hbm:s0], s1  }
0xa8: {  	s0 =	simm.s32 @!p0 $0x1  }
0xa9: {  	_ =	swait.ge @!p0 [sflag:s0], s1  }
0xaa: {  	s1 =	ssub.s32 @!p0 $0x0, s1;
	[sflag:s0] =	ssyncset.done @!p0 $0x0  }
0xab: {  	[sflag:s0] =	ssyncadd.s32 @!p0 s1  }
0xac: {  	[bflag:$0x3] =	sbarrier.arrive $0xFFFF  }
0xad: {  	_ =	shalt  }

// kernel: kernel.3.cloned.1.call-start
scs
__scs_entry_jumppad:
0x0: {  	(pc) =	sbr.rel $0x88, $3  }
0x1: {  	(tag) =	ssettag $0x0;
	lr =	simm.s32 $0x1  }
0x2: {  	[smem:$0x3F9B] =	sst lr;
	_ =	strace $0xD0000000  }
0x3: {  	_ = 	snop  }
0x4: {  	_ = 	snop  }
0x5: {  	_ = 	snop  }
0x6: {  	_ = 	snop  }
0x7: {  	_ = 	snop  }
__scs_overlays_trampoline_lowered:
0x8: {  	[smem:$0x3FAA] =	sst s0  }
0x9: {  	[smem:$0x3FAB] =	sst s1  }
0xa: {  	[smem:$0x3FAC] =	sst s2  }
0xb: {  	[smem:$0x3FAD] =	sst s3  }
0xc: {  	[smem:$0x3FAE] =	sst s4  }
0xd: {  	[smem:$0x3FAF] =	sst s5  }
0xe: {  	[smem:$0x3FB0] =	sst s6  }
0xf: {  	[smem:$0x3FB1] =	sst s7  }
0x10: {  	[smem:$0x3FB2] =	sst s8  }
0x11: {  	[smem:$0x3FB3] =	sst s9;
	s0 =	simm.s32 @!p0 $0x0  }
0x12: {  	s1 =	sld [smem:$0x3F99];
	s0 =	simm.s32 @p0 $0x1  }
0x13: {  	[smem:$0x3FB4] =	sst s0;
	s0 =	simm.s32 @!p1 $0x0  }
0x14: {  	s2 =	sld [smem:$0x3F98];
	s0 =	simm.s32 @p1 $0x1  }
0x15: {  	[smem:$0x3FB5] =	sst s0;
	s0 =	simm.s32 @!p2 $0x0  }
0x16: {  	s3 =	sld [smem:$0x3FDB];
	s0 =	simm.s32 @p2 $0x1  }
0x17: {  	s4 =	simm.s32 $0x1BF5;
	[smem:$0x3FB7] =	sst s0  }
0x18: {  	s0 =	sld [smem:$0x3F9A];
	_ =	swait.ge [sflag:s4], $0x0  }
0x19: {  	s7 =	sld [smem:$0x3F9B]  }
0x1a: {  	s8 =	sadd.s32 $0xFFFFE003, lr  }
0x1b: {  	s9 =	sadd.s32 $0xFFFFFEF7, lr;
	s5 =	simm.s32 $0xFFFFFFFF;
	p2 =	slt.u32 s8, $0xFFFFF086  }
0x1c: {  	p1 =	slt.u32 s9, $0xF7A;
	s5 =	simm.s32 @!p2 $0x0  }
0x1d: {  	s5 =	simm.s32 @p1 $0x1;
	p0 =	seq.s32 s7, s2  }
0x1e: {  	s7 =	smul.u32 @!p0 $0xF7A, s2;
	p2 =	seq.s32 @!p0 s5, $0x0  }
0x1f: {  	s9 =	smul.u32 $0xF7A, s1;
	s8 =	simm.s32 @!p0 $0x1BF5;
	p2 =	por !p2, p0  }
0x20: {  	[sflag:s8] =	ssyncset.s32 @!p0 $0xFFFFF086;
	s6 =	sadd.s32 @!p0 s3, s7;
	s7 =	simm.s32 @!p0 $0x108  }
0x21: {  	s3 =	sadd.s32 s3, s9;
	s6 =	sadd.s32 @!p0 $0x88, s6;
	s7 =	simm.s32 @p2 $0x1082  }
0x22: {  	[simem:s7], [sflag:s8] =	dma.local @!p0 [hbm:s6], $0xF7A  }
0x23: {  	s9 =	sor.u32 $0xD0000000, s2;
	s6 =	simm.s32 $0x108;
	_ =	swait.ge @!p0 [sflag:s8], $0x0  }
0x24: {  	s3 =	sadd.s32 $0x88, s3;
	s6 =	simm.s32 @!p1 $0x1082;
	[sflag:s4] =	ssyncset.s32 $0xFFFFF086  }
0x25: {  	[simem:s6], [sflag:s4] =	dma.local [hbm:s3], $0xF7A  }
0x26: {  	[smem:$0x3F9B] =	sst s1;
	(tag) =	ssettag s2;
	_ =	strace s9  }
0x27: {  	s1 =	sld [smem:$0x3FAB]  }
0x28: {  	s2 =	sld [smem:$0x3FAC]  }
0x29: {  	s4 =	sld [smem:$0x3FAE]  }
0x2a: {  	p0 =	seq.s32 s5, $0x0;
	s5 =	sld [smem:$0x3FAF]  }
0x2b: {  	s6 =	sld [smem:$0x3FB0]  }
0x2c: {  	s7 =	sld [smem:$0x3FB1]  }
0x2d: {  	s3 =	simm.s32 $0x108;
	s8 =	sld [smem:$0x3FB2]  }
0x2e: {  	s3 =	simm.s32 @!p0 $0x1082;
	s9 =	sld [smem:$0x3FB3]  }
0x2f: {  	lr =	sadd.s32 s0, s3;
	s0 =	sld [smem:$0x3FAA]  }
0x30: {  	s3 =	sld [smem:$0x3FAD]  }
0x31: {  	[smem:$0x3FB6] =	sst s10  }
0x32: {  	s10 =	sld [smem:$0x3FB4];
	_ =	sdelay $0x3  }
0x33: {  	p0 =	seq.s32 s10, $0x1;
	s10 =	sld [smem:$0x3FB6];
	_ =	sdelay $0x3  }
0x34: {  	[smem:$0x3FB6] =	sst s10  }
0x35: {  	s10 =	sld [smem:$0x3FB5];
	_ =	sdelay $0x3  }
0x36: {  	p1 =	seq.s32 s10, $0x1;
	s10 =	sld [smem:$0x3FB6];
	_ =	sdelay $0x3  }
0x37: {  	[smem:$0x3FB6] =	sst s10  }
0x38: {  	s10 =	sld [smem:$0x3FB7]  }
0x39: {  	_ = 	snop;
	(pc) =	sbr.ind lr, $3  }
0x3a: {  	_ = 	snop  }
0x3b: {  	_ = 	snop  }
0x3c: {  	p2 =	seq.s32 s10, $0x1;
	s10 =	sld [smem:$0x3FB6]  }
0x3d: {  	_ =	shalt  }
0x3e: {  	_ =	shalt  }
0x3f: {  	_ =	shalt  }
0x40: {  	_ =	shalt  }
0x41: {  	_ =	shalt  }
0x42: {  	_ =	shalt  }
0x43: {  	_ =	shalt  }
0x44: {  	_ =	shalt  }
0x45: {  	_ =	shalt  }
0x46: {  	_ =	shalt  }
0x47: {  	_ =	shalt  }
0x48: {  	_ =	shalt  }
0x49: {  	_ =	shalt  }
0x4a: {  	_ =	shalt  }
0x4b: {  	_ =	shalt  }
0x4c: {  	_ =	shalt  }
0x4d: {  	_ =	shalt  }
0x4e: {  	_ =	shalt  }
0x4f: {  	_ =	shalt  }
0x50: {  	_ =	shalt  }
0x51: {  	_ =	shalt  }
0x52: {  	_ =	shalt  }
0x53: {  	_ =	shalt  }
0x54: {  	_ =	shalt  }
0x55: {  	_ =	shalt  }
0x56: {  	_ =	shalt  }
0x57: {  	_ =	shalt  }
0x58: {  	_ =	shalt  }
0x59: {  	_ =	shalt  }
0x5a: {  	_ =	shalt  }
0x5b: {  	_ =	shalt  }
0x5c: {  	_ =	shalt  }
0x5d: {  	_ =	shalt  }
0x5e: {  	_ =	shalt  }
0x5f: {  	_ =	shalt  }
0x60: {  	_ =	shalt  }
0x61: {  	_ =	shalt  }
0x62: {  	_ =	shalt  }
0x63: {  	_ =	shalt  }
0x64: {  	_ =	shalt  }
0x65: {  	_ =	shalt  }
0x66: {  	_ =	shalt  }
0x67: {  	_ =	shalt  }
0x68: {  	_ =	shalt  }
0x69: {  	_ =	shalt  }
0x6a: {  	_ =	shalt  }
0x6b: {  	_ =	shalt  }
0x6c: {  	_ =	shalt  }
0x6d: {  	_ =	shalt  }
0x6e: {  	_ =	shalt  }
0x6f: {  	_ =	shalt  }
0x70: {  	_ =	shalt  }
0x71: {  	_ =	shalt  }
0x72: {  	_ =	shalt  }
0x73: {  	_ =	shalt  }
0x74: {  	_ =	shalt  }
0x75: {  	_ =	shalt  }
0x76: {  	_ =	shalt  }
0x77: {  	_ =	shalt  }
0x78: {  	_ =	shalt  }
0x79: {  	_ =	shalt  }
0x7a: {  	_ =	shalt  }
0x7b: {  	_ =	shalt  }
0x7c: {  	_ =	shalt  }
0x7d: {  	_ =	shalt  }
0x7e: {  	_ =	shalt  }
0x7f: {  	_ =	shalt  }
0x80: {  	_ =	shalt  }
0x81: {  	_ =	shalt  }
0x82: {  	_ =	shalt  }
0x83: {  	_ =	shalt  }
0x84: {  	_ =	shalt  }
0x85: {  	_ =	shalt  }
0x86: {  	_ =	shalt  }
0x87: {  	_ =	shalt  }
.Lfunc_end0:
.L_simem_size_0:
called_computation.2_lowered:
.L_overlay_start_0:
0x88: {  	s2 =	sld [smem:$0x3FD9]  }
0x89: {  	s3 =	sld [smem:$0x3FFE];
	_ =	sdelay $0x1  }
0x8a: {  	s1 =	srdreg.scid  }
0x8b: {  	s0 =	sand.u32 $0x1, s1  }
0x8c: {  	s17 =	sshll.u32 s0, $0xA;
	s2 =	sadd.s32 s3, s2  }
0x8d: {  	s2 =	sadd.s32 s2, s17  }
0x8e: {  	[smem:$0x3FC2] =	sst s2  }
0x8f: {  	_ = 	snop  }
0x90: {  	s2 =	sld [smem:$0x3FC9]  }
0x91: {  	s18 =	sld [smem:$0x3FC8]  }
0x92: {  	s4 =	sld [smem:$0x3FD0];
	(tm) =	ssettm $0x1  }
0x93: {  	s5 =	sld [smem:$0x3FFB];
	_ =	sdelay $0x3  }
0x94: {  	_ =	strace s5  }
0x95: {  	s5 =	sld [smem:$0x3FFC];
	_ =	sdelay $0x3  }
0x96: {  	_ =	strace s5  }
0x97: {  	s5 =	sld [smem:$0x3FFD];
	_ =	sdelay $0x3  }
0x98: {  	_ =	strace s5  }
0x99: {  	_ =	strace $0x8FFFFFFF  }
0x9a: {  	s19 =	sld [smem:$0x3FDB];
	_ =	sdelay $0x1  }
0x9b: {  	s6 =	simm.s32 $_scs_section_size  }
0x9c: {  	s7 =	simm.s32 $_size__tile_overlayer_lowered;
	s8 =	simm.s32 $_tile_overlayer_lowered  }
0x9d: {  	s22 =	simm.s32 $0x1BFF;
	s21 =	sshll.u32 s8, $0x1;
	s5 =	sadd.s32 s6, s19  }
0x9e: {  	s9 =	simm.s32 $0x0;
	s20 =	sshll.u32 s7, $0x1;
	s7 =	sadd.s32 s21, s5  }
0x9f: {  	[timem:s9], [sflag:s22] =	dma.local [hbm:s7], s20  }
0xa0: {  	_ =	swait.ge [sflag:s22], s20  }
0xa1: {  	s6 =	ssub.s32 $0x0, s20;
	[sflag:s22] =	ssyncset.done $0x0  }
0xa2: {  	[sflag:s22] =	ssyncadd.s32 s6;
	_ =	sdelay $0x1  }
0xa3: {  	s23 =	simm.s32 $0x1B8B  }
0xa4: {  	_ =	swait.ge [sflag:s23], $0x1  }
0xa5: {  	[sflag:s23] =	ssyncset.done $0x0  }
0xa6: {  	s25 =	simm.s32 $0x1B8E;
	s24 =	sld [smem:$0x3FFE];
	[sflag:s23] =	ssyncadd.s32 $0xFFFFFFFF  }
0xa7: {  	s26 =	simm.s32 $execute0_lowered;
	[smem:$0x3FD2] =	sst s25  }
0xa8: {  	s7 =	sshll.u32 s26, $0x1;
	_ =	strace $0x8000004C;
	[dreg:$0x1] =	wrdreg $0xFFFFFFFF  }
0xa9: {  	s28 =	simm.s32 $_size_execute0_lowered;
	s5 =	sadd.s32 s5, s7;
	[dreg:$0x0] =	wrdreg $0x0  }
0xaa: {  	s7 =	sshll.u32 s28, $0x1;
	[dreg:$0x2] =	wrdreg s5  }
0xab: {  	[dreg:$0x3] =	wrdreg s7  }
0xac: {  	[dreg:$0x4] =	wrdreg $0xC0  }
0xad: {  	_ =	task [dreg:s9], $0x5FFFF  }
0xae: {  	[dreg:$0x1] =	wrdreg $0xFFFFFFFF  }
0xaf: {  	[dreg:$0x0] =	wrdreg $0x60  }
0xb0: {  	[dreg:$0x2] =	wrdreg s2  }
0xb1: {  	[dreg:$0x3] =	wrdreg s18  }
0xb2: {  	[dreg:$0x4] =	wrdreg s24  }
0xb3: {  	[dreg:$0x5] =	wrdreg s4  }
0xb4: {  	[dreg:$0x6] =	wrdreg $0x9  }
0xb5: {  	_ =	task.clear_ibuf [dreg:s9], $0x7FFFF;
	_ =	strace $0x9000004C  }
0xb6: {  	s29 =	simm.s32 $0x9;
	_ =	strace $0x8000004E  }
0xb7: {  	_ =	swait.ge [sflag:s29], $0x1  }
0xb8: {  	[sflag:s29] =	ssyncadd.s32 $0xFFFFFFFF  }
0xb9: {  	_ =	strace $0x9000004E  }
0xba: {  	_ =	sfence  }
0xbb: {  	s30 =	sld [smem:$0x0];
	_ =	sdelay $0x2  }
0xbc: {  	s31 =	sshll.u32 s1, $0xD;
	s1 =	sshrl.u32 s1, $0x2  }
0xbd: {  	s3 =	sand.u32 $0x4000, s31;
	s1 =	sadd.s32 s1, s30  }
0xbe: {  	s0 =	sor.u32 s3, s0;
	s1 =	sshll.u32 s1, $0x11  }
0xbf: {  	s0 =	sor.u32 s1, s0  }
0xc0: {  	s0 =	sadd.s32 $0x8F2B, s0  }
0xc1: {  	[sflag:s0] =	ssyncadd.remote.s32 $0x1  }
0xc2: {  	_ =	sfence.sel $0xFFFF  }
0xc3: {  	[dreg:$0x0] =	wrdreg $0xFFFFFFFF;
	(pc) =	sbr.abs _section_cstart, $3  }
0xc4: {  	[dreg:$0x1] =	wrdreg $0xFFFFFFFF  }
0xc5: {  	_ =	task.clear_ibuf [dreg:s9], $0x2FFFF;
	_ =	strace $0x9FFFFFFF  }
0xc6: {  	(tm) =	ssettm $0x7FFFFFFF  }
0xc7: {  	_ =	shalt  }
tec
execute0_lowered:
.L_overlay_start_1:
0x0: {  	(tag) =	ssettag $0x1  }
0x1: {  	s0 =	rddreg [dreg:$0x0]  }
0x2: {  	s2 =	rddreg [dreg:$0x1]  }
0x3: {  	s7 =	rddreg [dreg:$0x2]  }
0x4: {  	s11 =	rddreg [dreg:$0x3];
	s1 =	simm.s32 $0x0  }
0x5: {  	s4 =	srdreg.scid;
	s5 =	stileid.u32;
	s17 =	simm.s32 $0x10600  }
0x6: {  	s18 =	simm.s32 $0x2;
	s19 =	simm.s32 $0x10A00;
	s20 =	simm.s32 $0x80  }
0x7: {  	s22 =	simm.s32 $0x600;
	s24 =	simm.s32 $0x8600;
	s28 =	simm.s32 $0x4600  }
0x8: {  	s29 =	simm.s32 $0x580;
	s30 =	simm.s32 $0xC600;
	s31 =	simm.s32 $0x14E00  }
0x9: {  	[smem:$0x7FF] =	sst s1;
	s3 =	sadd.s32 $0x1C00, s7;
	s6 =	sand.u32 $0x1, s4  }
0xa: {  	s4 =	sadd.s32 $0x20600, s7;
	s8 =	sshll.u32 s5, $0xA;
	s5 =	sadd.s32 $0x1A00, s7  }
0xb: {  	_ =	strace $0x8000004D;
	s9 =	sshll.u32 s6, $0x9;
	s25 =	ssub.s32 $0x2, s6  }
0xc: {  	s6 =	sadd.s32 $0x20400, s7;
	s8 =	sor.u32 s9, s8;
	s26 =	sshrl.u32 s25, $0x1  }
0xd: {  	s10 =	sadd.s32 s8, s7;
	s12 =	ssub.s32 s25, s26;
	s13 =	sshrl.u32 s8, $0x3  }
0xe: {  	s25 =	simm.s32 $0x1;
	s26 =	simm.s32 $0x480;
	s7 =	sadd.s32 $0x57800, s10  }
0xf: {  	v0 =	vlaneseq.u32;
	s8 =	sadd.s32 $0x4F800, s10;
	s9 =	sadd.s32 s0, s13;
	s10 =	sadd.s32 s2, s13  }
0x10: {  	v0 =	vmul.u32 $0x80, v0;
	s11 =	sadd.s32 s11, s13;
	s12 =	smax.u32 s12, $0x1;
	s0 =	simm.s32 $0x0  }
.LBB2_1:
0x11: {  	s2 =	simm.s32 $0x1000;
	s13 =	simm.s32 $0x20000;
	s14 =	simm.s32 $0x10E00  }
0x12: {  	[tilespmem:s14], [sflag:$0x1] =	stream.strided.gather [hbm4b:s7+s2], $0x2000, s13, s2, $0x38;
	[tilespmem:$0x15000] =	vst v63  }
0x13: {  	s15 =	simm.s32 $0x12E00  }
0x14: {  	[tilespmem:s15], [sflag:$0x1] =	stream.strided.gather [hbm4b:s8+s2], $0x2000, s13, s2, $0x38;
	[tilespmem:$0x15000] =	vst v63  }
0x15: {  	_ = 	snop  }
0x16: {  	[tilespmem:s17], [sflag:$0x2] =	stream.linear.gather [hbm4b:s5+s1], $0x400, $0x38;
	[tilespmem:$0x15000] =	vst v63  }
0x17: {  	_ =	swait.ge [sflag:s18], $0x400  }
0x18: {  	[sflag:s18] =	ssyncset.done $0x0  }
0x19: {  	[sflag:s18] =	ssyncadd.s32 $0xFFFFFC00  }
0x1a: {  	[tilespmem:s19], [sflag:$0x2] =	stream.linear.gather [hbm4b:s6+s1], $0x400, $0x38;
	[tilespmem:$0x15000] =	vst v63  }
0x1b: {  	_ =	swait.ge [sflag:s18], $0x400  }
0x1c: {  	[sflag:s18] =	ssyncset.done $0x0  }
0x1d: {  	[sflag:s18] =	ssyncadd.s32 $0xFFFFFC00  }
0x1e: {  	[tilespmem:s1], [sflag:$0x2] =	stream.linear.gather [hbm4b:s9+s1], $0x200, $0x38;
	[tilespmem:$0x15000] =	vst v63  }
0x1f: {  	_ =	swait.ge [sflag:s18], $0x200  }
0x20: {  	[sflag:s18] =	ssyncset.done $0x0  }
0x21: {  	s16 =	simm.s32 $0x200;
	[sflag:s18] =	ssyncadd.s32 $0xFFFFFE00  }
0x22: {  	[tilespmem:s16], [sflag:$0x2] =	stream.linear.gather [hbm4b:s10+s1], $0x200, $0x38;
	[tilespmem:$0x15000] =	vst v63  }
0x23: {  	_ =	swait.ge [sflag:s18], $0x200  }
0x24: {  	[sflag:s18] =	ssyncset.done $0x0  }
0x25: {  	[sflag:s18] =	ssyncadd.s32 $0xFFFFFE00  }
0x26: {  	v1 =	vld [tilespmem:$0x0]  }
0x27: {  	v2 =	vld [tilespmem:$0x200]  }
0x28: {  	v3 =	vld [tilespmem:$0x10]  }
0x29: {  	v4 =	vld [tilespmem:$0x210]  }
0x2a: {  	v5 =	vld [tilespmem:$0x20]  }
0x2b: {  	v6 =	vld [tilespmem:$0x220];
	v1 =	vshra.s32 v1, $0x7  }
0x2c: {  	v7 =	vld [tilespmem:$0x30];
	v2 =	vshra.s32 v2, $0x7;
	vm0 =	vlt.s32 v1, $0x1E7F  }
0x2d: {  	v8 =	vld [tilespmem:$0x230];
	v3 =	vshra.s32 v3, $0x7;
	vm6 =	vlt.s32 v2, $0x1E7F;
	v1 =	vnsel vm0, $0x1E7F, v1  }
0x2e: {  	v13 =	vld [tilespmem:$0x40];
	vm7 =	vlt.s32 v3, $0x1E7F;
	[tilespmem:$0x400] =	vst v1;
	v1 =	vnsel vm6, $0x1E7F, v2;
	v2 =	vshra.s32 v4, $0x7  }
0x2f: {  	v14 =	vld [tilespmem:$0x240];
	[tilespmem:$0x500] =	vst v1;
	v1 =	vnsel vm7, $0x1E7F, v3;
	vm8 =	vlt.s32 v2, $0x1E7F;
	v3 =	vshra.s32 v5, $0x7  }
0x30: {  	v15 =	vld [tilespmem:$0x50];
	[tilespmem:$0x410] =	vst v1;
	v1 =	vnsel vm8, $0x1E7F, v2;
	vm9 =	vlt.s32 v3, $0x1E7F;
	v2 =	vshra.s32 v6, $0x7  }
0x31: {  	v16 =	vld [tilespmem:$0x250];
	[tilespmem:$0x510] =	vst v1;
	v1 =	vnsel vm9, $0x1E7F, v3;
	vm10 =	vlt.s32 v2, $0x1E7F;
	v3 =	vshra.s32 v7, $0x7  }
0x32: {  	v17 =	vld [tilespmem:$0x60];
	[tilespmem:$0x420] =	vst v1;
	v1 =	vnsel vm10, $0x1E7F, v2;
	vm11 =	vlt.s32 v3, $0x1E7F;
	v2 =	vshra.s32 v8, $0x7  }
0x33: {  	v18 =	vld [tilespmem:$0x260];
	[tilespmem:$0x520] =	vst v1;
	v1 =	vnsel vm11, $0x1E7F, v3;
	vm12 =	vlt.s32 v2, $0x1E7F;
	v3 =	vshra.s32 v13, $0x7  }
0x34: {  	v19 =	vld [tilespmem:$0x70];
	[tilespmem:$0x430] =	vst v1;
	v1 =	vnsel vm12, $0x1E7F, v2;
	vm13 =	vlt.s32 v3, $0x1E7F;
	v2 =	vshra.s32 v14, $0x7  }
0x35: {  	v20 =	vld [tilespmem:$0x270];
	[tilespmem:$0x530] =	vst v1;
	v1 =	vnsel vm13, $0x1E7F, v3;
	vm14 =	vlt.s32 v2, $0x1E7F;
	v3 =	vshra.s32 v15, $0x7  }
0x36: {  	[tilespmem:$0x440] =	vst v1;
	v1 =	vnsel vm14, $0x1E7F, v2;
	vm15 =	vlt.s32 v3, $0x1E7F;
	v2 =	vshra.s32 v16, $0x7  }
0x37: {  	[tilespmem:$0x540] =	vst v1;
	v1 =	vnsel vm15, $0x1E7F, v3;
	vm4 =	vlt.s32 v2, $0x1E7F;
	v3 =	vshra.s32 v17, $0x7  }
0x38: {  	[tilespmem:$0x450] =	vst v1;
	v1 =	vnsel vm4, $0x1E7F, v2;
	vm5 =	vlt.s32 v3, $0x1E7F;
	v2 =	vshra.s32 v18, $0x7  }
0x39: {  	[tilespmem:$0x550] =	vst v1;
	v1 =	vnsel vm5, $0x1E7F, v3;
	vm6 =	vlt.s32 v2, $0x1E7F;
	v3 =	vshra.s32 v19, $0x7  }
0x3a: {  	[tilespmem:$0x460] =	vst v1;
	v1 =	vnsel vm6, $0x1E7F, v2;
	vm7 =	vlt.s32 v3, $0x1E7F;
	v2 =	vshra.s32 v20, $0x7  }
0x3b: {  	[tilespmem:$0x560] =	vst v1;
	v1 =	vnsel vm7, $0x1E7F, v3;
	vm8 =	vlt.s32 v2, $0x1E7F  }
0x3c: {  	[tilespmem:$0x470] =	vst v1;
	v1 =	vnsel vm8, $0x1E7F, v2  }
0x3d: {  	s21 =	simm.s32 $0x400;
	[tilespmem:$0x570] =	vst v1  }
0x3e: {  	[tilespmem:s22], [sflag:$0x1] =	stream.indirect.gather [hbm4b:s3+s20], $0x80, s21, s20, $0xb8;
	[tilespmem:$0x15000] =	vst v63  }
0x3f: {  	s23 =	simm.s32 $0x500  }
0x40: {  	[tilespmem:s24], [sflag:$0x1] =	stream.indirect.gather [hbm4b:s4+s20], $0x80, s23, s20, $0xb8;
	[tilespmem:$0x15000] =	vst v63  }
0x41: {  	v1 =	vld [tilespmem:$0x80]  }
0x42: {  	v2 =	vld [tilespmem:$0x280]  }
0x43: {  	v3 =	vld [tilespmem:$0x90]  }
0x44: {  	v21 =	vld [tilespmem:$0x290]  }
0x45: {  	v22 =	vld [tilespmem:$0xA0]  }
0x46: {  	v23 =	vld [tilespmem:$0x2A0];
	v1 =	vshra.s32 v1, $0x7  }
0x47: {  	v24 =	vld [tilespmem:$0xB0];
	v2 =	vshra.s32 v2, $0x7;
	vm9 =	vlt.s32 v1, $0x1E7F  }
0x48: {  	v25 =	vld [tilespmem:$0x2B0];
	v3 =	vshra.s32 v3, $0x7;
	vm10 =	vlt.s32 v2, $0x1E7F;
	v1 =	vnsel vm9, $0x1E7F, v1  }
0x49: {  	v26 =	vld [tilespmem:$0xC0];
	vm11 =	vlt.s32 v3, $0x1E7F;
	[tilespmem:$0x480] =	vst v1;
	v1 =	vnsel vm10, $0x1E7F, v2;
	v2 =	vshra.s32 v21, $0x7  }
0x4a: {  	v27 =	vld [tilespmem:$0x2C0];
	[tilespmem:$0x580] =	vst v1;
	v1 =	vnsel vm11, $0x1E7F, v3;
	vm12 =	vlt.s32 v2, $0x1E7F;
	v3 =	vshra.s32 v22, $0x7  }
0x4b: {  	v28 =	vld [tilespmem:$0xD0];
	[tilespmem:$0x490] =	vst v1;
	v1 =	vnsel vm12, $0x1E7F, v2;
	vm13 =	vlt.s32 v3, $0x1E7F;
	v2 =	vshra.s32 v23, $0x7  }
0x4c: {  	v29 =	vld [tilespmem:$0x2D0];
	[tilespmem:$0x590] =	vst v1;
	v1 =	vnsel vm13, $0x1E7F, v3;
	vm14 =	vlt.s32 v2, $0x1E7F;
	v3 =	vshra.s32 v24, $0x7  }
0x4d: {  	v30 =	vld [tilespmem:$0xE0];
	[tilespmem:$0x4A0] =	vst v1;
	v1 =	vnsel vm14, $0x1E7F, v2;
	vm15 =	vlt.s32 v3, $0x1E7F;
	v2 =	vshra.s32 v25, $0x7  }
0x4e: {  	v31 =	vld [tilespmem:$0x2E0];
	[tilespmem:$0x5A0] =	vst v1;
	v1 =	vnsel vm15, $0x1E7F, v3;
	vm4 =	vlt.s32 v2, $0x1E7F;
	v3 =	vshra.s32 v26, $0x7  }
0x4f: {  	v32 =	vld [tilespmem:$0xF0];
	[tilespmem:$0x4B0] =	vst v1;
	v1 =	vnsel vm4, $0x1E7F, v2;
	vm5 =	vlt.s32 v3, $0x1E7F;
	v2 =	vshra.s32 v27, $0x7  }
0x50: {  	v33 =	vld [tilespmem:$0x2F0];
	[tilespmem:$0x5B0] =	vst v1;
	v1 =	vnsel vm5, $0x1E7F, v3;
	vm6 =	vlt.s32 v2, $0x1E7F;
	v3 =	vshra.s32 v28, $0x7  }
0x51: {  	[tilespmem:$0x4C0] =	vst v1;
	v1 =	vnsel vm6, $0x1E7F, v2;
	vm7 =	vlt.s32 v3, $0x1E7F;
	v2 =	vshra.s32 v29, $0x7  }
0x52: {  	[tilespmem:$0x5C0] =	vst v1;
	v1 =	vnsel vm7, $0x1E7F, v3;
	vm8 =	vlt.s32 v2, $0x1E7F;
	v3 =	vshra.s32 v30, $0x7  }
0x53: {  	[tilespmem:$0x4D0] =	vst v1;
	v1 =	vnsel vm8, $0x1E7F, v2;
	vm9 =	vlt.s32 v3, $0x1E7F;
	v2 =	vshra.s32 v31, $0x7  }
0x54: {  	[tilespmem:$0x5D0] =	vst v1;
	v1 =	vnsel vm9, $0x1E7F, v3;
	vm10 =	vlt.s32 v2, $0x1E7F;
	v3 =	vshra.s32 v32, $0x7  }
0x55: {  	[tilespmem:$0x4E0] =	vst v1;
	v1 =	vnsel vm10, $0x1E7F, v2;
	vm11 =	vlt.s32 v3, $0x1E7F;
	v2 =	vshra.s32 v33, $0x7  }
0x56: {  	[tilespmem:$0x5E0] =	vst v1;
	v1 =	vnsel vm11, $0x1E7F, v3;
	vm12 =	vlt.s32 v2, $0x1E7F  }
0x57: {  	[tilespmem:$0x4F0] =	vst v1;
	v1 =	vnsel vm12, $0x1E7F, v2  }
0x58: {  	[tilespmem:$0x5F0] =	vst v1  }
0x59: {  	_ =	swait.ge [sflag:s25], $0x4000  }
0x5a: {  	[sflag:s25] =	ssyncset.done $0x0  }
0x5b: {  	[sflag:s25] =	ssyncadd.s32 $0xFFFFC000  }
0x5c: {  	_ =	swait.ge [sflag:s25], $0x4000  }
0x5d: {  	[sflag:s25] =	ssyncset.done $0x0  }
0x5e: {  	[sflag:s25] =	ssyncadd.s32 $0xFFFFC000  }
0x5f: {  	_ =	swait.ge [sflag:s25], $0x2000  }
0x60: {  	[sflag:s25] =	ssyncset.done $0x0  }
0x61: {  	[sflag:s25] =	ssyncadd.s32 $0xFFFFE000  }
0x62: {  	_ =	swait.ge [sflag:s25], $0x2000  }
0x63: {  	[sflag:s25] =	ssyncset.done $0x0  }
0x64: {  	[sflag:s25] =	ssyncadd.s32 $0xFFFFE000  }
0x65: {  	[tilespmem:s28], [sflag:$0x1] =	stream.indirect.gather [hbm4b:s3+s20], $0x80, s26, s20, $0xb8;
	[tilespmem:$0x15000] =	vst v63  }
0x66: {  	_ = 	snop  }
0x67: {  	[tilespmem:s30], [sflag:$0x1] =	stream.indirect.gather [hbm4b:s4+s20], $0x80, s29, s20, $0xb8;
	[tilespmem:$0x15000] =	vst v63  }
0x68: {  	v1 =	vld [tilespmem:s1+$0x0]  }
0x69: {  	v2 =	vld [tilespmem:s16+$0x0];
	_ =	sdelay $0x1  }
0x6a: {  	v3 =	vmov s1  }
0x6b: {  	v3 =	vshll.u32 v3, $0x7  }
0x6c: {  	v3 =	vor.u32 v0, v3;
	v34 =	vand.u32 $0x7F, v1  }
0x6d: {  	v35 =	vadd.s32 $0xFFF0C1C0, v1;
	v36 =	vand.u32 $0x7F, v2;
	v4 =	vor.u32 v3, v34  }
0x6e: {  	v37 =	vadd.s32 $0xFFF0C1C0, v2;
	vm13 =	vgt.s32 v35, $0x0;
	v3 =	vor.u32 v3, v36  }
0x6f: {  	vm14 =	vgt.s32 v37, $0x0;
	v5 =	vnsel vm13, $0x0, v35  }
0x70: {  	s2 =	simm.s32 $0x11E00;
	v38 =	vnsel vm14, $0x0, v37  }
0x71: {  	v39 =	vld [tilespmem:s2+$0xFFFFF000]  }
0x72: {  	v4 =	vld.idx.msk [tilespmem:v4+s22+$0x0], $0xffff  }
0x73: {  	v3 =	vld.idx.msk [tilespmem:v3+s24+$0x0], $0xffff  }
0x74: {  	v5 =	vld.idx.msk [tilespmem:v5+s17+$0x0], $0xffff  }
0x75: {  	s15 =	simm.s32 $0x13E00;
	v6 =	vld.idx.msk [tilespmem:v38+s19+$0x0], $0xffff  }
0x76: {  	v40 =	vld [tilespmem:s15+$0xFFFFF000]  }
0x77: {  	v9 =	vld [tilespmem:s2+$0xFFFFF080]  }
0x78: {  	v10 =	vld [tilespmem:s15+$0xFFFFF080]  }
0x79: {  	v41 =	vld [tilespmem:s15+$0xFFFFF100];
	vm15 =	vgt.s32 v1, $0xF3E3F;
	vm1 =	vgt.s32 v2, $0xF3E3F  }
0x7a: {  	v1 =	vld [tilespmem:s2+$0xFFFFF100];
	v2 =	vsel vm15, v5, v4;
	v3 =	vsel vm1, v6, v3  }
0x7b: {  	v42 =	vld [tilespmem:s2+$0xFFFFF180];
	v2 =	vadd.f32 v3, v2;
	v3 =	vmul.f32 v40, v39  }
0x7c: {  	v43 =	vld [tilespmem:s15+$0xFFFFF180]  }
0x7d: {  	v44 =	vld [tilespmem:s2+$0xFFFFF200];
	v2 =	vadd.f32 v3, v2;
	v3 =	vmul.f32 v10, v9  }
0x7e: {  	v45 =	vld [tilespmem:s15+$0xFFFFF200]  }
0x7f: {  	v46 =	vld [tilespmem:s15+$0xFFFFF280];
	v1 =	vmul.f32 v41, v1;
	v2 =	vadd.f32 v3, v2  }
0x80: {  	v3 =	vld [tilespmem:s2+$0xFFFFF280]  }
0x81: {  	v47 =	vld [tilespmem:s2+$0xFFFFF300];
	v1 =	vadd.f32 v1, v2;
	v2 =	vmul.f32 v43, v42  }
0x82: {  	v48 =	vld [tilespmem:s15+$0xFFFFF300]  }
0x83: {  	v49 =	vld [tilespmem:s2+$0xFFFFF380];
	v1 =	vadd.f32 v2, v1;
	v2 =	vmul.f32 v45, v44  }
0x84: {  	v50 =	vld [tilespmem:s15+$0xFFFFF380]  }
0x85: {  	v51 =	vld [tilespmem:s15+$0x0];
	v1 =	vadd.f32 v2, v1;
	v2 =	vmul.f32 v46, v3  }
0x86: {  	v3 =	vld [tilespmem:s2+$0x0]  }
0x87: {  	v52 =	vld [tilespmem:s2+$0x80];
	v1 =	vadd.f32 v2, v1;
	v2 =	vmul.f32 v48, v47  }
0x88: {  	v53 =	vld [tilespmem:s15+$0x80]  }
0x89: {  	v54 =	vld [tilespmem:s2+$0x100];
	v1 =	vadd.f32 v2, v1;
	v2 =	vmul.f32 v50, v49  }
0x8a: {  	v55 =	vld [tilespmem:s15+$0x100]  }
0x8b: {  	v56 =	vld [tilespmem:s15+$0x180];
	v1 =	vadd.f32 v2, v1;
	v2 =	vmul.f32 v51, v3  }
0x8c: {  	v3 =	vld [tilespmem:s2+$0x180]  }
0x8d: {  	v57 =	vld [tilespmem:s2+$0x200];
	v1 =	vadd.f32 v2, v1;
	v2 =	vmul.f32 v53, v52  }
0x8e: {  	v58 =	vld [tilespmem:s15+$0x200]  }
0x8f: {  	v59 =	vld [tilespmem:s2+$0x280];
	v1 =	vadd.f32 v2, v1;
	v2 =	vmul.f32 v55, v54  }
0x90: {  	v60 =	vld [tilespmem:s15+$0x280]  }
0x91: {  	v61 =	vld [tilespmem:s15+$0x300];
	v1 =	vadd.f32 v2, v1;
	v2 =	vmul.f32 v56, v3  }
0x92: {  	v3 =	vld [tilespmem:s2+$0x300]  }
0x93: {  	v62 =	vld [tilespmem:s2+$0x380];
	v1 =	vadd.f32 v2, v1;
	v2 =	vmul.f32 v58, v57  }
0x94: {  	v63 =	vld [tilespmem:s15+$0x380]  }
0x95: {  	v1 =	vadd.f32 v2, v1;
	v2 =	vmul.f32 v60, v59;
	_ =	sdelay $0x1  }
0x96: {  	v1 =	vadd.f32 v2, v1;
	v2 =	vmul.f32 v61, v3;
	_ =	sdelay $0x1  }
0x97: {  	v1 =	vadd.f32 v2, v1;
	v2 =	vmul.f32 v63, v62;
	_ =	sdelay $0x1  }
0x98: {  	v1 =	vadd.f32 v2, v1;
	_ =	sdelay $0x1  }
0x99: {  	s13 =	simm.s32 $0x10;
	[tilespmem:s31+$0x0] =	vst v1  }
0x9a: {  	v1 =	vld [tilespmem:s13+$0x0]  }
0x9b: {  	s14 =	simm.s32 $0x210  }
0x9c: {  	s21 =	simm.s32 $0x20;
	s23 =	simm.s32 $0x10;
	s16 =	simm.s32 $0x14E00;
	v2 =	vld [tilespmem:s14+$0x0]  }
.LBB2_2:
0x9d: {  	p0 =	sne.s32 s21, $0x70;
	v3 =	vmov s13;
	s13 =	smov.u32 s21  }
0x9e: {  	v3 =	vshll.u32 v3, $0x7  }
0x9f: {  	v4 =	vand.u32 $0x7F, v1;
	v3 =	vor.u32 v0, v3;
	v5 =	vadd.s32 $0xFFF0C1C0, v1  }
0xa0: {  	v4 =	vor.u32 v3, v4;
	vm0 =	vgt.s32 v5, $0x0  }
0xa1: {  	v6 =	vand.u32 $0x7F, v2;
	v5 =	vnsel vm0, $0x0, v5;
	v7 =	vadd.s32 $0xFFF0C1C0, v2  }
0xa2: {  	v3 =	vor.u32 v3, v6;
	vm0 =	vgt.s32 v7, $0x0  }
0xa3: {  	v6 =	vnsel vm0, $0x0, v7;
	_ =	sdelay $0x1  }
0xa4: {  	v4 =	vld.idx.msk [tilespmem:v4+s22+$0x0], $0xffff  }
0xa5: {  	v5 =	vld.idx.msk [tilespmem:v5+s17+$0x0], $0xffff  }
0xa6: {  	v3 =	vld.idx.msk [tilespmem:v3+s24+$0x0], $0xffff  }
0xa7: {  	s2 =	sadd.s32 $0x10, s2;
	v6 =	vld.idx.msk [tilespmem:v6+s19+$0x0], $0xffff  }
0xa8: {  	s15 =	sadd.s32 $0x10, s15;
	v7 =	vld [tilespmem:s2+$0xFFFFF000]  }
0xa9: {  	v8 =	vld [tilespmem:s15+$0xFFFFF000]  }
0xaa: {  	v9 =	vld [tilespmem:s2+$0xFFFFF080]  }
0xab: {  	v10 =	vld [tilespmem:s15+$0xFFFFF080]  }
0xac: {  	vm1 =	vgt.s32 v2, $0xF3E3F;
	vm0 =	vgt.s32 v1, $0xF3E3F;
	v1 =	vld [tilespmem:s2+$0xFFFFF100]  }
0xad: {  	v2 =	vsel vm0, v5, v4;
	v3 =	vsel vm1, v6, v3;
	v4 =	vld [tilespmem:s15+$0xFFFFF100]  }
0xae: {  	v2 =	vadd.f32 v3, v2;
	v3 =	vmul.f32 v8, v7;
	v5 =	vld [tilespmem:s2+$0xFFFFF180]  }
0xaf: {  	v6 =	vld [tilespmem:s15+$0xFFFFF180]  }
0xb0: {  	v2 =	vadd.f32 v3, v2;
	v3 =	vmul.f32 v10, v9;
	v7 =	vld [tilespmem:s2+$0xFFFFF200]  }
0xb1: {  	v8 =	vld [tilespmem:s15+$0xFFFFF200]  }
0xb2: {  	v2 =	vadd.f32 v3, v2;
	v1 =	vmul.f32 v4, v1;
	v3 =	vld [tilespmem:s2+$0xFFFFF280]  }
0xb3: {  	v4 =	vld [tilespmem:s15+$0xFFFFF280]  }
0xb4: {  	v1 =	vadd.f32 v1, v2;
	v2 =	vmul.f32 v6, v5;
	v5 =	vld [tilespmem:s2+$0xFFFFF300]  }
0xb5: {  	v6 =	vld [tilespmem:s15+$0xFFFFF300]  }
0xb6: {  	v1 =	vadd.f32 v2, v1;
	v2 =	vmul.f32 v8, v7;
	v7 =	vld [tilespmem:s2+$0xFFFFF380]  }
0xb7: {  	v8 =	vld [tilespmem:s15+$0xFFFFF380]  }
0xb8: {  	v1 =	vadd.f32 v2, v1;
	v2 =	vmul.f32 v4, v3;
	v3 =	vld [tilespmem:s2+$0x0]  }
0xb9: {  	v4 =	vld [tilespmem:s15+$0x0]  }
0xba: {  	v1 =	vadd.f32 v2, v1;
	v2 =	vmul.f32 v6, v5;
	v5 =	vld [tilespmem:s2+$0x80]  }
0xbb: {  	v6 =	vld [tilespmem:s15+$0x80]  }
0xbc: {  	v1 =	vadd.f32 v2, v1;
	v2 =	vmul.f32 v8, v7;
	v7 =	vld [tilespmem:s2+$0x100]  }
0xbd: {  	v8 =	vld [tilespmem:s15+$0x100]  }
0xbe: {  	v1 =	vadd.f32 v2, v1;
	v2 =	vmul.f32 v4, v3;
	v3 =	vld [tilespmem:s2+$0x180]  }
0xbf: {  	v4 =	vld [tilespmem:s15+$0x180]  }
0xc0: {  	v1 =	vadd.f32 v2, v1;
	v2 =	vmul.f32 v6, v5;
	v5 =	vld [tilespmem:s2+$0x200]  }
0xc1: {  	v6 =	vld [tilespmem:s15+$0x200]  }
0xc2: {  	v1 =	vadd.f32 v2, v1;
	v2 =	vmul.f32 v8, v7;
	v7 =	vld [tilespmem:s2+$0x280]  }
0xc3: {  	v8 =	vld [tilespmem:s15+$0x280]  }
0xc4: {  	v1 =	vadd.f32 v2, v1;
	v2 =	vmul.f32 v4, v3;
	v3 =	vld [tilespmem:s2+$0x300]  }
0xc5: {  	v4 =	vld [tilespmem:s15+$0x300]  }
0xc6: {  	v1 =	vadd.f32 v2, v1;
	v2 =	vmul.f32 v6, v5;
	v5 =	vld [tilespmem:s2+$0x380]  }
0xc7: {  	v6 =	vld [tilespmem:s15+$0x380]  }
0xc8: {  	v1 =	vadd.f32 v2, v1;
	v2 =	vmul.f32 v8, v7;
	_ =	sdelay $0x1  }
0xc9: {  	v1 =	vadd.f32 v2, v1;
	v2 =	vmul.f32 v4, v3;
	_ =	sdelay $0x1  }
0xca: {  	v1 =	vadd.f32 v2, v1;
	v2 =	vmul.f32 v6, v5;
	_ =	sdelay $0x1  }
0xcb: {  	v1 =	vadd.f32 v2, v1  }
.Ltmp0:
0xcc: {  	s16 =	sadd.s32 $0x10, s16;
	(pc) =	sbr.rel @p0 .LBB2_2-.Ltmp0, $4  }
0xcd: {  	s23 =	sadd.s32 $0x10, s23;
	[tilespmem:s16+$0x0] =	vst v1  }
0xce: {  	v1 =	vld [tilespmem:s23+$0x0]  }
0xcf: {  	s14 =	sadd.s32 $0x10, s14  }
0xd0: {  	s21 =	sadd.s32 $0x10, s21;
	v2 =	vld [tilespmem:s14+$0x0]  }
0xd1: {  	v3 =	vmov s13  }
0xd2: {  	v3 =	vshll.u32 v3, $0x7  }
0xd3: {  	v4 =	vand.u32 $0x7F, v1;
	v3 =	vor.u32 v0, v3;
	v5 =	vadd.s32 $0xFFF0C1C0, v1  }
0xd4: {  	v4 =	vor.u32 v3, v4;
	vm0 =	vgt.s32 v5, $0x0  }
0xd5: {  	v6 =	vand.u32 $0x7F, v2;
	v5 =	vnsel vm0, $0x0, v5;
	v7 =	vadd.s32 $0xFFF0C1C0, v2  }
0xd6: {  	v3 =	vor.u32 v3, v6;
	vm6 =	vgt.s32 v7, $0x0  }
0xd7: {  	s2 =	sadd.s32 $0x10, s2;
	v46 =	vnsel vm6, $0x0, v7  }
0xd8: {  	v47 =	vld [tilespmem:s2+$0xFFFFF000]  }
0xd9: {  	v4 =	vld.idx.msk [tilespmem:v4+s22+$0x0], $0xffff  }
0xda: {  	v5 =	vld.idx.msk [tilespmem:v5+s17+$0x0], $0xffff  }
0xdb: {  	v3 =	vld.idx.msk [tilespmem:v3+s24+$0x0], $0xffff  }
0xdc: {  	s23 =	sadd.s32 $0x10, s15;
	v6 =	vld.idx.msk [tilespmem:v46+s19+$0x0], $0xffff  }
0xdd: {  	v8 =	vld [tilespmem:s23+$0xFFFFF000]  }
0xde: {  	v9 =	vld [tilespmem:s2+$0xFFFFF080]  }
0xdf: {  	v10 =	vld [tilespmem:s23+$0xFFFFF080]  }
0xe0: {  	v48 =	vld [tilespmem:s23+$0xFFFFF100];
	vm7 =	vgt.s32 v1, $0xF3E3F;
	vm1 =	vgt.s32 v2, $0xF3E3F  }
0xe1: {  	v1 =	vld [tilespmem:s2+$0xFFFFF100];
	v2 =	vsel vm7, v5, v4;
	v3 =	vsel vm1, v6, v3  }
0xe2: {  	v49 =	vld [tilespmem:s2+$0xFFFFF180];
	v2 =	vadd.f32 v3, v2;
	v3 =	vmul.f32 v8, v47  }
0xe3: {  	v50 =	vld [tilespmem:s23+$0xFFFFF180]  }
0xe4: {  	v51 =	vld [tilespmem:s2+$0xFFFFF200];
	v2 =	vadd.f32 v3, v2;
	v3 =	vmul.f32 v10, v9  }
0xe5: {  	v52 =	vld [tilespmem:s23+$0xFFFFF200]  }
0xe6: {  	v53 =	vld [tilespmem:s23+$0xFFFFF280];
	v1 =	vmul.f32 v48, v1;
	v2 =	vadd.f32 v3, v2  }
0xe7: {  	v3 =	vld [tilespmem:s2+$0xFFFFF280]  }
0xe8: {  	v54 =	vld [tilespmem:s2+$0xFFFFF300];
	v1 =	vadd.f32 v1, v2;
	v2 =	vmul.f32 v50, v49  }
0xe9: {  	v55 =	vld [tilespmem:s23+$0xFFFFF300]  }
0xea: {  	v56 =	vld [tilespmem:s2+$0xFFFFF380];
	v1 =	vadd.f32 v2, v1;
	v2 =	vmul.f32 v52, v51  }
0xeb: {  	v57 =	vld [tilespmem:s23+$0xFFFFF380]  }
0xec: {  	v58 =	vld [tilespmem:s23+$0x0];
	v1 =	vadd.f32 v2, v1;
	v2 =	vmul.f32 v53, v3  }
0xed: {  	v3 =	vld [tilespmem:s2+$0x0]  }
0xee: {  	v59 =	vld [tilespmem:s2+$0x80];
	v1 =	vadd.f32 v2, v1;
	v2 =	vmul.f32 v55, v54  }
0xef: {  	v60 =	vld [tilespmem:s23+$0x80]  }
0xf0: {  	v61 =	vld [tilespmem:s2+$0x100];
	v1 =	vadd.f32 v2, v1;
	v2 =	vmul.f32 v57, v56  }
0xf1: {  	v62 =	vld [tilespmem:s23+$0x100]  }
0xf2: {  	v63 =	vld [tilespmem:s23+$0x180];
	v1 =	vadd.f32 v2, v1;
	v2 =	vmul.f32 v58, v3  }
0xf3: {  	v3 =	vld [tilespmem:s2+$0x180]  }
0xf4: {  	v12 =	vld [tilespmem:s2+$0x200];
	v1 =	vadd.f32 v2, v1;
	v2 =	vmul.f32 v60, v59  }
0xf5: {  	v13 =	vld [tilespmem:s23+$0x200]  }
0xf6: {  	v14 =	vld [tilespmem:s2+$0x280];
	v1 =	vadd.f32 v2, v1;
	v2 =	vmul.f32 v62, v61  }
0xf7: {  	v15 =	vld [tilespmem:s23+$0x280]  }
0xf8: {  	v16 =	vld [tilespmem:s23+$0x300];
	v1 =	vadd.f32 v2, v1;
	v2 =	vmul.f32 v63, v3  }
0xf9: {  	v3 =	vld [tilespmem:s2+$0x300]  }
0xfa: {  	v17 =	vld [tilespmem:s2+$0x380];
	v1 =	vadd.f32 v2, v1;
	v2 =	vmul.f32 v13, v12  }
0xfb: {  	v18 =	vld [tilespmem:s23+$0x380]  }
0xfc: {  	v1 =	vadd.f32 v2, v1;
	v2 =	vmul.f32 v15, v14;
	_ =	sdelay $0x1  }
0xfd: {  	v1 =	vadd.f32 v2, v1;
	v2 =	vmul.f32 v16, v3;
	_ =	sdelay $0x1  }
0xfe: {  	v1 =	vadd.f32 v2, v1;
	v2 =	vmul.f32 v18, v17;
	_ =	sdelay $0x1  }
0xff: {  	v1 =	vadd.f32 v2, v1  }
0x100: {  	s13 =	sadd.s32 $0x10, s16  }
0x101: {  	[tilespmem:s13+$0x0] =	vst v1  }
0x102: {  	v1 =	vld [tilespmem:$0x100]  }
0x103: {  	v2 =	vld [tilespmem:$0x300]  }
0x104: {  	v3 =	vld [tilespmem:$0x110]  }
0x105: {  	v19 =	vld [tilespmem:$0x310]  }
0x106: {  	v20 =	vld [tilespmem:$0x120]  }
0x107: {  	v21 =	vld [tilespmem:$0x320];
	v1 =	vshra.s32 v1, $0x7  }
0x108: {  	v22 =	vld [tilespmem:$0x130];
	v2 =	vshra.s32 v2, $0x7;
	vm8 =	vlt.s32 v1, $0x1E7F  }
0x109: {  	v23 =	vld [tilespmem:$0x330];
	v3 =	vshra.s32 v3, $0x7;
	vm9 =	vlt.s32 v2, $0x1E7F;
	v1 =	vnsel vm8, $0x1E7F, v1  }
0x10a: {  	v24 =	vld [tilespmem:$0x140];
	vm10 =	vlt.s32 v3, $0x1E7F;
	[tilespmem:$0x400] =	vst v1;
	v1 =	vnsel vm9, $0x1E7F, v2;
	v2 =	vshra.s32 v19, $0x7  }
0x10b: {  	v25 =	vld [tilespmem:$0x340];
	[tilespmem:$0x500] =	vst v1;
	v1 =	vnsel vm10, $0x1E7F, v3;
	vm11 =	vlt.s32 v2, $0x1E7F;
	v3 =	vshra.s32 v20, $0x7  }
0x10c: {  	v26 =	vld [tilespmem:$0x150];
	[tilespmem:$0x410] =	vst v1;
	v1 =	vnsel vm11, $0x1E7F, v2;
	vm12 =	vlt.s32 v3, $0x1E7F;
	v2 =	vshra.s32 v21, $0x7  }
0x10d: {  	v27 =	vld [tilespmem:$0x350];
	[tilespmem:$0x510] =	vst v1;
	v1 =	vnsel vm12, $0x1E7F, v3;
	vm13 =	vlt.s32 v2, $0x1E7F;
	v3 =	vshra.s32 v22, $0x7  }
0x10e: {  	v28 =	vld [tilespmem:$0x160];
	[tilespmem:$0x420] =	vst v1;
	v1 =	vnsel vm13, $0x1E7F, v2;
	vm14 =	vlt.s32 v3, $0x1E7F;
	v2 =	vshra.s32 v23, $0x7  }
0x10f: {  	v29 =	vld [tilespmem:$0x360];
	[tilespmem:$0x520] =	vst v1;
	v1 =	vnsel vm14, $0x1E7F, v3;
	vm15 =	vlt.s32 v2, $0x1E7F;
	v3 =	vshra.s32 v24, $0x7  }
0x110: {  	v30 =	vld [tilespmem:$0x170];
	[tilespmem:$0x430] =	vst v1;
	v1 =	vnsel vm15, $0x1E7F, v2;
	vm4 =	vlt.s32 v3, $0x1E7F;
	v2 =	vshra.s32 v25, $0x7  }
0x111: {  	v31 =	vld [tilespmem:$0x370];
	[tilespmem:$0x530] =	vst v1;
	v1 =	vnsel vm4, $0x1E7F, v3;
	vm5 =	vlt.s32 v2, $0x1E7F;
	v3 =	vshra.s32 v26, $0x7  }
0x112: {  	[tilespmem:$0x440] =	vst v1;
	v1 =	vnsel vm5, $0x1E7F, v2;
	vm6 =	vlt.s32 v3, $0x1E7F;
	v2 =	vshra.s32 v27, $0x7  }
0x113: {  	[tilespmem:$0x540] =	vst v1;
	v1 =	vnsel vm6, $0x1E7F, v3;
	vm7 =	vlt.s32 v2, $0x1E7F;
	v3 =	vshra.s32 v28, $0x7  }
0x114: {  	[tilespmem:$0x450] =	vst v1;
	v1 =	vnsel vm7, $0x1E7F, v2;
	vm8 =	vlt.s32 v3, $0x1E7F;
	v2 =	vshra.s32 v29, $0x7  }
0x115: {  	[tilespmem:$0x550] =	vst v1;
	v1 =	vnsel vm8, $0x1E7F, v3;
	vm9 =	vlt.s32 v2, $0x1E7F;
	v3 =	vshra.s32 v30, $0x7  }
0x116: {  	[tilespmem:$0x460] =	vst v1;
	v1 =	vnsel vm9, $0x1E7F, v2;
	vm10 =	vlt.s32 v3, $0x1E7F;
	v2 =	vshra.s32 v31, $0x7  }
0x117: {  	[tilespmem:$0x560] =	vst v1;
	v1 =	vnsel vm10, $0x1E7F, v3;
	vm11 =	vlt.s32 v2, $0x1E7F  }
0x118: {  	[tilespmem:$0x470] =	vst v1;
	v1 =	vnsel vm11, $0x1E7F, v2  }
0x119: {  	[tilespmem:$0x570] =	vst v1  }
0x11a: {  	_ =	swait.ge [sflag:s25], $0x4000  }
0x11b: {  	[sflag:s25] =	ssyncset.done $0x0  }
0x11c: {  	[sflag:s25] =	ssyncadd.s32 $0xFFFFC000  }
0x11d: {  	_ =	swait.ge [sflag:s25], $0x4000  }
0x11e: {  	[sflag:s25] =	ssyncset.done $0x0  }
0x11f: {  	s14 =	simm.s32 $0x80;
	s15 =	simm.s32 $0x400;
	[sflag:s25] =	ssyncadd.s32 $0xFFFFC000  }
0x120: {  	[tilespmem:s22], [sflag:$0x1] =	stream.indirect.gather [hbm4b:s3+s14], $0x80, s15, s14, $0xb8;
	[tilespmem:$0x15000] =	vst v63  }
0x121: {  	s16 =	simm.s32 $0x500  }
0x122: {  	[tilespmem:s24], [sflag:$0x1] =	stream.indirect.gather [hbm4b:s4+s14], $0x80, s16, s14, $0xb8;
	[tilespmem:$0x15000] =	vst v63  }
0x123: {  	s21 =	simm.s32 $0x280;
	v1 =	vld [tilespmem:s14+$0x0]  }
0x124: {  	v2 =	vld [tilespmem:s21+$0x0]  }
0x125: {  	s23 =	simm.s32 $0x0  }
0x126: {  	v3 =	vmov s23  }
0x127: {  	v3 =	vshll.u32 v3, $0x7  }
0x128: {  	v3 =	vor.u32 v0, v3;
	v32 =	vand.u32 $0x7F, v1  }
0x129: {  	v33 =	vadd.s32 $0xFFF0C1C0, v1;
	v34 =	vand.u32 $0x7F, v2;
	v4 =	vor.u32 v3, v32  }
0x12a: {  	v35 =	vadd.s32 $0xFFF0C1C0, v2;
	vm12 =	vgt.s32 v33, $0x0;
	v3 =	vor.u32 v3, v34  }
0x12b: {  	vm13 =	vgt.s32 v35, $0x0;
	v5 =	vnsel vm12, $0x0, v33  }
0x12c: {  	s2 =	simm.s32 $0x12200;
	v36 =	vnsel vm13, $0x0, v35  }
0x12d: {  	v37 =	vld [tilespmem:s2+$0xFFFFF000]  }
0x12e: {  	v4 =	vld.idx.msk [tilespmem:v4+s28+$0x0], $0xffff  }
0x12f: {  	v3 =	vld.idx.msk [tilespmem:v3+s30+$0x0], $0xffff  }
0x130: {  	v5 =	vld.idx.msk [tilespmem:v5+s17+$0x0], $0xffff  }
0x131: {  	s15 =	simm.s32 $0x14200;
	v6 =	vld.idx.msk [tilespmem:v36+s19+$0x0], $0xffff  }
0x132: {  	v38 =	vld [tilespmem:s15+$0xFFFFF000]  }
0x133: {  	v39 =	vld [tilespmem:s2+$0xFFFFF080]  }
0x134: {  	v40 =	vld [tilespmem:s15+$0xFFFFF080]  }
0x135: {  	v41 =	vld [tilespmem:s15+$0xFFFFF100];
	vm14 =	vgt.s32 v1, $0xF3E3F;
	vm15 =	vgt.s32 v2, $0xF3E3F  }
0x136: {  	v1 =	vld [tilespmem:s2+$0xFFFFF100];
	v2 =	vsel vm14, v5, v4;
	v3 =	vsel vm15, v6, v3  }
0x137: {  	v42 =	vld [tilespmem:s2+$0xFFFFF180];
	v2 =	vadd.f32 v3, v2;
	v3 =	vmul.f32 v38, v37  }
0x138: {  	v43 =	vld [tilespmem:s15+$0xFFFFF180]  }
0x139: {  	v44 =	vld [tilespmem:s2+$0xFFFFF200];
	v2 =	vadd.f32 v3, v2;
	v3 =	vmul.f32 v40, v39  }
0x13a: {  	v45 =	vld [tilespmem:s15+$0xFFFFF200]  }
0x13b: {  	v46 =	vld [tilespmem:s15+$0xFFFFF280];
	v1 =	vmul.f32 v41, v1;
	v2 =	vadd.f32 v3, v2  }
0x13c: {  	v3 =	vld [tilespmem:s2+$0xFFFFF280]  }
0x13d: {  	v47 =	vld [tilespmem:s2+$0xFFFFF300];
	v1 =	vadd.f32 v1, v2;
	v2 =	vmul.f32 v43, v42  }
0x13e: {  	v48 =	vld [tilespmem:s15+$0xFFFFF300]  }
0x13f: {  	v49 =	vld [tilespmem:s2+$0xFFFFF380];
	v1 =	vadd.f32 v2, v1;
	v2 =	vmul.f32 v45, v44  }
0x140: {  	v50 =	vld [tilespmem:s15+$0xFFFFF380]  }
0x141: {  	v51 =	vld [tilespmem:s15+$0x0];
	v1 =	vadd.f32 v2, v1;
	v2 =	vmul.f32 v46, v3  }
0x142: {  	v3 =	vld [tilespmem:s2+$0x0]  }
0x143: {  	v52 =	vld [tilespmem:s2+$0x80];
	v1 =	vadd.f32 v2, v1;
	v2 =	vmul.f32 v48, v47  }
0x144: {  	v53 =	vld [tilespmem:s15+$0x80]  }
0x145: {  	v54 =	vld [tilespmem:s2+$0x100];
	v1 =	vadd.f32 v2, v1;
	v2 =	vmul.f32 v50, v49  }
0x146: {  	v55 =	vld [tilespmem:s15+$0x100]  }
0x147: {  	v56 =	vld [tilespmem:s15+$0x180];
	v1 =	vadd.f32 v2, v1;
	v2 =	vmul.f32 v51, v3  }
0x148: {  	v3 =	vld [tilespmem:s2+$0x180]  }
0x149: {  	v57 =	vld [tilespmem:s2+$0x200];
	v1 =	vadd.f32 v2, v1;
	v2 =	vmul.f32 v53, v52  }
0x14a: {  	v58 =	vld [tilespmem:s15+$0x200]  }
0x14b: {  	v59 =	vld [tilespmem:s2+$0x280];
	v1 =	vadd.f32 v2, v1;
	v2 =	vmul.f32 v55, v54  }
0x14c: {  	v60 =	vld [tilespmem:s15+$0x280]  }
0x14d: {  	v61 =	vld [tilespmem:s15+$0x300];
	v1 =	vadd.f32 v2, v1;
	v2 =	vmul.f32 v56, v3  }
0x14e: {  	v3 =	vld [tilespmem:s2+$0x300]  }
0x14f: {  	v62 =	vld [tilespmem:s2+$0x380];
	v1 =	vadd.f32 v2, v1;
	v2 =	vmul.f32 v58, v57  }
0x150: {  	v63 =	vld [tilespmem:s15+$0x380]  }
0x151: {  	v1 =	vadd.f32 v2, v1;
	v2 =	vmul.f32 v60, v59;
	_ =	sdelay $0x1  }
0x152: {  	v1 =	vadd.f32 v2, v1;
	v2 =	vmul.f32 v61, v3;
	_ =	sdelay $0x1  }
0x153: {  	v1 =	vadd.f32 v2, v1;
	v2 =	vmul.f32 v63, v62;
	_ =	sdelay $0x1  }
0x154: {  	v1 =	vadd.f32 v2, v1  }
0x155: {  	s16 =	simm.s32 $0x14E80  }
0x156: {  	s13 =	simm.s32 $0x90;
	[tilespmem:s16+$0x0] =	vst v1  }
0x157: {  	v1 =	vld [tilespmem:s13+$0x0]  }
0x158: {  	s14 =	simm.s32 $0x290  }
0x159: {  	s23 =	simm.s32 $0x20;
	s21 =	simm.s32 $0x10;
	v2 =	vld [tilespmem:s14+$0x0]  }
.LBB2_4:
0x15a: {  	p0 =	sne.s32 s23, $0x70;
	v3 =	vmov s21;
	s21 =	smov.u32 s23  }
0x15b: {  	v3 =	vshll.u32 v3, $0x7  }
0x15c: {  	v4 =	vand.u32 $0x7F, v1;
	v3 =	vor.u32 v0, v3;
	v5 =	vadd.s32 $0xFFF0C1C0, v1  }
0x15d: {  	v4 =	vor.u32 v3, v4;
	vm0 =	vgt.s32 v5, $0x0  }
0x15e: {  	v6 =	vand.u32 $0x7F, v2;
	v5 =	vnsel vm0, $0x0, v5;
	v7 =	vadd.s32 $0xFFF0C1C0, v2  }
0x15f: {  	v3 =	vor.u32 v3, v6;
	vm0 =	vgt.s32 v7, $0x0  }
0x160: {  	v6 =	vnsel vm0, $0x0, v7;
	_ =	sdelay $0x1  }
0x161: {  	v4 =	vld.idx.msk [tilespmem:v4+s28+$0x0], $0xffff  }
0x162: {  	v5 =	vld.idx.msk [tilespmem:v5+s17+$0x0], $0xffff  }
0x163: {  	v3 =	vld.idx.msk [tilespmem:v3+s30+$0x0], $0xffff  }
0x164: {  	s2 =	sadd.s32 $0x10, s2;
	v6 =	vld.idx.msk [tilespmem:v6+s19+$0x0], $0xffff  }
0x165: {  	s15 =	sadd.s32 $0x10, s15;
	v7 =	vld [tilespmem:s2+$0xFFFFF000]  }
0x166: {  	v8 =	vld [tilespmem:s15+$0xFFFFF000]  }
0x167: {  	v9 =	vld [tilespmem:s2+$0xFFFFF080]  }
0x168: {  	v10 =	vld [tilespmem:s15+$0xFFFFF080]  }
0x169: {  	vm1 =	vgt.s32 v2, $0xF3E3F;
	vm0 =	vgt.s32 v1, $0xF3E3F;
	v1 =	vld [tilespmem:s2+$0xFFFFF100]  }
0x16a: {  	v2 =	vsel vm0, v5, v4;
	v3 =	vsel vm1, v6, v3;
	v4 =	vld [tilespmem:s15+$0xFFFFF100]  }
0x16b: {  	v2 =	vadd.f32 v3, v2;
	v3 =	vmul.f32 v8, v7;
	v5 =	vld [tilespmem:s2+$0xFFFFF180]  }
0x16c: {  	v6 =	vld [tilespmem:s15+$0xFFFFF180]  }
0x16d: {  	v2 =	vadd.f32 v3, v2;
	v3 =	vmul.f32 v10, v9;
	v7 =	vld [tilespmem:s2+$0xFFFFF200]  }
0x16e: {  	v8 =	vld [tilespmem:s15+$0xFFFFF200]  }
0x16f: {  	v2 =	vadd.f32 v3, v2;
	v1 =	vmul.f32 v4, v1;
	v3 =	vld [tilespmem:s2+$0xFFFFF280]  }
0x170: {  	v4 =	vld [tilespmem:s15+$0xFFFFF280]  }
0x171: {  	v1 =	vadd.f32 v1, v2;
	v2 =	vmul.f32 v6, v5;
	v5 =	vld [tilespmem:s2+$0xFFFFF300]  }
0x172: {  	v6 =	vld [tilespmem:s15+$0xFFFFF300]  }
0x173: {  	v1 =	vadd.f32 v2, v1;
	v2 =	vmul.f32 v8, v7;
	v7 =	vld [tilespmem:s2+$0xFFFFF380]  }
0x174: {  	v8 =	vld [tilespmem:s15+$0xFFFFF380]  }
0x175: {  	v1 =	vadd.f32 v2, v1;
	v2 =	vmul.f32 v4, v3;
	v3 =	vld [tilespmem:s2+$0x0]  }
0x176: {  	v4 =	vld [tilespmem:s15+$0x0]  }
0x177: {  	v1 =	vadd.f32 v2, v1;
	v2 =	vmul.f32 v6, v5;
	v5 =	vld [tilespmem:s2+$0x80]  }
0x178: {  	v6 =	vld [tilespmem:s15+$0x80]  }
0x179: {  	v1 =	vadd.f32 v2, v1;
	v2 =	vmul.f32 v8, v7;
	v7 =	vld [tilespmem:s2+$0x100]  }
0x17a: {  	v8 =	vld [tilespmem:s15+$0x100]  }
0x17b: {  	v1 =	vadd.f32 v2, v1;
	v2 =	vmul.f32 v4, v3;
	v3 =	vld [tilespmem:s2+$0x180]  }
0x17c: {  	v4 =	vld [tilespmem:s15+$0x180]  }
0x17d: {  	v1 =	vadd.f32 v2, v1;
	v2 =	vmul.f32 v6, v5;
	v5 =	vld [tilespmem:s2+$0x200]  }
0x17e: {  	v6 =	vld [tilespmem:s15+$0x200]  }
0x17f: {  	v1 =	vadd.f32 v2, v1;
	v2 =	vmul.f32 v8, v7;
	v7 =	vld [tilespmem:s2+$0x280]  }
0x180: {  	v8 =	vld [tilespmem:s15+$0x280]  }
0x181: {  	v1 =	vadd.f32 v2, v1;
	v2 =	vmul.f32 v4, v3;
	v3 =	vld [tilespmem:s2+$0x300]  }
0x182: {  	v4 =	vld [tilespmem:s15+$0x300]  }
0x183: {  	v1 =	vadd.f32 v2, v1;
	v2 =	vmul.f32 v6, v5;
	v5 =	vld [tilespmem:s2+$0x380]  }
0x184: {  	v6 =	vld [tilespmem:s15+$0x380]  }
0x185: {  	v1 =	vadd.f32 v2, v1;
	v2 =	vmul.f32 v8, v7;
	_ =	sdelay $0x1  }
0x186: {  	v1 =	vadd.f32 v2, v1;
	v2 =	vmul.f32 v4, v3;
	_ =	sdelay $0x1  }
0x187: {  	v1 =	vadd.f32 v2, v1;
	v2 =	vmul.f32 v6, v5;
	_ =	sdelay $0x1  }
0x188: {  	v1 =	vadd.f32 v2, v1  }
.Ltmp1:
0x189: {  	s16 =	sadd.s32 $0x10, s16;
	(pc) =	sbr.rel @p0 .LBB2_4-.Ltmp1, $4  }
0x18a: {  	s13 =	sadd.s32 $0x10, s13;
	[tilespmem:s16+$0x0] =	vst v1  }
0x18b: {  	v1 =	vld [tilespmem:s13+$0x0]  }
0x18c: {  	s14 =	sadd.s32 $0x10, s14  }
0x18d: {  	s23 =	sadd.s32 $0x10, s23;
	v2 =	vld [tilespmem:s14+$0x0]  }
0x18e: {  	v3 =	vmov s21  }
0x18f: {  	v3 =	vshll.u32 v3, $0x7  }
0x190: {  	v4 =	vand.u32 $0x7F, v1;
	v3 =	vor.u32 v0, v3;
	v5 =	vadd.s32 $0xFFF0C1C0, v1  }
0x191: {  	v4 =	vor.u32 v3, v4;
	vm0 =	vgt.s32 v5, $0x0  }
0x192: {  	v6 =	vand.u32 $0x7F, v2;
	v5 =	vnsel vm0, $0x0, v5;
	v7 =	vadd.s32 $0xFFF0C1C0, v2  }
0x193: {  	v3 =	vor.u32 v3, v6;
	vm6 =	vgt.s32 v7, $0x0  }
0x194: {  	s2 =	sadd.s32 $0x10, s2;
	v46 =	vnsel vm6, $0x0, v7  }
0x195: {  	v47 =	vld [tilespmem:s2+$0xFFFFF000]  }
0x196: {  	v4 =	vld.idx.msk [tilespmem:v4+s28+$0x0], $0xffff  }
0x197: {  	v5 =	vld.idx.msk [tilespmem:v5+s17+$0x0], $0xffff  }
0x198: {  	v3 =	vld.idx.msk [tilespmem:v3+s30+$0x0], $0xffff  }
0x199: {  	s13 =	sadd.s32 $0x10, s15;
	v6 =	vld.idx.msk [tilespmem:v46+s19+$0x0], $0xffff  }
0x19a: {  	v8 =	vld [tilespmem:s13+$0xFFFFF000]  }
0x19b: {  	v9 =	vld [tilespmem:s2+$0xFFFFF080]  }
0x19c: {  	v10 =	vld [tilespmem:s13+$0xFFFFF080]  }
0x19d: {  	v48 =	vld [tilespmem:s13+$0xFFFFF100];
	vm7 =	vgt.s32 v1, $0xF3E3F;
	vm1 =	vgt.s32 v2, $0xF3E3F  }
0x19e: {  	v1 =	vld [tilespmem:s2+$0xFFFFF100];
	v2 =	vsel vm7, v5, v4;
	v3 =	vsel vm1, v6, v3  }
0x19f: {  	v49 =	vld [tilespmem:s2+$0xFFFFF180];
	v2 =	vadd.f32 v3, v2;
	v3 =	vmul.f32 v8, v47  }
0x1a0: {  	v50 =	vld [tilespmem:s13+$0xFFFFF180]  }
0x1a1: {  	v51 =	vld [tilespmem:s2+$0xFFFFF200];
	v2 =	vadd.f32 v3, v2;
	v3 =	vmul.f32 v10, v9  }
0x1a2: {  	v52 =	vld [tilespmem:s13+$0xFFFFF200]  }
0x1a3: {  	v53 =	vld [tilespmem:s13+$0xFFFFF280];
	v1 =	vmul.f32 v48, v1;
	v2 =	vadd.f32 v3, v2  }
0x1a4: {  	v3 =	vld [tilespmem:s2+$0xFFFFF280]  }
0x1a5: {  	v54 =	vld [tilespmem:s2+$0xFFFFF300];
	v1 =	vadd.f32 v1, v2;
	v2 =	vmul.f32 v50, v49  }
0x1a6: {  	v55 =	vld [tilespmem:s13+$0xFFFFF300]  }
0x1a7: {  	v56 =	vld [tilespmem:s2+$0xFFFFF380];
	v1 =	vadd.f32 v2, v1;
	v2 =	vmul.f32 v52, v51  }
0x1a8: {  	v57 =	vld [tilespmem:s13+$0xFFFFF380]  }
0x1a9: {  	v58 =	vld [tilespmem:s13+$0x0];
	v1 =	vadd.f32 v2, v1;
	v2 =	vmul.f32 v53, v3  }
0x1aa: {  	v3 =	vld [tilespmem:s2+$0x0]  }
0x1ab: {  	v59 =	vld [tilespmem:s2+$0x80];
	v1 =	vadd.f32 v2, v1;
	v2 =	vmul.f32 v55, v54  }
0x1ac: {  	v60 =	vld [tilespmem:s13+$0x80]  }
0x1ad: {  	v61 =	vld [tilespmem:s2+$0x100];
	v1 =	vadd.f32 v2, v1;
	v2 =	vmul.f32 v57, v56  }
0x1ae: {  	v62 =	vld [tilespmem:s13+$0x100]  }
0x1af: {  	v63 =	vld [tilespmem:s13+$0x180];
	v1 =	vadd.f32 v2, v1;
	v2 =	vmul.f32 v58, v3  }
0x1b0: {  	v3 =	vld [tilespmem:s2+$0x180]  }
0x1b1: {  	v12 =	vld [tilespmem:s2+$0x200];
	v1 =	vadd.f32 v2, v1;
	v2 =	vmul.f32 v60, v59  }
0x1b2: {  	v13 =	vld [tilespmem:s13+$0x200]  }
0x1b3: {  	v14 =	vld [tilespmem:s2+$0x280];
	v1 =	vadd.f32 v2, v1;
	v2 =	vmul.f32 v62, v61  }
0x1b4: {  	v15 =	vld [tilespmem:s13+$0x280]  }
0x1b5: {  	v16 =	vld [tilespmem:s13+$0x300];
	v1 =	vadd.f32 v2, v1;
	v2 =	vmul.f32 v63, v3  }
0x1b6: {  	v3 =	vld [tilespmem:s2+$0x300]  }
0x1b7: {  	v17 =	vld [tilespmem:s2+$0x380];
	v1 =	vadd.f32 v2, v1;
	v2 =	vmul.f32 v13, v12  }
0x1b8: {  	v18 =	vld [tilespmem:s13+$0x380]  }
0x1b9: {  	v1 =	vadd.f32 v2, v1;
	v2 =	vmul.f32 v15, v14;
	_ =	sdelay $0x1  }
0x1ba: {  	v1 =	vadd.f32 v2, v1;
	v2 =	vmul.f32 v16, v3;
	_ =	sdelay $0x1  }
0x1bb: {  	v1 =	vadd.f32 v2, v1;
	v2 =	vmul.f32 v18, v17;
	_ =	sdelay $0x1  }
0x1bc: {  	v1 =	vadd.f32 v2, v1  }
0x1bd: {  	s15 =	sadd.s32 $0x10, s16  }
0x1be: {  	[tilespmem:s15+$0x0] =	vst v1  }
0x1bf: {  	v1 =	vld [tilespmem:$0x180]  }
0x1c0: {  	v2 =	vld [tilespmem:$0x380]  }
0x1c1: {  	v3 =	vld [tilespmem:$0x190]  }
0x1c2: {  	v19 =	vld [tilespmem:$0x390]  }
0x1c3: {  	v20 =	vld [tilespmem:$0x1A0]  }
0x1c4: {  	v21 =	vld [tilespmem:$0x3A0];
	v1 =	vshra.s32 v1, $0x7  }
0x1c5: {  	v22 =	vld [tilespmem:$0x1B0];
	v2 =	vshra.s32 v2, $0x7;
	vm8 =	vlt.s32 v1, $0x1E7F  }
0x1c6: {  	v23 =	vld [tilespmem:$0x3B0];
	v3 =	vshra.s32 v3, $0x7;
	vm9 =	vlt.s32 v2, $0x1E7F;
	v1 =	vnsel vm8, $0x1E7F, v1  }
0x1c7: {  	v24 =	vld [tilespmem:$0x1C0];
	vm10 =	vlt.s32 v3, $0x1E7F;
	[tilespmem:$0x480] =	vst v1;
	v1 =	vnsel vm9, $0x1E7F, v2;
	v2 =	vshra.s32 v19, $0x7  }
0x1c8: {  	v25 =	vld [tilespmem:$0x3C0];
	[tilespmem:$0x580] =	vst v1;
	v1 =	vnsel vm10, $0x1E7F, v3;
	vm11 =	vlt.s32 v2, $0x1E7F;
	v3 =	vshra.s32 v20, $0x7  }
0x1c9: {  	v26 =	vld [tilespmem:$0x1D0];
	[tilespmem:$0x490] =	vst v1;
	v1 =	vnsel vm11, $0x1E7F, v2;
	vm12 =	vlt.s32 v3, $0x1E7F;
	v2 =	vshra.s32 v21, $0x7  }
0x1ca: {  	v27 =	vld [tilespmem:$0x3D0];
	[tilespmem:$0x590] =	vst v1;
	v1 =	vnsel vm12, $0x1E7F, v3;
	vm13 =	vlt.s32 v2, $0x1E7F;
	v3 =	vshra.s32 v22, $0x7  }
0x1cb: {  	v28 =	vld [tilespmem:$0x1E0];
	[tilespmem:$0x4A0] =	vst v1;
	v1 =	vnsel vm13, $0x1E7F, v2;
	vm14 =	vlt.s32 v3, $0x1E7F;
	v2 =	vshra.s32 v23, $0x7  }
0x1cc: {  	v29 =	vld [tilespmem:$0x3E0];
	[tilespmem:$0x5A0] =	vst v1;
	v1 =	vnsel vm14, $0x1E7F, v3;
	vm15 =	vlt.s32 v2, $0x1E7F;
	v3 =	vshra.s32 v24, $0x7  }
0x1cd: {  	v30 =	vld [tilespmem:$0x1F0];
	[tilespmem:$0x4B0] =	vst v1;
	v1 =	vnsel vm15, $0x1E7F, v2;
	vm4 =	vlt.s32 v3, $0x1E7F;
	v2 =	vshra.s32 v25, $0x7  }
0x1ce: {  	v31 =	vld [tilespmem:$0x3F0];
	[tilespmem:$0x5B0] =	vst v1;
	v1 =	vnsel vm4, $0x1E7F, v3;
	vm5 =	vlt.s32 v2, $0x1E7F;
	v3 =	vshra.s32 v26, $0x7  }
0x1cf: {  	[tilespmem:$0x4C0] =	vst v1;
	v1 =	vnsel vm5, $0x1E7F, v2;
	vm6 =	vlt.s32 v3, $0x1E7F;
	v2 =	vshra.s32 v27, $0x7  }
0x1d0: {  	[tilespmem:$0x5C0] =	vst v1;
	v1 =	vnsel vm6, $0x1E7F, v3;
	vm7 =	vlt.s32 v2, $0x1E7F;
	v3 =	vshra.s32 v28, $0x7  }
0x1d1: {  	[tilespmem:$0x4D0] =	vst v1;
	v1 =	vnsel vm7, $0x1E7F, v2;
	vm8 =	vlt.s32 v3, $0x1E7F;
	v2 =	vshra.s32 v29, $0x7  }
0x1d2: {  	[tilespmem:$0x5D0] =	vst v1;
	v1 =	vnsel vm8, $0x1E7F, v3;
	vm9 =	vlt.s32 v2, $0x1E7F;
	v3 =	vshra.s32 v30, $0x7  }
0x1d3: {  	[tilespmem:$0x4E0] =	vst v1;
	v1 =	vnsel vm9, $0x1E7F, v2;
	vm10 =	vlt.s32 v3, $0x1E7F;
	v2 =	vshra.s32 v31, $0x7  }
0x1d4: {  	[tilespmem:$0x5E0] =	vst v1;
	v1 =	vnsel vm10, $0x1E7F, v3;
	vm11 =	vlt.s32 v2, $0x1E7F  }
0x1d5: {  	[tilespmem:$0x4F0] =	vst v1;
	v1 =	vnsel vm11, $0x1E7F, v2  }
0x1d6: {  	[tilespmem:$0x5F0] =	vst v1  }
0x1d7: {  	_ =	swait.ge [sflag:s25], $0x4000  }
0x1d8: {  	[sflag:s25] =	ssyncset.done $0x0  }
0x1d9: {  	[sflag:s25] =	ssyncadd.s32 $0xFFFFC000  }
0x1da: {  	_ =	swait.ge [sflag:s25], $0x4000  }
0x1db: {  	[sflag:s25] =	ssyncset.done $0x0  }
0x1dc: {  	[sflag:s25] =	ssyncadd.s32 $0xFFFFC000  }
0x1dd: {  	[tilespmem:s28], [sflag:$0x1] =	stream.indirect.gather [hbm4b:s3+s20], $0x80, s26, s20, $0xb8;
	[tilespmem:$0x15000] =	vst v63  }
0x1de: {  	s16 =	simm.s32 $0x100  }
0x1df: {  	[tilespmem:s30], [sflag:$0x1] =	stream.indirect.gather [hbm4b:s4+s20], $0x80, s29, s20, $0xb8;
	[tilespmem:$0x15000] =	vst v63  }
0x1e0: {  	s21 =	simm.s32 $0x300;
	v1 =	vld [tilespmem:s16+$0x0]  }
0x1e1: {  	v2 =	vld [tilespmem:s21+$0x0]  }
0x1e2: {  	s23 =	simm.s32 $0x0  }
0x1e3: {  	v3 =	vmov s23  }
0x1e4: {  	v3 =	vshll.u32 v3, $0x7  }
0x1e5: {  	v3 =	vor.u32 v0, v3;
	v32 =	vand.u32 $0x7F, v1  }
0x1e6: {  	v33 =	vadd.s32 $0xFFF0C1C0, v1;
	v34 =	vand.u32 $0x7F, v2;
	v4 =	vor.u32 v3, v32  }
0x1e7: {  	v35 =	vadd.s32 $0xFFF0C1C0, v2;
	vm12 =	vgt.s32 v33, $0x0;
	v3 =	vor.u32 v3, v34  }
0x1e8: {  	vm13 =	vgt.s32 v35, $0x0;
	v5 =	vnsel vm12, $0x0, v33  }
0x1e9: {  	s2 =	simm.s32 $0x12600;
	v36 =	vnsel vm13, $0x0, v35  }
0x1ea: {  	v37 =	vld [tilespmem:s2+$0xFFFFF000]  }
0x1eb: {  	v4 =	vld.idx.msk [tilespmem:v4+s22+$0x0], $0xffff  }
0x1ec: {  	v3 =	vld.idx.msk [tilespmem:v3+s24+$0x0], $0xffff  }
0x1ed: {  	v5 =	vld.idx.msk [tilespmem:v5+s17+$0x0], $0xffff  }
0x1ee: {  	s15 =	simm.s32 $0x14600;
	v6 =	vld.idx.msk [tilespmem:v36+s19+$0x0], $0xffff  }
0x1ef: {  	v38 =	vld [tilespmem:s15+$0xFFFFF000]  }
0x1f0: {  	v39 =	vld [tilespmem:s2+$0xFFFFF080]  }
0x1f1: {  	v40 =	vld [tilespmem:s15+$0xFFFFF080]  }
0x1f2: {  	v41 =	vld [tilespmem:s15+$0xFFFFF100];
	vm14 =	vgt.s32 v1, $0xF3E3F;
	vm15 =	vgt.s32 v2, $0xF3E3F  }
0x1f3: {  	v1 =	vld [tilespmem:s2+$0xFFFFF100];
	v2 =	vsel vm14, v5, v4;
	v3 =	vsel vm15, v6, v3  }
0x1f4: {  	v42 =	vld [tilespmem:s2+$0xFFFFF180];
	v2 =	vadd.f32 v3, v2;
	v3 =	vmul.f32 v38, v37  }
0x1f5: {  	v43 =	vld [tilespmem:s15+$0xFFFFF180]  }
0x1f6: {  	v44 =	vld [tilespmem:s2+$0xFFFFF200];
	v2 =	vadd.f32 v3, v2;
	v3 =	vmul.f32 v40, v39  }
0x1f7: {  	v45 =	vld [tilespmem:s15+$0xFFFFF200]  }
0x1f8: {  	v46 =	vld [tilespmem:s15+$0xFFFFF280];
	v1 =	vmul.f32 v41, v1;
	v2 =	vadd.f32 v3, v2  }
0x1f9: {  	v3 =	vld [tilespmem:s2+$0xFFFFF280]  }
0x1fa: {  	v47 =	vld [tilespmem:s2+$0xFFFFF300];
	v1 =	vadd.f32 v1, v2;
	v2 =	vmul.f32 v43, v42  }
0x1fb: {  	v48 =	vld [tilespmem:s15+$0xFFFFF300]  }
0x1fc: {  	v49 =	vld [tilespmem:s2+$0xFFFFF380];
	v1 =	vadd.f32 v2, v1;
	v2 =	vmul.f32 v45, v44  }
0x1fd: {  	v50 =	vld [tilespmem:s15+$0xFFFFF380]  }
0x1fe: {  	v51 =	vld [tilespmem:s15+$0x0];
	v1 =	vadd.f32 v2, v1;
	v2 =	vmul.f32 v46, v3  }
0x1ff: {  	v3 =	vld [tilespmem:s2+$0x0]  }
0x200: {  	v52 =	vld [tilespmem:s2+$0x80];
	v1 =	vadd.f32 v2, v1;
	v2 =	vmul.f32 v48, v47  }
0x201: {  	v53 =	vld [tilespmem:s15+$0x80]  }
0x202: {  	v54 =	vld [tilespmem:s2+$0x100];
	v1 =	vadd.f32 v2, v1;
	v2 =	vmul.f32 v50, v49  }
0x203: {  	v55 =	vld [tilespmem:s15+$0x100]  }
0x204: {  	v56 =	vld [tilespmem:s15+$0x180];
	v1 =	vadd.f32 v2, v1;
	v2 =	vmul.f32 v51, v3  }
0x205: {  	v3 =	vld [tilespmem:s2+$0x180]  }
0x206: {  	v57 =	vld [tilespmem:s2+$0x200];
	v1 =	vadd.f32 v2, v1;
	v2 =	vmul.f32 v53, v52  }
0x207: {  	v58 =	vld [tilespmem:s15+$0x200]  }
0x208: {  	v59 =	vld [tilespmem:s2+$0x280];
	v1 =	vadd.f32 v2, v1;
	v2 =	vmul.f32 v55, v54  }
0x209: {  	v60 =	vld [tilespmem:s15+$0x280]  }
0x20a: {  	v61 =	vld [tilespmem:s15+$0x300];
	v1 =	vadd.f32 v2, v1;
	v2 =	vmul.f32 v56, v3  }
0x20b: {  	v3 =	vld [tilespmem:s2+$0x300]  }
0x20c: {  	v62 =	vld [tilespmem:s2+$0x380];
	v1 =	vadd.f32 v2, v1;
	v2 =	vmul.f32 v58, v57  }
0x20d: {  	v63 =	vld [tilespmem:s15+$0x380]  }
0x20e: {  	v1 =	vadd.f32 v2, v1;
	v2 =	vmul.f32 v60, v59;
	_ =	sdelay $0x1  }
0x20f: {  	v1 =	vadd.f32 v2, v1;
	v2 =	vmul.f32 v61, v3;
	_ =	sdelay $0x1  }
0x210: {  	v1 =	vadd.f32 v2, v1;
	v2 =	vmul.f32 v63, v62;
	_ =	sdelay $0x1  }
0x211: {  	v1 =	vadd.f32 v2, v1  }
0x212: {  	s16 =	simm.s32 $0x14F00  }
0x213: {  	s13 =	simm.s32 $0x110;
	[tilespmem:s16+$0x0] =	vst v1  }
0x214: {  	v1 =	vld [tilespmem:s13+$0x0]  }
0x215: {  	s14 =	simm.s32 $0x310  }
0x216: {  	s23 =	simm.s32 $0x20;
	s21 =	simm.s32 $0x10;
	v2 =	vld [tilespmem:s14+$0x0]  }
.LBB2_6:
0x217: {  	p0 =	sne.s32 s23, $0x70;
	v3 =	vmov s21;
	s21 =	smov.u32 s23  }
0x218: {  	v3 =	vshll.u32 v3, $0x7  }
0x219: {  	v4 =	vand.u32 $0x7F, v1;
	v3 =	vor.u32 v0, v3;
	v5 =	vadd.s32 $0xFFF0C1C0, v1  }
0x21a: {  	v4 =	vor.u32 v3, v4;
	vm0 =	vgt.s32 v5, $0x0  }
0x21b: {  	v6 =	vand.u32 $0x7F, v2;
	v5 =	vnsel vm0, $0x0, v5;
	v7 =	vadd.s32 $0xFFF0C1C0, v2  }
0x21c: {  	v3 =	vor.u32 v3, v6;
	vm0 =	vgt.s32 v7, $0x0  }
0x21d: {  	v6 =	vnsel vm0, $0x0, v7;
	_ =	sdelay $0x1  }
0x21e: {  	v4 =	vld.idx.msk [tilespmem:v4+s22+$0x0], $0xffff  }
0x21f: {  	v5 =	vld.idx.msk [tilespmem:v5+s17+$0x0], $0xffff  }
0x220: {  	v3 =	vld.idx.msk [tilespmem:v3+s24+$0x0], $0xffff  }
0x221: {  	s2 =	sadd.s32 $0x10, s2;
	v6 =	vld.idx.msk [tilespmem:v6+s19+$0x0], $0xffff  }
0x222: {  	s15 =	sadd.s32 $0x10, s15;
	v7 =	vld [tilespmem:s2+$0xFFFFF000]  }
0x223: {  	v8 =	vld [tilespmem:s15+$0xFFFFF000]  }
0x224: {  	v9 =	vld [tilespmem:s2+$0xFFFFF080]  }
0x225: {  	v10 =	vld [tilespmem:s15+$0xFFFFF080]  }
0x226: {  	vm1 =	vgt.s32 v2, $0xF3E3F;
	vm0 =	vgt.s32 v1, $0xF3E3F;
	v1 =	vld [tilespmem:s2+$0xFFFFF100]  }
0x227: {  	v2 =	vsel vm0, v5, v4;
	v3 =	vsel vm1, v6, v3;
	v4 =	vld [tilespmem:s15+$0xFFFFF100]  }
0x228: {  	v2 =	vadd.f32 v3, v2;
	v3 =	vmul.f32 v8, v7;
	v5 =	vld [tilespmem:s2+$0xFFFFF180]  }
0x229: {  	v6 =	vld [tilespmem:s15+$0xFFFFF180]  }
0x22a: {  	v2 =	vadd.f32 v3, v2;
	v3 =	vmul.f32 v10, v9;
	v7 =	vld [tilespmem:s2+$0xFFFFF200]  }
0x22b: {  	v8 =	vld [tilespmem:s15+$0xFFFFF200]  }
0x22c: {  	v2 =	vadd.f32 v3, v2;
	v1 =	vmul.f32 v4, v1;
	v3 =	vld [tilespmem:s2+$0xFFFFF280]  }
0x22d: {  	v4 =	vld [tilespmem:s15+$0xFFFFF280]  }
0x22e: {  	v1 =	vadd.f32 v1, v2;
	v2 =	vmul.f32 v6, v5;
	v5 =	vld [tilespmem:s2+$0xFFFFF300]  }
0x22f: {  	v6 =	vld [tilespmem:s15+$0xFFFFF300]  }
0x230: {  	v1 =	vadd.f32 v2, v1;
	v2 =	vmul.f32 v8, v7;
	v7 =	vld [tilespmem:s2+$0xFFFFF380]  }
0x231: {  	v8 =	vld [tilespmem:s15+$0xFFFFF380]  }
0x232: {  	v1 =	vadd.f32 v2, v1;
	v2 =	vmul.f32 v4, v3;
	v3 =	vld [tilespmem:s2+$0x0]  }
0x233: {  	v4 =	vld [tilespmem:s15+$0x0]  }
0x234: {  	v1 =	vadd.f32 v2, v1;
	v2 =	vmul.f32 v6, v5;
	v5 =	vld [tilespmem:s2+$0x80]  }
0x235: {  	v6 =	vld [tilespmem:s15+$0x80]  }
0x236: {  	v1 =	vadd.f32 v2, v1;
	v2 =	vmul.f32 v8, v7;
	v7 =	vld [tilespmem:s2+$0x100]  }
0x237: {  	v8 =	vld [tilespmem:s15+$0x100]  }
0x238: {  	v1 =	vadd.f32 v2, v1;
	v2 =	vmul.f32 v4, v3;
	v3 =	vld [tilespmem:s2+$0x180]  }
0x239: {  	v4 =	vld [tilespmem:s15+$0x180]  }
0x23a: {  	v1 =	vadd.f32 v2, v1;
	v2 =	vmul.f32 v6, v5;
	v5 =	vld [tilespmem:s2+$0x200]  }
0x23b: {  	v6 =	vld [tilespmem:s15+$0x200]  }
0x23c: {  	v1 =	vadd.f32 v2, v1;
	v2 =	vmul.f32 v8, v7;
	v7 =	vld [tilespmem:s2+$0x280]  }
0x23d: {  	v8 =	vld [tilespmem:s15+$0x280]  }
0x23e: {  	v1 =	vadd.f32 v2, v1;
	v2 =	vmul.f32 v4, v3;
	v3 =	vld [tilespmem:s2+$0x300]  }
0x23f: {  	v4 =	vld [tilespmem:s15+$0x300]  }
0x240: {  	v1 =	vadd.f32 v2, v1;
	v2 =	vmul.f32 v6, v5;
	v5 =	vld [tilespmem:s2+$0x380]  }
0x241: {  	v6 =	vld [tilespmem:s15+$0x380]  }
0x242: {  	v1 =	vadd.f32 v2, v1;
	v2 =	vmul.f32 v8, v7;
	_ =	sdelay $0x1  }
0x243: {  	v1 =	vadd.f32 v2, v1;
	v2 =	vmul.f32 v4, v3;
	_ =	sdelay $0x1  }
0x244: {  	v1 =	vadd.f32 v2, v1;
	v2 =	vmul.f32 v6, v5;
	_ =	sdelay $0x1  }
0x245: {  	v1 =	vadd.f32 v2, v1  }
.Ltmp2:
0x246: {  	s16 =	sadd.s32 $0x10, s16;
	(pc) =	sbr.rel @p0 .LBB2_6-.Ltmp2, $4  }
0x247: {  	s13 =	sadd.s32 $0x10, s13;
	[tilespmem:s16+$0x0] =	vst v1  }
0x248: {  	v1 =	vld [tilespmem:s13+$0x0]  }
0x249: {  	s14 =	sadd.s32 $0x10, s14  }
0x24a: {  	s23 =	sadd.s32 $0x10, s23;
	v2 =	vld [tilespmem:s14+$0x0]  }
0x24b: {  	v3 =	vmov s21  }
0x24c: {  	v3 =	vshll.u32 v3, $0x7  }
0x24d: {  	v4 =	vand.u32 $0x7F, v1;
	v3 =	vor.u32 v0, v3;
	v5 =	vadd.s32 $0xFFF0C1C0, v1  }
0x24e: {  	v4 =	vor.u32 v3, v4;
	vm0 =	vgt.s32 v5, $0x0  }
0x24f: {  	v6 =	vand.u32 $0x7F, v2;
	v5 =	vnsel vm0, $0x0, v5;
	v7 =	vadd.s32 $0xFFF0C1C0, v2  }
0x250: {  	v3 =	vor.u32 v3, v6;
	vm10 =	vgt.s32 v7, $0x0  }
0x251: {  	s13 =	sadd.s32 $0x10, s15;
	v6 =	vnsel vm10, $0x0, v7  }
0x252: {  	v8 =	vld [tilespmem:s13+$0xFFFFF000]  }
0x253: {  	v4 =	vld.idx.msk [tilespmem:v4+s22+$0x0], $0xffff  }
0x254: {  	v5 =	vld.idx.msk [tilespmem:v5+s17+$0x0], $0xffff  }
0x255: {  	v3 =	vld.idx.msk [tilespmem:v3+s24+$0x0], $0xffff  }
0x256: {  	s2 =	sadd.s32 $0x10, s2;
	v6 =	vld.idx.msk [tilespmem:v6+s19+$0x0], $0xffff  }
0x257: {  	v7 =	vld [tilespmem:s2+$0xFFFFF000]  }
0x258: {  	v9 =	vld [tilespmem:s2+$0xFFFFF080]  }
0x259: {  	v10 =	vld [tilespmem:s13+$0xFFFFF080]  }
0x25a: {  	vm11 =	vgt.s32 v1, $0xF3E3F;
	v1 =	vld [tilespmem:s2+$0xFFFFF100];
	vm1 =	vgt.s32 v2, $0xF3E3F  }
0x25b: {  	v2 =	vsel vm11, v5, v4;
	v4 =	vld [tilespmem:s13+$0xFFFFF100];
	v3 =	vsel vm1, v6, v3  }
0x25c: {  	v5 =	vld [tilespmem:s2+$0xFFFFF180];
	v2 =	vadd.f32 v3, v2;
	v3 =	vmul.f32 v8, v7  }
0x25d: {  	v6 =	vld [tilespmem:s13+$0xFFFFF180]  }
0x25e: {  	v7 =	vld [tilespmem:s2+$0xFFFFF200];
	v2 =	vadd.f32 v3, v2;
	v3 =	vmul.f32 v10, v9  }
0x25f: {  	v8 =	vld [tilespmem:s13+$0xFFFFF200]  }
0x260: {  	v1 =	vmul.f32 v4, v1;
	v4 =	vld [tilespmem:s13+$0xFFFFF280];
	v2 =	vadd.f32 v3, v2  }
0x261: {  	v3 =	vld [tilespmem:s2+$0xFFFFF280]  }
0x262: {  	v1 =	vadd.f32 v1, v2;
	v2 =	vmul.f32 v6, v5;
	v5 =	vld [tilespmem:s2+$0xFFFFF300]  }
0x263: {  	v6 =	vld [tilespmem:s13+$0xFFFFF300]  }
0x264: {  	v1 =	vadd.f32 v2, v1;
	v2 =	vmul.f32 v8, v7;
	v7 =	vld [tilespmem:s2+$0xFFFFF380]  }
0x265: {  	v8 =	vld [tilespmem:s13+$0xFFFFF380]  }
0x266: {  	v1 =	vadd.f32 v2, v1;
	v2 =	vmul.f32 v4, v3;
	v3 =	vld [tilespmem:s2+$0x0]  }
0x267: {  	v4 =	vld [tilespmem:s13+$0x0]  }
0x268: {  	v1 =	vadd.f32 v2, v1;
	v2 =	vmul.f32 v6, v5;
	v5 =	vld [tilespmem:s2+$0x80]  }
0x269: {  	v6 =	vld [tilespmem:s13+$0x80]  }
0x26a: {  	v1 =	vadd.f32 v2, v1;
	v2 =	vmul.f32 v8, v7;
	v7 =	vld [tilespmem:s2+$0x100]  }
0x26b: {  	v8 =	vld [tilespmem:s13+$0x100]  }
0x26c: {  	v1 =	vadd.f32 v2, v1;
	v2 =	vmul.f32 v4, v3;
	v3 =	vld [tilespmem:s2+$0x180]  }
0x26d: {  	v4 =	vld [tilespmem:s13+$0x180]  }
0x26e: {  	v1 =	vadd.f32 v2, v1;
	v2 =	vmul.f32 v6, v5;
	v5 =	vld [tilespmem:s2+$0x200]  }
0x26f: {  	v6 =	vld [tilespmem:s13+$0x200]  }
0x270: {  	v1 =	vadd.f32 v2, v1;
	v2 =	vmul.f32 v8, v7;
	v7 =	vld [tilespmem:s2+$0x280]  }
0x271: {  	v8 =	vld [tilespmem:s13+$0x280]  }
0x272: {  	v1 =	vadd.f32 v2, v1;
	v2 =	vmul.f32 v4, v3;
	v3 =	vld [tilespmem:s2+$0x300]  }
0x273: {  	v4 =	vld [tilespmem:s13+$0x300]  }
0x274: {  	v1 =	vadd.f32 v2, v1;
	v2 =	vmul.f32 v6, v5;
	v5 =	vld [tilespmem:s2+$0x380]  }
0x275: {  	v6 =	vld [tilespmem:s13+$0x380]  }
0x276: {  	v1 =	vadd.f32 v2, v1;
	v2 =	vmul.f32 v8, v7;
	_ =	sdelay $0x1  }
0x277: {  	v1 =	vadd.f32 v2, v1;
	v2 =	vmul.f32 v4, v3;
	_ =	sdelay $0x1  }
0x278: {  	v1 =	vadd.f32 v2, v1;
	v2 =	vmul.f32 v6, v5;
	_ =	sdelay $0x1  }
0x279: {  	v1 =	vadd.f32 v2, v1  }
0x27a: {  	s21 =	sadd.s32 $0x10, s16  }
0x27b: {  	[tilespmem:s21+$0x0] =	vst v1  }
0x27c: {  	_ =	swait.ge [sflag:s25], $0x4000  }
0x27d: {  	[sflag:s25] =	ssyncset.done $0x0  }
0x27e: {  	[sflag:s25] =	ssyncadd.s32 $0xFFFFC000  }
0x27f: {  	_ =	swait.ge [sflag:s25], $0x4000  }
0x280: {  	[sflag:s25] =	ssyncset.done $0x0  }
0x281: {  	s2 =	simm.s32 $0xF80;
	[sflag:s25] =	ssyncadd.s32 $0xFFFFC000  }
0x282: {  	v3 =	vld [tilespmem:s2+$0xFFFFF200]  }
0x283: {  	v4 =	vld [tilespmem:s2+$0xFFFFF400]  }
0x284: {  	s23 =	simm.s32 $0x0  }
0x285: {  	v1 =	vmov s23  }
0x286: {  	v1 =	vshll.u32 v1, $0x7  }
0x287: {  	v1 =	vor.u32 v0, v1;
	v2 =	vadd.s32 $0xFFF0C1C0, v3;
	v5 =	vand.u32 $0x7F, v3  }
0x288: {  	v7 =	vadd.s32 $0xFFF0C1C0, v4;
	vm12 =	vgt.s32 v2, $0x0;
	v5 =	vor.u32 v1, v5  }
0x289: {  	vm13 =	vgt.s32 v7, $0x0;
	v6 =	vnsel vm12, $0x0, v2  }
0x28a: {  	v9 =	vld [tilespmem:s2+$0x10A80];
	v2 =	vand.u32 $0x7F, v4;
	v7 =	vnsel vm13, $0x0, v7  }
0x28b: {  	v10 =	vld [tilespmem:s2+$0x12A80];
	v8 =	vor.u32 v1, v2  }
0x28c: {  	v11 =	vld [tilespmem:s2+$0x10B00]  }
0x28d: {  	v5 =	vld.idx.msk [tilespmem:v5+s28+$0x0], $0xffff  }
0x28e: {  	v6 =	vld.idx.msk [tilespmem:v6+s17+$0x0], $0xffff  }
0x28f: {  	v7 =	vld.idx.msk [tilespmem:v7+s19+$0x0], $0xffff  }
0x290: {  	v8 =	vld.idx.msk [tilespmem:v8+s30+$0x0], $0xffff  }
0x291: {  	v12 =	vld [tilespmem:s2+$0x12B00]  }
0x292: {  	v63 =	vld [tilespmem:s2+$0x13C80]  }
0x293: {  	vm14 =	vgt.s32 v3, $0xF3E3F;
	v3 =	vld [tilespmem:s2+$0x10B80]  }
0x294: {  	vm15 =	vgt.s32 v4, $0xF3E3F;
	v1 =	vld [tilespmem:s2+$0x11E00]  }
0x295: {  	v4 =	vsel vm14, v6, v5;
	v6 =	vld [tilespmem:s2+$0x12B80];
	v5 =	vsel vm15, v7, v8  }
0x296: {  	v7 =	vld [tilespmem:s2+$0x10C00];
	v4 =	vadd.f32 v5, v4;
	v5 =	vmul.f32 v10, v9  }
0x297: {  	v8 =	vld [tilespmem:s2+$0x12C00]  }
0x298: {  	v9 =	vld [tilespmem:s2+$0x10C80];
	v4 =	vadd.f32 v5, v4;
	v5 =	vmul.f32 v12, v11  }
0x299: {  	v10 =	vld [tilespmem:s2+$0x12C80]  }
0x29a: {  	v3 =	vmul.f32 v6, v3;
	v6 =	vld [tilespmem:s2+$0x12D00];
	v4 =	vadd.f32 v5, v4  }
0x29b: {  	v5 =	vld [tilespmem:s2+$0x10D00]  }
0x29c: {  	v3 =	vadd.f32 v3, v4;
	v4 =	vmul.f32 v8, v7;
	v7 =	vld [tilespmem:s2+$0x10D80]  }
0x29d: {  	v8 =	vld [tilespmem:s2+$0x12D80]  }
0x29e: {  	v3 =	vadd.f32 v4, v3;
	v4 =	vmul.f32 v10, v9;
	v9 =	vld [tilespmem:s2+$0x10E00]  }
0x29f: {  	v10 =	vld [tilespmem:s2+$0x12E00]  }
0x2a0: {  	v3 =	vadd.f32 v4, v3;
	v4 =	vmul.f32 v6, v5;
	v5 =	vld [tilespmem:s2+$0x11A80]  }
0x2a1: {  	v6 =	vld [tilespmem:s2+$0x13A80]  }
0x2a2: {  	v3 =	vadd.f32 v4, v3;
	v4 =	vmul.f32 v8, v7;
	v7 =	vld [tilespmem:s2+$0x11B00]  }
0x2a3: {  	v8 =	vld [tilespmem:s2+$0x13B00]  }
0x2a4: {  	v3 =	vadd.f32 v4, v3;
	v4 =	vmul.f32 v10, v9;
	v9 =	vld [tilespmem:s2+$0x11B80]  }
0x2a5: {  	v10 =	vld [tilespmem:s2+$0x13B80]  }
0x2a6: {  	v11 =	vld [tilespmem:s2+$0x13C00];
	v3 =	vadd.f32 v4, v3;
	v4 =	vmul.f32 v6, v5  }
0x2a7: {  	v5 =	vld [tilespmem:s2+$0x11C00]  }
0x2a8: {  	v2 =	vld [tilespmem:s2+$0x11D80];
	v3 =	vadd.f32 v4, v3;
	v4 =	vmul.f32 v8, v7  }
0x2a9: {  	v7 =	vld [tilespmem:s2+$0x11C80]  }
0x2aa: {  	v6 =	vld [tilespmem:s2+$0x13D00];
	v8 =	vmul.f32 v10, v9;
	v3 =	vadd.f32 v4, v3  }
0x2ab: {  	v4 =	vld [tilespmem:s2+$0x11D00]  }
0x2ac: {  	s13 =	simm.s32 $0xF90;
	v9 =	vmul.f32 v11, v5;
	v5 =	vld [tilespmem:s2+$0x13D80];
	v8 =	vadd.f32 v8, v3  }
0x2ad: {  	v3 =	vld [tilespmem:s13+$0xFFFFF200]  }
0x2ae: {  	v8 =	vadd.f32 v9, v8;
	v9 =	vmul.f32 v63, v7;
	v7 =	vld [tilespmem:s2+$0x13E00]  }
0x2af: {  	s15 =	simm.s32 $0x3E80;
	s14 =	simm.s32 $0x10  }
.LBB2_8:
0x2b0: {  	p0 =	sne.s32 s15, $0x3FC0;
	v10 =	vmov s14;
	v11 =	vld [tilespmem:s13+$0xFFFFF400];
	v8 =	vadd.f32 v9, v8;
	v4 =	vmul.f32 v6, v4  }
0x2b1: {  	v6 =	vshll.u32 v10, $0x7  }
0x2b2: {  	v2 =	vmul.f32 v5, v2;
	v9 =	vadd.s32 $0xFFF0C1C0, v3;
	v4 =	vadd.f32 v4, v8  }
0x2b3: {  	v5 =	vor.u32 v0, v6;
	vm0 =	vgt.s32 v9, $0x0;
	v1 =	vmul.f32 v7, v1  }
0x2b4: {  	v6 =	vand.u32 $0x7F, v3;
	v7 =	vnsel vm0, $0x0, v9;
	v2 =	vadd.f32 v2, v4  }
0x2b5: {  	v4 =	vor.u32 v5, v6;
	v6 =	vand.u32 $0x7F, v11;
	v8 =	vadd.s32 $0xFFF0C1C0, v11  }
0x2b6: {  	v5 =	vor.u32 v5, v6;
	vm0 =	vgt.s32 v8, $0x0;
	v6 =	vadd.f32 v1, v2  }
0x2b7: {  	v8 =	vnsel vm0, $0x0, v8;
	v1 =	vld [tilespmem:s13+$0x11E00]  }
0x2b8: {  	v2 =	vld [tilespmem:s13+$0x11D80];
	[tilespmem:s2+$0x14000] =	vst v6;
	s2 =	smov.u32 s13  }
0x2b9: {  	v6 =	vld.idx.msk [tilespmem:v7+s17+$0x0], $0xffff  }
0x2ba: {  	v4 =	vld.idx.msk [tilespmem:v4+s28+$0x0], $0xffff  }
0x2bb: {  	v5 =	vld.idx.msk [tilespmem:v5+s30+$0x0], $0xffff  }
0x2bc: {  	v7 =	vld.idx.msk [tilespmem:v8+s19+$0x0], $0xffff  }
0x2bd: {  	v8 =	vld [tilespmem:s2+$0x10A80]  }
0x2be: {  	v9 =	vld [tilespmem:s2+$0x12A80]  }
0x2bf: {  	v10 =	vld [tilespmem:s2+$0x10B00]  }
0x2c0: {  	v12 =	vld [tilespmem:s2+$0x12B00]  }
0x2c1: {  	vm1 =	vgt.s32 v11, $0xF3E3F;
	vm0 =	vgt.s32 v3, $0xF3E3F;
	v3 =	vld [tilespmem:s2+$0x10B80]  }
0x2c2: {  	v4 =	vsel vm0, v6, v4;
	v5 =	vsel vm1, v7, v5;
	v6 =	vld [tilespmem:s2+$0x12B80]  }
0x2c3: {  	v4 =	vadd.f32 v5, v4;
	v5 =	vmul.f32 v9, v8;
	v7 =	vld [tilespmem:s2+$0x10C00]  }
0x2c4: {  	v8 =	vld [tilespmem:s2+$0x12C00]  }
0x2c5: {  	v4 =	vadd.f32 v5, v4;
	v5 =	vmul.f32 v12, v10;
	v9 =	vld [tilespmem:s2+$0x10C80]  }
0x2c6: {  	v10 =	vld [tilespmem:s2+$0x12C80]  }
0x2c7: {  	v4 =	vadd.f32 v5, v4;
	v3 =	vmul.f32 v6, v3;
	v5 =	vld [tilespmem:s2+$0x10D00]  }
0x2c8: {  	v6 =	vld [tilespmem:s2+$0x12D00]  }
0x2c9: {  	v3 =	vadd.f32 v3, v4;
	v4 =	vmul.f32 v8, v7;
	v7 =	vld [tilespmem:s2+$0x10D80]  }
0x2ca: {  	v8 =	vld [tilespmem:s2+$0x12D80]  }
0x2cb: {  	v3 =	vadd.f32 v4, v3;
	v4 =	vmul.f32 v10, v9;
	v9 =	vld [tilespmem:s2+$0x10E00]  }
0x2cc: {  	v10 =	vld [tilespmem:s2+$0x12E00]  }
0x2cd: {  	v3 =	vadd.f32 v4, v3;
	v4 =	vmul.f32 v6, v5;
	v5 =	vld [tilespmem:s2+$0x11A80]  }
0x2ce: {  	v6 =	vld [tilespmem:s2+$0x13A80]  }
0x2cf: {  	v3 =	vadd.f32 v4, v3;
	v4 =	vmul.f32 v8, v7;
	v7 =	vld [tilespmem:s2+$0x11B00]  }
0x2d0: {  	v8 =	vld [tilespmem:s2+$0x13B00]  }
0x2d1: {  	v3 =	vadd.f32 v4, v3;
	v4 =	vmul.f32 v10, v9;
	v9 =	vld [tilespmem:s2+$0x11B80]  }
0x2d2: {  	v10 =	vld [tilespmem:s2+$0x13B80]  }
0x2d3: {  	v3 =	vadd.f32 v4, v3;
	v4 =	vmul.f32 v6, v5;
	v5 =	vld [tilespmem:s2+$0x11C00]  }
0x2d4: {  	v11 =	vld [tilespmem:s2+$0x13C00]  }
0x2d5: {  	v3 =	vadd.f32 v4, v3;
	v4 =	vmul.f32 v8, v7;
	v7 =	vld [tilespmem:s2+$0x11C80]  }
0x2d6: {  	v12 =	vld [tilespmem:s2+$0x13C80]  }
0x2d7: {  	v3 =	vadd.f32 v4, v3;
	v8 =	vmul.f32 v10, v9;
	v4 =	vld [tilespmem:s2+$0x11D00]  }
.Ltmp3:
0x2d8: {  	v6 =	vld [tilespmem:s2+$0x13D00];
	(pc) =	sbr.rel @p0 .LBB2_8-.Ltmp3, $4  }
0x2d9: {  	s13 =	sshra.s32 s15, $0x2;
	v8 =	vadd.f32 v8, v3;
	v9 =	vmul.f32 v11, v5;
	v5 =	vld [tilespmem:s2+$0x13D80]  }
0x2da: {  	v3 =	vld [tilespmem:s13+$0xFFFFF200]  }
0x2db: {  	v8 =	vadd.f32 v9, v8;
	v9 =	vmul.f32 v12, v7;
	v7 =	vld [tilespmem:s2+$0x13E00]  }
0x2dc: {  	s14 =	sadd.s32 $0x10, s14;
	s15 =	sadd.s32 $0x40, s15  }
0x2dd: {  	v10 =	vmov s14;
	v8 =	vadd.f32 v9, v8;
	v4 =	vmul.f32 v6, v4  }
0x2de: {  	v11 =	vld [tilespmem:s13+$0xFFFFF400];
	v23 =	vshll.u32 v10, $0x7  }
0x2df: {  	v2 =	vmul.f32 v5, v2;
	v24 =	vadd.s32 $0xFFF0C1C0, v3;
	v4 =	vadd.f32 v4, v8  }
0x2e0: {  	v25 =	vor.u32 v0, v23;
	v26 =	vand.u32 $0x7F, v3;
	vm0 =	vgt.s32 v24, $0x0  }
0x2e1: {  	v1 =	vmul.f32 v7, v1;
	v27 =	vnsel vm0, $0x0, v24;
	v2 =	vadd.f32 v2, v4  }
0x2e2: {  	v28 =	vor.u32 v25, v26  }
0x2e3: {  	v29 =	vand.u32 $0x7F, v11;
	v30 =	vadd.s32 $0xFFF0C1C0, v11;
	v1 =	vadd.f32 v1, v2  }
0x2e4: {  	v32 =	vld [tilespmem:s13+$0x11D80];
	v5 =	vor.u32 v25, v29;
	vm14 =	vgt.s32 v30, $0x0  }
0x2e5: {  	v2 =	vld [tilespmem:s13+$0x11E00];
	v31 =	vnsel vm14, $0x0, v30;
	[tilespmem:s2+$0x14000] =	vst v1  }
0x2e6: {  	v1 =	vld.idx.msk [tilespmem:v27+s17+$0x0], $0xffff  }
0x2e7: {  	v4 =	vld.idx.msk [tilespmem:v28+s28+$0x0], $0xffff  }
0x2e8: {  	v33 =	vld [tilespmem:s13+$0x10A80]  }
0x2e9: {  	v5 =	vld.idx.msk [tilespmem:v5+s30+$0x0], $0xffff  }
0x2ea: {  	v6 =	vld.idx.msk [tilespmem:v31+s19+$0x0], $0xffff  }
0x2eb: {  	v34 =	vld [tilespmem:s13+$0x12A80]  }
0x2ec: {  	v35 =	vld [tilespmem:s13+$0x10B00]  }
0x2ed: {  	v12 =	vld [tilespmem:s13+$0x12B00]  }
0x2ee: {  	vm15 =	vgt.s32 v3, $0xF3E3F;
	vm1 =	vgt.s32 v11, $0xF3E3F;
	v3 =	vld [tilespmem:s13+$0x10B80]  }
0x2ef: {  	v37 =	vld [tilespmem:s13+$0x12B80];
	v1 =	vsel vm15, v1, v4;
	v36 =	vsel vm1, v6, v5  }
0x2f0: {  	v39 =	vld [tilespmem:s13+$0x10C00];
	v38 =	vmul.f32 v34, v33;
	v1 =	vadd.f32 v36, v1  }
0x2f1: {  	v40 =	vld [tilespmem:s13+$0x12C00]  }
0x2f2: {  	v42 =	vld [tilespmem:s13+$0x10C80];
	v41 =	vmul.f32 v12, v35;
	v1 =	vadd.f32 v38, v1  }
0x2f3: {  	v43 =	vld [tilespmem:s13+$0x12C80]  }
0x2f4: {  	v44 =	vld [tilespmem:s13+$0x10D00];
	v3 =	vmul.f32 v37, v3;
	v1 =	vadd.f32 v41, v1  }
0x2f5: {  	v45 =	vld [tilespmem:s13+$0x12D00]  }
0x2f6: {  	v46 =	vld [tilespmem:s13+$0x10D80];
	v1 =	vadd.f32 v3, v1;
	v3 =	vmul.f32 v40, v39  }
0x2f7: {  	v47 =	vld [tilespmem:s13+$0x12D80]  }
0x2f8: {  	v48 =	vld [tilespmem:s13+$0x10E00];
	v1 =	vadd.f32 v3, v1;
	v3 =	vmul.f32 v43, v42  }
0x2f9: {  	v49 =	vld [tilespmem:s13+$0x12E00]  }
0x2fa: {  	v50 =	vld [tilespmem:s13+$0x11A80];
	v1 =	vadd.f32 v3, v1;
	v3 =	vmul.f32 v45, v44  }
0x2fb: {  	v51 =	vld [tilespmem:s13+$0x13A80]  }
0x2fc: {  	v52 =	vld [tilespmem:s13+$0x11B00];
	v1 =	vadd.f32 v3, v1;
	v3 =	vmul.f32 v47, v46  }
0x2fd: {  	v53 =	vld [tilespmem:s13+$0x13B00]  }
0x2fe: {  	v54 =	vld [tilespmem:s13+$0x11B80];
	v1 =	vadd.f32 v3, v1;
	v3 =	vmul.f32 v49, v48  }
0x2ff: {  	v55 =	vld [tilespmem:s13+$0x13B80]  }
0x300: {  	v56 =	vld [tilespmem:s13+$0x11C00];
	v1 =	vadd.f32 v3, v1;
	v3 =	vmul.f32 v51, v50  }
0x301: {  	v57 =	vld [tilespmem:s13+$0x13C00]  }
0x302: {  	v58 =	vld [tilespmem:s13+$0x11C80];
	v1 =	vadd.f32 v3, v1;
	v3 =	vmul.f32 v53, v52  }
0x303: {  	v59 =	vld [tilespmem:s13+$0x13C80]  }
0x304: {  	v60 =	vld [tilespmem:s13+$0x11D00];
	v1 =	vadd.f32 v3, v1;
	v3 =	vmul.f32 v55, v54  }
0x305: {  	v61 =	vld [tilespmem:s13+$0x13D00]  }
0x306: {  	v1 =	vadd.f32 v3, v1;
	v3 =	vmul.f32 v57, v56  }
0x307: {  	v62 =	vld [tilespmem:s13+$0x13D80]  }
0x308: {  	v1 =	vadd.f32 v3, v1;
	v3 =	vmul.f32 v59, v58  }
0x309: {  	v63 =	vld [tilespmem:s13+$0x13E00]  }
0x30a: {  	v1 =	vadd.f32 v3, v1;
	v3 =	vmul.f32 v61, v60;
	_ =	sdelay $0x1  }
0x30b: {  	v1 =	vadd.f32 v3, v1;
	v3 =	vmul.f32 v62, v32;
	_ =	sdelay $0x1  }
0x30c: {  	v2 =	vmul.f32 v63, v2;
	v1 =	vadd.f32 v3, v1;
	_ =	sdelay $0x1  }
0x30d: {  	s0 =	sadd.s32 $0x1, s0;
	v1 =	vadd.f32 v2, v1  }
0x30e: {  	p0 =	sne.s32 s0, s12  }
.Ltmp4:
0x30f: {  	[tilespmem:s13+$0x14000] =	vst v1;
	(pc) =	sbr.rel @p0 .LBB2_1-.Ltmp4, $4  }
0x310: {  	[hbm4b:s11+s1] =	stream.linear.scatter [tilespmem:s31], [sflag:$0x2], $0x200, $0x38;
	[tilespmem:$0x15000] =	vst v63  }
0x311: {  	_ =	swait.ge [sflag:s18], $0x200  }
0x312: {  	[sflag:s18] =	ssyncset.done $0x0  }
0x313: {  	[sflag:s18] =	ssyncadd.s32 $0xFFFFFE00  }
0x314: {  	_ =	sfence.sel $0x180000  }
0x315: {  	[bflag:$0x0] =	sbarrier.arrive $0xFFFF  }
0x316: {  	_ =	strace $0x9000004D  }
0x317: {  	s0 =	stileid.u32;
	[bflag:$0x2] =	sbarrier.arrive $0xFFFF  }
0x318: {  	p0 =	sne.s32 s0, $0x0;
	s0 =	rddreg [dreg:$0x4]  }
0x319: {  	s0 =	sadd.s32 @!p0 $0x100000, s0  }
0x31a: {  	[sflag:s0] =	ssyncadd.tile.s32 @!p0 $0x1;
	_ =	shalt  }
.Lfunc_end2:
_tile_overlayer_lowered:
.L_overlay_start_2:
0x31b: {  	(tag) =	ssettag $0x2  }
0x31c: {  	s0 =	rddreg [dreg:$0x0];
	s2 =	stileid.u32  }
0x31d: {  	s1 =	rddreg [dreg:$0x1];
	p0 =	sne.s32 s2, $0x0  }
0x31e: {  	s3 =	rddreg [dreg:$0x2];
	[bflag:$0x3] =	sbarrier.arrive $0xFFFF;
	s2 =	simm.s32 @!p0 $0x1C02  }
0x31f: {  	[timem:s3], [sflag:s2] =	dma.local @!p0 [hbm:s0], s1  }
0x320: {  	s0 =	simm.s32 @!p0 $0x2  }
0x321: {  	_ =	swait.ge @!p0 [sflag:s0], s1  }
0x322: {  	s1 =	ssub.s32 @!p0 $0x0, s1;
	[sflag:s0] =	ssyncset.done @!p0 $0x0  }
0x323: {  	[sflag:s0] =	ssyncadd.s32 @!p0 s1  }
0x324: {  	[bflag:$0x3] =	sbarrier.arrive $0xFFFF  }
0x325: {  	_ =	shalt  }

</sc_bundles>
